<compile_context>
chip_gen: v7x
topology: tpu7x:2x2x1
jax: 0.10.2.dev20260603
libtpu: 0.0.44.dev20260713+nightly
codegen_flags: <defaults>
</compile_context>

<pallas_src>
import functools

import jax
import jax.numpy as jnp
from jax import lax
from jax.experimental import pallas as pl
from jax.experimental.pallas import tpu as pltpu
from jax.experimental.pallas import tpu_sc as plsc

N_ID = 13
N_DENSE = 13
EMB = 32
BATCH = 16384
VOCAB = 2000
NG = 4
PER_G = 4


def _make_sc_gather(batch: int):
    info = plsc.get_sparse_core_info()
    nw = info.num_cores * info.num_subcores
    n_rows = NG * PER_G * batch
    rows_per_w = n_rows // nw
    n_chunks = 8
    chunk = rows_per_w // n_chunks

    mesh = plsc.VectorSubcoreMesh(core_axis_name="c", subcore_axis_name="s")

    @functools.partial(
        pl.kernel,
        mesh=mesh,
        out_type=jax.ShapeDtypeStruct((n_rows, EMB), jnp.float32),
        scratch_types=[
            pltpu.VMEM((2, chunk), jnp.int32),
            pltpu.VMEM((2, chunk, EMB), jnp.float32),
            pltpu.SemaphoreType.DMA,
            pltpu.SemaphoreType.DMA,
        ],
        compiler_params=pltpu.CompilerParams(use_tc_tiling_on_sc=False,
                                             needs_layout_passes=False),
    )
    def gather_k(table_hbm, idx_hbm, out_hbm, idx_v, rows_v, s0, s1):
        wid = lax.axis_index("s") * info.num_cores + lax.axis_index("c")
        base = wid * rows_per_w
        wsems = [s0, s1]

        def chunk_body(c, slot):
            off = base + c * chunk
            pltpu.sync_copy(idx_hbm.at[pl.ds(off, chunk)], idx_v.at[slot])
            pltpu.async_copy(table_hbm.at[idx_v.at[slot]],
                             rows_v.at[slot], wsems[slot]).wait()
            return pltpu.async_copy(rows_v.at[slot],
                                    out_hbm.at[pl.ds(off, chunk)], wsems[slot])

        cps = [None, None]
        for c in range(n_chunks):
            slot = c % 2
            if cps[slot] is not None:
                cps[slot].wait()
            cps[slot] = chunk_body(c, slot)
        cps[0].wait()
        cps[1].wait()

    return gather_k


@functools.lru_cache(maxsize=None)
def _sc_gather_cached(batch: int):
    return _make_sc_gather(batch)


def _mlp_body(e_ref, d_ref, w1e_ref, w1d_ref, b1_ref, w2_ref, b2_ref,
              w3_ref, b3_ref, out_ref):
    x = jnp.dot(d_ref[...], w1d_ref[...], preferred_element_type=jnp.float32)
    e = jnp.concatenate([e_ref[k].astype(jnp.bfloat16) for k in range(NG)],
                        axis=1)
    x += jnp.dot(e, w1e_ref[...], preferred_element_type=jnp.float32)
    x += b1_ref[...]
    h = jnp.maximum(x, 0.0).astype(jnp.bfloat16)
    h = jnp.maximum(
        jnp.dot(h, w2_ref[...], preferred_element_type=jnp.float32)
        + b2_ref[...], 0.0).astype(jnp.bfloat16)
    out_ref[...] = (
        jnp.dot(h, w3_ref[...], preferred_element_type=jnp.float32)
        + b3_ref[...])


def _mlp(e3, d, w1e, w1d, b1, w2, b2, w3, b3, tb: int = 2048):
    batch = d.shape[0]
    grid = (batch // tb,)
    full2 = lambda shape: pl.BlockSpec(shape, lambda i: (0, 0))
    full3 = lambda shape: pl.BlockSpec(shape, lambda i: (0, 0, 0))
    return pl.pallas_call(
        _mlp_body,
        grid=grid,
        in_specs=[
            pl.BlockSpec((NG, tb, PER_G * EMB), lambda i: (0, i, 0)),
            pl.BlockSpec((tb, N_DENSE), lambda i: (i, 0)),
            full2(w1e.shape),
            full2(w1d.shape),
            full2(b1.shape),
            full2(w2.shape),
            full2(b2.shape),
            full2(w3.shape),
            full2(b3.shape),
        ],
        out_specs=pl.BlockSpec((tb, 1), lambda i: (i, 0)),
        out_shape=jax.ShapeDtypeStruct((batch, 1), jnp.float32),
    )(e3, d, w1e, w1d, b1, w2, b2, w3, b3)


def kernel(id_feature, dense_feature, base_embedding, W1, b1, W2, b2, W3, b3):
    bf = jnp.bfloat16
    ids13 = id_feature[:, :N_ID].astype(jnp.int32)
    ids16 = jnp.concatenate([ids13, ids13[:, :NG * PER_G - N_ID]], axis=1)
    d = dense_feature[:, -N_DENSE:].astype(bf)
    ew = N_ID * EMB
    w1a = W1[:ew] + W1[ew:2 * ew]
    w1d = (W1[2 * ew:2 * ew + N_DENSE] + W1[2 * ew + N_DENSE:]).astype(bf)
    w1e = jnp.pad(w1a, ((0, NG * PER_G * EMB - ew), (0, 0))).astype(bf)
    wargs = (w1e, w1d, b1.reshape(1, -1), W2.astype(bf), b2.reshape(1, -1),
             W3.astype(bf), b3.reshape(1, -1))

    hb = BATCH // 2
    gather = _sc_gather_cached(hb)
    outs = []
    rows = []
    for h in range(2):
        ids_h = (ids16[h * hb:(h + 1) * hb]
                 .reshape(hb, NG, PER_G).transpose(1, 0, 2).reshape(-1))
        rows.append(gather(base_embedding, ids_h))
    for h in range(2):
        e3 = rows[h].reshape(NG, hb, PER_G * EMB)
        outs.append(_mlp(e3, d[h * hb:(h + 1) * hb], *wargs))
    return jnp.concatenate(outs, axis=0)

# --- scband reference (transcript-rebuilt; emitter-appended) ---
"""Pipeline reference for scband-net-8229157339447 (READ-ONLY COPY).

The authoritative reference and input builder live on the scoring server;
editing this copy changes nothing except your own understanding.
"""

import jax, jax.numpy as jnp
import numpy as np

ID_LEN = 26
DENSE_LEN = 26
OB_ID = 13
OB_DENSE = 13
ACT_ID = 13
ACT_DENSE = 13
EMB = 32
INPUT_LEN = ID_LEN * EMB + DENSE_LEN  # 858
BATCH = 16384
VOCAB = 2000


def setup_inputs(seed: int = 0) -> dict:
    key = jax.random.key(seed)
    ks = jax.random.split(key, 10)
    id_feature = jax.random.randint(ks[0], (BATCH, ID_LEN), 0, VOCAB, dtype=jnp.int64 if jax.config.jax_enable_x64 else jnp.int32).astype(jnp.int32)
    dense_feature = jax.random.normal(ks[1], (BATCH, DENSE_LEN), dtype=jnp.float32)
    base_embedding = jax.random.normal(ks[2], (VOCAB, EMB), dtype=jnp.float32)
    W1 = jax.random.normal(ks[3], (INPUT_LEN, 512), dtype=jnp.float32) * 0.02
    b1 = jnp.zeros((512,), dtype=jnp.float32)
    W2 = jax.random.normal(ks[4], (512, 512), dtype=jnp.float32) * 0.02
    b2 = jnp.zeros((512,), dtype=jnp.float32)
    W3 = jax.random.normal(ks[5], (512, 1), dtype=jnp.float32) * 0.02
    b3 = jnp.zeros((1,), dtype=jnp.float32)
    return {"id_feature": id_feature, "dense_feature": dense_feature,
            "base_embedding": base_embedding,
            "W1": W1, "b1": b1, "W2": W2, "b2": b2, "W3": W3, "b3": b3}


def reference(id_feature, dense_feature, base_embedding, W1, b1, W2, b2, W3, b3):
    _id = id_feature.reshape(-1, ID_LEN)
    _dense = dense_feature.reshape(-1, DENSE_LEN)
    # ob ids: first OB_ID columns, flattened to (-1, 1)
    ob_id = _id[:, :OB_ID].reshape(-1, 1).astype(jnp.int32)
    ob_dense = _dense[:, -OB_DENSE:]
    # action ids: (module slices first ACT_ID columns, mirroring the torch code)
    action_id = _id[:, :ACT_ID].reshape(-1, 1).astype(jnp.int32)
    action_dense = _dense[:, -ACT_DENSE:]
    ob_emb = jnp.take(base_embedding, ob_id, axis=0).reshape(-1, OB_ID * EMB)
    act_emb = jnp.take(base_embedding, action_id, axis=0).reshape(-1, ACT_ID * EMB)
    batch_input = jnp.concatenate([ob_emb, act_emb, ob_dense, action_dense], axis=1)
    h = jax.nn.relu(batch_input @ W1 + b1)
    h = jax.nn.relu(h @ W2 + b2)
    out = h @ W3 + b3
    return out

if __name__ == "__main__":
    import jax
    _d = setup_inputs()
    print(jax.jit(kernel)(*tuple(_d.values())))

</pallas_src>

<mosaic_0001>
#map = affine_map<(d0, d1) -> (0, 0)>
#map1 = affine_map<(d0, d1) -> (0)>
module attributes {stable_mosaic.version = 14 : i64} {
  func.func @gather_k(%arg0: i32, %arg1: i32, %arg2: memref<2000x32xf32, #tpu.memory_space<hbm>>, %arg3: memref<131072xi32, #tpu.memory_space<hbm>>, %arg4: memref<131072x32xf32, #tpu.memory_space<hbm>>, %arg5: memref<2x512xi32, #tpu.memory_space<vmem>>, %arg6: memref<2x512x32xf32, #tpu.memory_space<vmem>>, %arg7: memref<!tpu.dma_semaphore, #tpu.memory_space<semaphore_mem>>, %arg8: memref<!tpu.dma_semaphore, #tpu.memory_space<semaphore_mem>>) attributes {dimension_semantics = [#tpu.dimension_semantics<core_parallel>, #tpu.dimension_semantics<subcore_parallel>], iteration_bounds = array<i64: 2, 16>, scalar_prefetch = 0 : i64, scratch_operands = 4 : i64, tpu.core_type = #tpu.core_type<sc_vector_subcore>, window_params = [{transform_indices = #map}, {transform_indices = #map1}, {transform_indices = #map}]} {
    %mul3A = arith.constant 2 : i32
    %mul3A_0 = arith.muli %arg1, %mul3A : i32
    %add3A = arith.addi %mul3A_0, %arg0 : i32
    %mul3A_1 = arith.constant 4096 : i32
    %mul3A_2 = arith.muli %add3A, %mul3A_1 : i32
    %add3A_3 = arith.constant 0 : i32
    %add3A_4 = arith.addi %mul3A_2, %add3A_3 : i32
    %run_scoped3A = arith.constant 0 : i32
    "tpu.region"() ({
      %run_scoped3A_424 = tpu.sem_alloc : memref<!tpu.dma_semaphore, #tpu.memory_space<semaphore_mem>>
      %dma_start3A_425 = arith.constant 0 : i32
      %dma_start3A_426 = tpu.memref_slice %arg5[%run_scoped3A, %dma_start3A_425] : memref<2x512xi32, #tpu.memory_space<vmem>> -> memref<1x512xi32, #tpu.memory_space<vmem>>
      %dma_start3A_427 = tpu.memref_squeeze %dma_start3A_426 : memref<1x512xi32, #tpu.memory_space<vmem>> -> memref<512xi32, #tpu.memory_space<vmem>>
      %dma_start3A_428 = tpu.memref_slice %arg3[%add3A_4] : memref<131072xi32, #tpu.memory_space<hbm>> -> memref<512xi32, #tpu.memory_space<hbm>>
      %dma_start3A_429 = arith.constant 0 : i32
      %dma_start3A_430 = tpu.memref_slice %arg5[%run_scoped3A, %dma_start3A_429] : memref<2x512xi32, #tpu.memory_space<vmem>> -> memref<1x512xi32, #tpu.memory_space<vmem>>
      %dma_start3A_431 = tpu.memref_squeeze %dma_start3A_430 : memref<1x512xi32, #tpu.memory_space<vmem>> -> memref<512xi32, #tpu.memory_space<vmem>>
      %dma_start3A_432 = tpu.memref_slice %arg3[%add3A_4] : memref<131072xi32, #tpu.memory_space<hbm>> -> memref<512xi32, #tpu.memory_space<hbm>>
      tpu.enqueue_dma source(%dma_start3A_432 : memref<512xi32, #tpu.memory_space<hbm>>) target(%dma_start3A_431 : memref<512xi32, #tpu.memory_space<vmem>>) target_semaphore(%run_scoped3A_424 : memref<!tpu.dma_semaphore, #tpu.memory_space<semaphore_mem>>)
      %dma_wait3A_433 = arith.constant 0 : i32
      %dma_wait3A_434 = tpu.memref_slice %arg5[%run_scoped3A, %dma_wait3A_433] : memref<2x512xi32, #tpu.memory_space<vmem>> -> memref<1x512xi32, #tpu.memory_space<vmem>>
      %dma_wait3A_435 = tpu.memref_squeeze %dma_wait3A_434 : memref<1x512xi32, #tpu.memory_space<vmem>> -> memref<512xi32, #tpu.memory_space<vmem>>
      %dma_wait3A_436 = tpu.memref_slice %arg3[%add3A_4] : memref<131072xi32, #tpu.memory_space<hbm>> -> memref<512xi32, #tpu.memory_space<hbm>>
      %dma_wait3A_437 = arith.constant 0 : i32
      %dma_wait3A_438 = tpu.memref_slice %arg5[%run_scoped3A, %dma_wait3A_437] : memref<2x512xi32, #tpu.memory_space<vmem>> -> memref<1x512xi32, #tpu.memory_space<vmem>>
      %dma_wait3A_439 = tpu.memref_squeeze %dma_wait3A_438 : memref<1x512xi32, #tpu.memory_space<vmem>> -> memref<512xi32, #tpu.memory_space<vmem>>
      %dma_wait3A_440 = tpu.memref_slice %arg3[%add3A_4] : memref<131072xi32, #tpu.memory_space<hbm>> -> memref<512xi32, #tpu.memory_space<hbm>>
      tpu.wait_dma2 semaphore(%run_scoped3A_424 : memref<!tpu.dma_semaphore, #tpu.memory_space<semaphore_mem>>) src(%dma_wait3A_440 : memref<512xi32, #tpu.memory_space<hbm>>) dst(%dma_wait3A_439 : memref<512xi32, #tpu.memory_space<vmem>>)
      tpu.yield
    }) : () -> ()
    %dma_start3A = arith.constant 0 : i32
    %dma_start3A_5 = arith.constant 0 : i32
    %dma_start3A_6 = arith.constant 0 : i32
    %dma_start3A_7 = arith.constant 0 : i32
    %dma_start3A_8 = tpu.memref_slice %arg6[%dma_start3A_5, %dma_start3A_6, %dma_start3A_7] : memref<2x512x32xf32, #tpu.memory_space<vmem>> -> memref<1x512x32xf32, #tpu.memory_space<vmem>>
    %dma_start3A_9 = tpu.memref_squeeze %dma_start3A_8 : memref<1x512x32xf32, #tpu.memory_space<vmem>> -> memref<512x32xf32, #tpu.memory_space<vmem>>
    %dma_start3A_10 = arith.constant 0 : i32
    %dma_start3A_11 = tpu.memref_slice %arg5[%dma_start3A, %dma_start3A_10] : memref<2x512xi32, #tpu.memory_space<vmem>> -> memref<1x512xi32, #tpu.memory_space<vmem>>
    %dma_start3A_12 = tpu.memref_squeeze %dma_start3A_11 : memref<1x512xi32, #tpu.memory_space<vmem>> -> memref<512xi32, #tpu.memory_space<vmem>>
    %dma_start3A_13 = arith.constant 0 : i32
    %dma_start3A_14 = arith.constant 0 : i32
    %dma_start3A_15 = tpu.memref_slice %arg2[%dma_start3A_13, %dma_start3A_14] : memref<2000x32xf32, #tpu.memory_space<hbm>> -> memref<2000x32xf32, #tpu.memory_space<hbm>>
    tpu.enqueue_indirect_dma source(%dma_start3A_15 : memref<2000x32xf32, #tpu.memory_space<hbm>>) target(%dma_start3A_9 : memref<512x32xf32, #tpu.memory_space<vmem>>) offsets(%dma_start3A_12 : memref<512xi32, #tpu.memory_space<vmem>>) semaphore(%arg7 : memref<!tpu.dma_semaphore, #tpu.memory_space<semaphore_mem>>)
    %dma_wait3A = arith.constant 0 : i32
    %dma_wait3A_16 = arith.constant 0 : i32
    %dma_wait3A_17 = arith.constant 0 : i32
    %dma_wait3A_18 = arith.constant 0 : i32
    %dma_wait3A_19 = tpu.memref_slice %arg6[%dma_wait3A_16, %dma_wait3A_17, %dma_wait3A_18] : memref<2x512x32xf32, #tpu.memory_space<vmem>> -> memref<1x512x32xf32, #tpu.memory_space<vmem>>
    %dma_wait3A_20 = tpu.memref_squeeze %dma_wait3A_19 : memref<1x512x32xf32, #tpu.memory_space<vmem>> -> memref<512x32xf32, #tpu.memory_space<vmem>>
    %dma_wait3A_21 = arith.constant 0 : i32
    %dma_wait3A_22 = tpu.memref_slice %arg5[%dma_wait3A, %dma_wait3A_21] : memref<2x512xi32, #tpu.memory_space<vmem>> -> memref<1x512xi32, #tpu.memory_space<vmem>>
    %dma_wait3A_23 = tpu.memref_squeeze %dma_wait3A_22 : memref<1x512xi32, #tpu.memory_space<vmem>> -> memref<512xi32, #tpu.memory_space<vmem>>
    %dma_wait3A_24 = arith.constant 0 : i32
    %dma_wait3A_25 = arith.constant 0 : i32
    %dma_wait3A_26 = tpu.memref_slice %arg2[%dma_wait3A_24, %dma_wait3A_25] : memref<2000x32xf32, #tpu.memory_space<hbm>> -> memref<2000x32xf32, #tpu.memory_space<hbm>>
    tpu.wait_indirect_dma semaphore(%arg7 : memref<!tpu.dma_semaphore, #tpu.memory_space<semaphore_mem>>) src(%dma_wait3A_26 : memref<2000x32xf32, #tpu.memory_space<hbm>>) dst(%dma_wait3A_20 : memref<512x32xf32, #tpu.memory_space<vmem>>)
    %dma_start3A_27 = arith.constant 0 : i32
    %dma_start3A_28 = arith.constant 0 : i32
    %dma_start3A_29 = arith.constant 0 : i32
    %dma_start3A_30 = tpu.memref_slice %arg6[%dma_start3A_27, %dma_start3A_28, %dma_start3A_29] : memref<2x512x32xf32, #tpu.memory_space<vmem>> -> memref<1x512x32xf32, #tpu.memory_space<vmem>>
    %dma_start3A_31 = tpu.memref_squeeze %dma_start3A_30 : memref<1x512x32xf32, #tpu.memory_space<vmem>> -> memref<512x32xf32, #tpu.memory_space<vmem>>
    %dma_start3A_32 = arith.constant 0 : i32
    %dma_start3A_33 = tpu.memref_slice %arg4[%add3A_4, %dma_start3A_32] : memref<131072x32xf32, #tpu.memory_space<hbm>> -> memref<512x32xf32, #tpu.memory_space<hbm>>
    %dma_start3A_34 = arith.constant 0 : i32
    %dma_start3A_35 = tpu.memref_slice %arg4[%add3A_4, %dma_start3A_34] : memref<131072x32xf32, #tpu.memory_space<hbm>> -> memref<512x32xf32, #tpu.memory_space<hbm>>
    %dma_start3A_36 = arith.constant 0 : i32
    %dma_start3A_37 = arith.constant 0 : i32
    %dma_start3A_38 = tpu.memref_slice %arg6[%dma_start3A_27, %dma_start3A_36, %dma_start3A_37] : memref<2x512x32xf32, #tpu.memory_space<vmem>> -> memref<1x512x32xf32, #tpu.memory_space<vmem>>
    %dma_start3A_39 = tpu.memref_squeeze %dma_start3A_38 : memref<1x512x32xf32, #tpu.memory_space<vmem>> -> memref<512x32xf32, #tpu.memory_space<vmem>>
    tpu.enqueue_dma source(%dma_start3A_39 : memref<512x32xf32, #tpu.memory_space<vmem>>) target(%dma_start3A_35 : memref<512x32xf32, #tpu.memory_space<hbm>>) target_semaphore(%arg7 : memref<!tpu.dma_semaphore, #tpu.memory_space<semaphore_mem>>)
    %add3A_40 = arith.constant 512 : i32
    %add3A_41 = arith.addi %mul3A_2, %add3A_40 : i32
    %run_scoped3A_42 = arith.constant 1 : i32
    "tpu.region"() ({
      %run_scoped3A_424 = tpu.sem_alloc : memref<!tpu.dma_semaphore, #tpu.memory_space<semaphore_mem>>
      %dma_start3A_425 = arith.constant 0 : i32
      %dma_start3A_426 = tpu.memref_slice %arg5[%run_scoped3A_42, %dma_start3A_425] : memref<2x512xi32, #tpu.memory_space<vmem>> -> memref<1x512xi32, #tpu.memory_space<vmem>>
      %dma_start3A_427 = tpu.memref_squeeze %dma_start3A_426 : memref<1x512xi32, #tpu.memory_space<vmem>> -> memref<512xi32, #tpu.memory_space<vmem>>
      %dma_start3A_428 = tpu.memref_slice %arg3[%add3A_41] : memref<131072xi32, #tpu.memory_space<hbm>> -> memref<512xi32, #tpu.memory_space<hbm>>
      %dma_start3A_429 = arith.constant 0 : i32
      %dma_start3A_430 = tpu.memref_slice %arg5[%run_scoped3A_42, %dma_start3A_429] : memref<2x512xi32, #tpu.memory_space<vmem>> -> memref<1x512xi32, #tpu.memory_space<vmem>>
      %dma_start3A_431 = tpu.memref_squeeze %dma_start3A_430 : memref<1x512xi32, #tpu.memory_space<vmem>> -> memref<512xi32, #tpu.memory_space<vmem>>
      %dma_start3A_432 = tpu.memref_slice %arg3[%add3A_41] : memref<131072xi32, #tpu.memory_space<hbm>> -> memref<512xi32, #tpu.memory_space<hbm>>
      tpu.enqueue_dma source(%dma_start3A_432 : memref<512xi32, #tpu.memory_space<hbm>>) target(%dma_start3A_431 : memref<512xi32, #tpu.memory_space<vmem>>) target_semaphore(%run_scoped3A_424 : memref<!tpu.dma_semaphore, #tpu.memory_space<semaphore_mem>>)
      %dma_wait3A_433 = arith.constant 0 : i32
      %dma_wait3A_434 = tpu.memref_slice %arg5[%run_scoped3A_42, %dma_wait3A_433] : memref<2x512xi32, #tpu.memory_space<vmem>> -> memref<1x512xi32, #tpu.memory_space<vmem>>
      %dma_wait3A_435 = tpu.memref_squeeze %dma_wait3A_434 : memref<1x512xi32, #tpu.memory_space<vmem>> -> memref<512xi32, #tpu.memory_space<vmem>>
      %dma_wait3A_436 = tpu.memref_slice %arg3[%add3A_41] : memref<131072xi32, #tpu.memory_space<hbm>> -> memref<512xi32, #tpu.memory_space<hbm>>
      %dma_wait3A_437 = arith.constant 0 : i32
      %dma_wait3A_438 = tpu.memref_slice %arg5[%run_scoped3A_42, %dma_wait3A_437] : memref<2x512xi32, #tpu.memory_space<vmem>> -> memref<1x512xi32, #tpu.memory_space<vmem>>
      %dma_wait3A_439 = tpu.memref_squeeze %dma_wait3A_438 : memref<1x512xi32, #tpu.memory_space<vmem>> -> memref<512xi32, #tpu.memory_space<vmem>>
      %dma_wait3A_440 = tpu.memref_slice %arg3[%add3A_41] : memref<131072xi32, #tpu.memory_space<hbm>> -> memref<512xi32, #tpu.memory_space<hbm>>
      tpu.wait_dma2 semaphore(%run_scoped3A_424 : memref<!tpu.dma_semaphore, #tpu.memory_space<semaphore_mem>>) src(%dma_wait3A_440 : memref<512xi32, #tpu.memory_space<hbm>>) dst(%dma_wait3A_439 : memref<512xi32, #tpu.memory_space<vmem>>)
      tpu.yield
    }) : () -> ()
    %dma_start3A_43 = arith.constant 1 : i32
    %dma_start3A_44 = arith.constant 1 : i32
    %dma_start3A_45 = arith.constant 0 : i32
    %dma_start3A_46 = arith.constant 0 : i32
    %dma_start3A_47 = tpu.memref_slice %arg6[%dma_start3A_44, %dma_start3A_45, %dma_start3A_46] : memref<2x512x32xf32, #tpu.memory_space<vmem>> -> memref<1x512x32xf32, #tpu.memory_space<vmem>>
    %dma_start3A_48 = tpu.memref_squeeze %dma_start3A_47 : memref<1x512x32xf32, #tpu.memory_space<vmem>> -> memref<512x32xf32, #tpu.memory_space<vmem>>
    %dma_start3A_49 = arith.constant 0 : i32
    %dma_start3A_50 = tpu.memref_slice %arg5[%dma_start3A_43, %dma_start3A_49] : memref<2x512xi32, #tpu.memory_space<vmem>> -> memref<1x512xi32, #tpu.memory_space<vmem>>
    %dma_start3A_51 = tpu.memref_squeeze %dma_start3A_50 : memref<1x512xi32, #tpu.memory_space<vmem>> -> memref<512xi32, #tpu.memory_space<vmem>>
    %dma_start3A_52 = arith.constant 0 : i32
    %dma_start3A_53 = arith.constant 0 : i32
    %dma_start3A_54 = tpu.memref_slice %arg2[%dma_start3A_52, %dma_start3A_53] : memref<2000x32xf32, #tpu.memory_space<hbm>> -> memref<2000x32xf32, #tpu.memory_space<hbm>>
    tpu.enqueue_indirect_dma source(%dma_start3A_54 : memref<2000x32xf32, #tpu.memory_space<hbm>>) target(%dma_start3A_48 : memref<512x32xf32, #tpu.memory_space<vmem>>) offsets(%dma_start3A_51 : memref<512xi32, #tpu.memory_space<vmem>>) semaphore(%arg8 : memref<!tpu.dma_semaphore, #tpu.memory_space<semaphore_mem>>)
    %dma_wait3A_55 = arith.constant 1 : i32
    %dma_wait3A_56 = arith.constant 1 : i32
    %dma_wait3A_57 = arith.constant 0 : i32
    %dma_wait3A_58 = arith.constant 0 : i32
    %dma_wait3A_59 = tpu.memref_slice %arg6[%dma_wait3A_56, %dma_wait3A_57, %dma_wait3A_58] : memref<2x512x32xf32, #tpu.memory_space<vmem>> -> memref<1x512x32xf32, #tpu.memory_space<vmem>>
    %dma_wait3A_60 = tpu.memref_squeeze %dma_wait3A_59 : memref<1x512x32xf32, #tpu.memory_space<vmem>> -> memref<512x32xf32, #tpu.memory_space<vmem>>
    %dma_wait3A_61 = arith.constant 0 : i32
    %dma_wait3A_62 = tpu.memref_slice %arg5[%dma_wait3A_55, %dma_wait3A_61] : memref<2x512xi32, #tpu.memory_space<vmem>> -> memref<1x512xi32, #tpu.memory_space<vmem>>
    %dma_wait3A_63 = tpu.memref_squeeze %dma_wait3A_62 : memref<1x512xi32, #tpu.memory_space<vmem>> -> memref<512xi32, #tpu.memory_space<vmem>>
    %dma_wait3A_64 = arith.constant 0 : i32
    %dma_wait3A_65 = arith.constant 0 : i32
    %dma_wait3A_66 = tpu.memref_slice %arg2[%dma_wait3A_64, %dma_wait3A_65] : memref<2000x32xf32, #tpu.memory_space<hbm>> -> memref<2000x32xf32, #tpu.memory_space<hbm>>
    tpu.wait_indirect_dma semaphore(%arg8 : memref<!tpu.dma_semaphore, #tpu.memory_space<semaphore_mem>>) src(%dma_wait3A_66 : memref<2000x32xf32, #tpu.memory_space<hbm>>) dst(%dma_wait3A_60 : memref<512x32xf32, #tpu.memory_space<vmem>>)
    %dma_start3A_67 = arith.constant 1 : i32
    %dma_start3A_68 = arith.constant 0 : i32
    %dma_start3A_69 = arith.constant 0 : i32
    %dma_start3A_70 = tpu.memref_slice %arg6[%dma_start3A_67, %dma_start3A_68, %dma_start3A_69] : memref<2x512x32xf32, #tpu.memory_space<vmem>> -> memref<1x512x32xf32, #tpu.memory_space<vmem>>
    %dma_start3A_71 = tpu.memref_squeeze %dma_start3A_70 : memref<1x512x32xf32, #tpu.memory_space<vmem>> -> memref<512x32xf32, #tpu.memory_space<vmem>>
    %dma_start3A_72 = arith.constant 0 : i32
    %dma_start3A_73 = tpu.memref_slice %arg4[%add3A_41, %dma_start3A_72] : memref<131072x32xf32, #tpu.memory_space<hbm>> -> memref<512x32xf32, #tpu.memory_space<hbm>>
    %dma_start3A_74 = arith.constant 0 : i32
    %dma_start3A_75 = tpu.memref_slice %arg4[%add3A_41, %dma_start3A_74] : memref<131072x32xf32, #tpu.memory_space<hbm>> -> memref<512x32xf32, #tpu.memory_space<hbm>>
    %dma_start3A_76 = arith.constant 0 : i32
    %dma_start3A_77 = arith.constant 0 : i32
    %dma_start3A_78 = tpu.memref_slice %arg6[%dma_start3A_67, %dma_start3A_76, %dma_start3A_77] : memref<2x512x32xf32, #tpu.memory_space<vmem>> -> memref<1x512x32xf32, #tpu.memory_space<vmem>>
    %dma_start3A_79 = tpu.memref_squeeze %dma_start3A_78 : memref<1x512x32xf32, #tpu.memory_space<vmem>> -> memref<512x32xf32, #tpu.memory_space<vmem>>
    tpu.enqueue_dma source(%dma_start3A_79 : memref<512x32xf32, #tpu.memory_space<vmem>>) target(%dma_start3A_75 : memref<512x32xf32, #tpu.memory_space<hbm>>) target_semaphore(%arg8 : memref<!tpu.dma_semaphore, #tpu.memory_space<semaphore_mem>>)
    %dma_wait3A_80 = arith.constant 0 : i32
    %dma_wait3A_81 = arith.constant 0 : i32
    %dma_wait3A_82 = arith.constant 0 : i32
    %dma_wait3A_83 = tpu.memref_slice %arg6[%dma_wait3A_80, %dma_wait3A_81, %dma_wait3A_82] : memref<2x512x32xf32, #tpu.memory_space<vmem>> -> memref<1x512x32xf32, #tpu.memory_space<vmem>>
    %dma_wait3A_84 = tpu.memref_squeeze %dma_wait3A_83 : memref<1x512x32xf32, #tpu.memory_space<vmem>> -> memref<512x32xf32, #tpu.memory_space<vmem>>
    %dma_wait3A_85 = arith.constant 0 : i32
    %dma_wait3A_86 = tpu.memref_slice %arg4[%add3A_4, %dma_wait3A_85] : memref<131072x32xf32, #tpu.memory_space<hbm>> -> memref<512x32xf32, #tpu.memory_space<hbm>>
    %dma_wait3A_87 = arith.constant 0 : i32
    %dma_wait3A_88 = tpu.memref_slice %arg4[%add3A_4, %dma_wait3A_87] : memref<131072x32xf32, #tpu.memory_space<hbm>> -> memref<512x32xf32, #tpu.memory_space<hbm>>
    %dma_wait3A_89 = arith.constant 0 : i32
    %dma_wait3A_90 = arith.constant 0 : i32
    %dma_wait3A_91 = tpu.memref_slice %arg6[%dma_wait3A_80, %dma_wait3A_89, %dma_wait3A_90] : memref<2x512x32xf32, #tpu.memory_space<vmem>> -> memref<1x512x32xf32, #tpu.memory_space<vmem>>
    %dma_wait3A_92 = tpu.memref_squeeze %dma_wait3A_91 : memref<1x512x32xf32, #tpu.memory_space<vmem>> -> memref<512x32xf32, #tpu.memory_space<vmem>>
    tpu.wait_dma2 semaphore(%arg7 : memref<!tpu.dma_semaphore, #tpu.memory_space<semaphore_mem>>) src(%dma_wait3A_92 : memref<512x32xf32, #tpu.memory_space<vmem>>) dst(%dma_wait3A_88 : memref<512x32xf32, #tpu.memory_space<hbm>>)
    %add3A_93 = arith.constant 1024 : i32
    %add3A_94 = arith.addi %mul3A_2, %add3A_93 : i32
    %run_scoped3A_95 = arith.constant 0 : i32
    "tpu.region"() ({
      %run_scoped3A_424 = tpu.sem_alloc : memref<!tpu.dma_semaphore, #tpu.memory_space<semaphore_mem>>
      %dma_start3A_425 = arith.constant 0 : i32
      %dma_start3A_426 = tpu.memref_slice %arg5[%run_scoped3A_95, %dma_start3A_425] : memref<2x512xi32, #tpu.memory_space<vmem>> -> memref<1x512xi32, #tpu.memory_space<vmem>>
      %dma_start3A_427 = tpu.memref_squeeze %dma_start3A_426 : memref<1x512xi32, #tpu.memory_space<vmem>> -> memref<512xi32, #tpu.memory_space<vmem>>
      %dma_start3A_428 = tpu.memref_slice %arg3[%add3A_94] : memref<131072xi32, #tpu.memory_space<hbm>> -> memref<512xi32, #tpu.memory_space<hbm>>
      %dma_start3A_429 = arith.constant 0 : i32
      %dma_start3A_430 = tpu.memref_slice %arg5[%run_scoped3A_95, %dma_start3A_429] : memref<2x512xi32, #tpu.memory_space<vmem>> -> memref<1x512xi32, #tpu.memory_space<vmem>>
      %dma_start3A_431 = tpu.memref_squeeze %dma_start3A_430 : memref<1x512xi32, #tpu.memory_space<vmem>> -> memref<512xi32, #tpu.memory_space<vmem>>
      %dma_start3A_432 = tpu.memref_slice %arg3[%add3A_94] : memref<131072xi32, #tpu.memory_space<hbm>> -> memref<512xi32, #tpu.memory_space<hbm>>
      tpu.enqueue_dma source(%dma_start3A_432 : memref<512xi32, #tpu.memory_space<hbm>>) target(%dma_start3A_431 : memref<512xi32, #tpu.memory_space<vmem>>) target_semaphore(%run_scoped3A_424 : memref<!tpu.dma_semaphore, #tpu.memory_space<semaphore_mem>>)
      %dma_wait3A_433 = arith.constant 0 : i32
      %dma_wait3A_434 = tpu.memref_slice %arg5[%run_scoped3A_95, %dma_wait3A_433] : memref<2x512xi32, #tpu.memory_space<vmem>> -> memref<1x512xi32, #tpu.memory_space<vmem>>
      %dma_wait3A_435 = tpu.memref_squeeze %dma_wait3A_434 : memref<1x512xi32, #tpu.memory_space<vmem>> -> memref<512xi32, #tpu.memory_space<vmem>>
      %dma_wait3A_436 = tpu.memref_slice %arg3[%add3A_94] : memref<131072xi32, #tpu.memory_space<hbm>> -> memref<512xi32, #tpu.memory_space<hbm>>
      %dma_wait3A_437 = arith.constant 0 : i32
      %dma_wait3A_438 = tpu.memref_slice %arg5[%run_scoped3A_95, %dma_wait3A_437] : memref<2x512xi32, #tpu.memory_space<vmem>> -> memref<1x512xi32, #tpu.memory_space<vmem>>
      %dma_wait3A_439 = tpu.memref_squeeze %dma_wait3A_438 : memref<1x512xi32, #tpu.memory_space<vmem>> -> memref<512xi32, #tpu.memory_space<vmem>>
      %dma_wait3A_440 = tpu.memref_slice %arg3[%add3A_94] : memref<131072xi32, #tpu.memory_space<hbm>> -> memref<512xi32, #tpu.memory_space<hbm>>
      tpu.wait_dma2 semaphore(%run_scoped3A_424 : memref<!tpu.dma_semaphore, #tpu.memory_space<semaphore_mem>>) src(%dma_wait3A_440 : memref<512xi32, #tpu.memory_space<hbm>>) dst(%dma_wait3A_439 : memref<512xi32, #tpu.memory_space<vmem>>)
      tpu.yield
    }) : () -> ()
    %dma_start3A_96 = arith.constant 0 : i32
    %dma_start3A_97 = arith.constant 0 : i32
    %dma_start3A_98 = arith.constant 0 : i32
    %dma_start3A_99 = arith.constant 0 : i32
    %dma_start3A_100 = tpu.memref_slice %arg6[%dma_start3A_97, %dma_start3A_98, %dma_start3A_99] : memref<2x512x32xf32, #tpu.memory_space<vmem>> -> memref<1x512x32xf32, #tpu.memory_space<vmem>>
    %dma_start3A_101 = tpu.memref_squeeze %dma_start3A_100 : memref<1x512x32xf32, #tpu.memory_space<vmem>> -> memref<512x32xf32, #tpu.memory_space<vmem>>
    %dma_start3A_102 = arith.constant 0 : i32
    %dma_start3A_103 = tpu.memref_slice %arg5[%dma_start3A_96, %dma_start3A_102] : memref<2x512xi32, #tpu.memory_space<vmem>> -> memref<1x512xi32, #tpu.memory_space<vmem>>
    %dma_start3A_104 = tpu.memref_squeeze %dma_start3A_103 : memref<1x512xi32, #tpu.memory_space<vmem>> -> memref<512xi32, #tpu.memory_space<vmem>>
    %dma_start3A_105 = arith.constant 0 : i32
    %dma_start3A_106 = arith.constant 0 : i32
    %dma_start3A_107 = tpu.memref_slice %arg2[%dma_start3A_105, %dma_start3A_106] : memref<2000x32xf32, #tpu.memory_space<hbm>> -> memref<2000x32xf32, #tpu.memory_space<hbm>>
    tpu.enqueue_indirect_dma source(%dma_start3A_107 : memref<2000x32xf32, #tpu.memory_space<hbm>>) target(%dma_start3A_101 : memref<512x32xf32, #tpu.memory_space<vmem>>) offsets(%dma_start3A_104 : memref<512xi32, #tpu.memory_space<vmem>>) semaphore(%arg7 : memref<!tpu.dma_semaphore, #tpu.memory_space<semaphore_mem>>)
    %dma_wait3A_108 = arith.constant 0 : i32
    %dma_wait3A_109 = arith.constant 0 : i32
    %dma_wait3A_110 = arith.constant 0 : i32
    %dma_wait3A_111 = arith.constant 0 : i32
    %dma_wait3A_112 = tpu.memref_slice %arg6[%dma_wait3A_109, %dma_wait3A_110, %dma_wait3A_111] : memref<2x512x32xf32, #tpu.memory_space<vmem>> -> memref<1x512x32xf32, #tpu.memory_space<vmem>>
    %dma_wait3A_113 = tpu.memref_squeeze %dma_wait3A_112 : memref<1x512x32xf32, #tpu.memory_space<vmem>> -> memref<512x32xf32, #tpu.memory_space<vmem>>
    %dma_wait3A_114 = arith.constant 0 : i32
    %dma_wait3A_115 = tpu.memref_slice %arg5[%dma_wait3A_108, %dma_wait3A_114] : memref<2x512xi32, #tpu.memory_space<vmem>> -> memref<1x512xi32, #tpu.memory_space<vmem>>
    %dma_wait3A_116 = tpu.memref_squeeze %dma_wait3A_115 : memref<1x512xi32, #tpu.memory_space<vmem>> -> memref<512xi32, #tpu.memory_space<vmem>>
    %dma_wait3A_117 = arith.constant 0 : i32
    %dma_wait3A_118 = arith.constant 0 : i32
    %dma_wait3A_119 = tpu.memref_slice %arg2[%dma_wait3A_117, %dma_wait3A_118] : memref<2000x32xf32, #tpu.memory_space<hbm>> -> memref<2000x32xf32, #tpu.memory_space<hbm>>
    tpu.wait_indirect_dma semaphore(%arg7 : memref<!tpu.dma_semaphore, #tpu.memory_space<semaphore_mem>>) src(%dma_wait3A_119 : memref<2000x32xf32, #tpu.memory_space<hbm>>) dst(%dma_wait3A_113 : memref<512x32xf32, #tpu.memory_space<vmem>>)
    %dma_start3A_120 = arith.constant 0 : i32
    %dma_start3A_121 = arith.constant 0 : i32
    %dma_start3A_122 = arith.constant 0 : i32
    %dma_start3A_123 = tpu.memref_slice %arg6[%dma_start3A_120, %dma_start3A_121, %dma_start3A_122] : memref<2x512x32xf32, #tpu.memory_space<vmem>> -> memref<1x512x32xf32, #tpu.memory_space<vmem>>
    %dma_start3A_124 = tpu.memref_squeeze %dma_start3A_123 : memref<1x512x32xf32, #tpu.memory_space<vmem>> -> memref<512x32xf32, #tpu.memory_space<vmem>>
    %dma_start3A_125 = arith.constant 0 : i32
    %dma_start3A_126 = tpu.memref_slice %arg4[%add3A_94, %dma_start3A_125] : memref<131072x32xf32, #tpu.memory_space<hbm>> -> memref<512x32xf32, #tpu.memory_space<hbm>>
    %dma_start3A_127 = arith.constant 0 : i32
    %dma_start3A_128 = tpu.memref_slice %arg4[%add3A_94, %dma_start3A_127] : memref<131072x32xf32, #tpu.memory_space<hbm>> -> memref<512x32xf32, #tpu.memory_space<hbm>>
    %dma_start3A_129 = arith.constant 0 : i32
    %dma_start3A_130 = arith.constant 0 : i32
    %dma_start3A_131 = tpu.memref_slice %arg6[%dma_start3A_120, %dma_start3A_129, %dma_start3A_130] : memref<2x512x32xf32, #tpu.memory_space<vmem>> -> memref<1x512x32xf32, #tpu.memory_space<vmem>>
    %dma_start3A_132 = tpu.memref_squeeze %dma_start3A_131 : memref<1x512x32xf32, #tpu.memory_space<vmem>> -> memref<512x32xf32, #tpu.memory_space<vmem>>
    tpu.enqueue_dma source(%dma_start3A_132 : memref<512x32xf32, #tpu.memory_space<vmem>>) target(%dma_start3A_128 : memref<512x32xf32, #tpu.memory_space<hbm>>) target_semaphore(%arg7 : memref<!tpu.dma_semaphore, #tpu.memory_space<semaphore_mem>>)
    %dma_wait3A_133 = arith.constant 1 : i32
    %dma_wait3A_134 = arith.constant 0 : i32
    %dma_wait3A_135 = arith.constant 0 : i32
    %dma_wait3A_136 = tpu.memref_slice %arg6[%dma_wait3A_133, %dma_wait3A_134, %dma_wait3A_135] : memref<2x512x32xf32, #tpu.memory_space<vmem>> -> memref<1x512x32xf32, #tpu.memory_space<vmem>>
    %dma_wait3A_137 = tpu.memref_squeeze %dma_wait3A_136 : memref<1x512x32xf32, #tpu.memory_space<vmem>> -> memref<512x32xf32, #tpu.memory_space<vmem>>
    %dma_wait3A_138 = arith.constant 0 : i32
    %dma_wait3A_139 = tpu.memref_slice %arg4[%add3A_41, %dma_wait3A_138] : memref<131072x32xf32, #tpu.memory_space<hbm>> -> memref<512x32xf32, #tpu.memory_space<hbm>>
    %dma_wait3A_140 = arith.constant 0 : i32
    %dma_wait3A_141 = tpu.memref_slice %arg4[%add3A_41, %dma_wait3A_140] : memref<131072x32xf32, #tpu.memory_space<hbm>> -> memref<512x32xf32, #tpu.memory_space<hbm>>
    %dma_wait3A_142 = arith.constant 0 : i32
    %dma_wait3A_143 = arith.constant 0 : i32
    %dma_wait3A_144 = tpu.memref_slice %arg6[%dma_wait3A_133, %dma_wait3A_142, %dma_wait3A_143] : memref<2x512x32xf32, #tpu.memory_space<vmem>> -> memref<1x512x32xf32, #tpu.memory_space<vmem>>
    %dma_wait3A_145 = tpu.memref_squeeze %dma_wait3A_144 : memref<1x512x32xf32, #tpu.memory_space<vmem>> -> memref<512x32xf32, #tpu.memory_space<vmem>>
    tpu.wait_dma2 semaphore(%arg8 : memref<!tpu.dma_semaphore, #tpu.memory_space<semaphore_mem>>) src(%dma_wait3A_145 : memref<512x32xf32, #tpu.memory_space<vmem>>) dst(%dma_wait3A_141 : memref<512x32xf32, #tpu.memory_space<hbm>>)
    %add3A_146 = arith.constant 1536 : i32
    %add3A_147 = arith.addi %mul3A_2, %add3A_146 : i32
    %run_scoped3A_148 = arith.constant 1 : i32
    "tpu.region"() ({
      %run_scoped3A_424 = tpu.sem_alloc : memref<!tpu.dma_semaphore, #tpu.memory_space<semaphore_mem>>
      %dma_start3A_425 = arith.constant 0 : i32
      %dma_start3A_426 = tpu.memref_slice %arg5[%run_scoped3A_148, %dma_start3A_425] : memref<2x512xi32, #tpu.memory_space<vmem>> -> memref<1x512xi32, #tpu.memory_space<vmem>>
      %dma_start3A_427 = tpu.memref_squeeze %dma_start3A_426 : memref<1x512xi32, #tpu.memory_space<vmem>> -> memref<512xi32, #tpu.memory_space<vmem>>
      %dma_start3A_428 = tpu.memref_slice %arg3[%add3A_147] : memref<131072xi32, #tpu.memory_space<hbm>> -> memref<512xi32, #tpu.memory_space<hbm>>
      %dma_start3A_429 = arith.constant 0 : i32
      %dma_start3A_430 = tpu.memref_slice %arg5[%run_scoped3A_148, %dma_start3A_429] : memref<2x512xi32, #tpu.memory_space<vmem>> -> memref<1x512xi32, #tpu.memory_space<vmem>>
      %dma_start3A_431 = tpu.memref_squeeze %dma_start3A_430 : memref<1x512xi32, #tpu.memory_space<vmem>> -> memref<512xi32, #tpu.memory_space<vmem>>
      %dma_start3A_432 = tpu.memref_slice %arg3[%add3A_147] : memref<131072xi32, #tpu.memory_space<hbm>> -> memref<512xi32, #tpu.memory_space<hbm>>
      tpu.enqueue_dma source(%dma_start3A_432 : memref<512xi32, #tpu.memory_space<hbm>>) target(%dma_start3A_431 : memref<512xi32, #tpu.memory_space<vmem>>) target_semaphore(%run_scoped3A_424 : memref<!tpu.dma_semaphore, #tpu.memory_space<semaphore_mem>>)
      %dma_wait3A_433 = arith.constant 0 : i32
      %dma_wait3A_434 = tpu.memref_slice %arg5[%run_scoped3A_148, %dma_wait3A_433] : memref<2x512xi32, #tpu.memory_space<vmem>> -> memref<1x512xi32, #tpu.memory_space<vmem>>
      %dma_wait3A_435 = tpu.memref_squeeze %dma_wait3A_434 : memref<1x512xi32, #tpu.memory_space<vmem>> -> memref<512xi32, #tpu.memory_space<vmem>>
      %dma_wait3A_436 = tpu.memref_slice %arg3[%add3A_147] : memref<131072xi32, #tpu.memory_space<hbm>> -> memref<512xi32, #tpu.memory_space<hbm>>
      %dma_wait3A_437 = arith.constant 0 : i32
      %dma_wait3A_438 = tpu.memref_slice %arg5[%run_scoped3A_148, %dma_wait3A_437] : memref<2x512xi32, #tpu.memory_space<vmem>> -> memref<1x512xi32, #tpu.memory_space<vmem>>
      %dma_wait3A_439 = tpu.memref_squeeze %dma_wait3A_438 : memref<1x512xi32, #tpu.memory_space<vmem>> -> memref<512xi32, #tpu.memory_space<vmem>>
      %dma_wait3A_440 = tpu.memref_slice %arg3[%add3A_147] : memref<131072xi32, #tpu.memory_space<hbm>> -> memref<512xi32, #tpu.memory_space<hbm>>
      tpu.wait_dma2 semaphore(%run_scoped3A_424 : memref<!tpu.dma_semaphore, #tpu.memory_space<semaphore_mem>>) src(%dma_wait3A_440 : memref<512xi32, #tpu.memory_space<hbm>>) dst(%dma_wait3A_439 : memref<512xi32, #tpu.memory_space<vmem>>)
      tpu.yield
    }) : () -> ()
    %dma_start3A_149 = arith.constant 1 : i32
    %dma_start3A_150 = arith.constant 1 : i32
    %dma_start3A_151 = arith.constant 0 : i32
    %dma_start3A_152 = arith.constant 0 : i32
    %dma_start3A_153 = tpu.memref_slice %arg6[%dma_start3A_150, %dma_start3A_151, %dma_start3A_152] : memref<2x512x32xf32, #tpu.memory_space<vmem>> -> memref<1x512x32xf32, #tpu.memory_space<vmem>>
    %dma_start3A_154 = tpu.memref_squeeze %dma_start3A_153 : memref<1x512x32xf32, #tpu.memory_space<vmem>> -> memref<512x32xf32, #tpu.memory_space<vmem>>
    %dma_start3A_155 = arith.constant 0 : i32
    %dma_start3A_156 = tpu.memref_slice %arg5[%dma_start3A_149, %dma_start3A_155] : memref<2x512xi32, #tpu.memory_space<vmem>> -> memref<1x512xi32, #tpu.memory_space<vmem>>
    %dma_start3A_157 = tpu.memref_squeeze %dma_start3A_156 : memref<1x512xi32, #tpu.memory_space<vmem>> -> memref<512xi32, #tpu.memory_space<vmem>>
    %dma_start3A_158 = arith.constant 0 : i32
    %dma_start3A_159 = arith.constant 0 : i32
    %dma_start3A_160 = tpu.memref_slice %arg2[%dma_start3A_158, %dma_start3A_159] : memref<2000x32xf32, #tpu.memory_space<hbm>> -> memref<2000x32xf32, #tpu.memory_space<hbm>>
    tpu.enqueue_indirect_dma source(%dma_start3A_160 : memref<2000x32xf32, #tpu.memory_space<hbm>>) target(%dma_start3A_154 : memref<512x32xf32, #tpu.memory_space<vmem>>) offsets(%dma_start3A_157 : memref<512xi32, #tpu.memory_space<vmem>>) semaphore(%arg8 : memref<!tpu.dma_semaphore, #tpu.memory_space<semaphore_mem>>)
    %dma_wait3A_161 = arith.constant 1 : i32
    %dma_wait3A_162 = arith.constant 1 : i32
    %dma_wait3A_163 = arith.constant 0 : i32
    %dma_wait3A_164 = arith.constant 0 : i32
    %dma_wait3A_165 = tpu.memref_slice %arg6[%dma_wait3A_162, %dma_wait3A_163, %dma_wait3A_164] : memref<2x512x32xf32, #tpu.memory_space<vmem>> -> memref<1x512x32xf32, #tpu.memory_space<vmem>>
    %dma_wait3A_166 = tpu.memref_squeeze %dma_wait3A_165 : memref<1x512x32xf32, #tpu.memory_space<vmem>> -> memref<512x32xf32, #tpu.memory_space<vmem>>
    %dma_wait3A_167 = arith.constant 0 : i32
    %dma_wait3A_168 = tpu.memref_slice %arg5[%dma_wait3A_161, %dma_wait3A_167] : memref<2x512xi32, #tpu.memory_space<vmem>> -> memref<1x512xi32, #tpu.memory_space<vmem>>
    %dma_wait3A_169 = tpu.memref_squeeze %dma_wait3A_168 : memref<1x512xi32, #tpu.memory_space<vmem>> -> memref<512xi32, #tpu.memory_space<vmem>>
    %dma_wait3A_170 = arith.constant 0 : i32
    %dma_wait3A_171 = arith.constant 0 : i32
    %dma_wait3A_172 = tpu.memref_slice %arg2[%dma_wait3A_170, %dma_wait3A_171] : memref<2000x32xf32, #tpu.memory_space<hbm>> -> memref<2000x32xf32, #tpu.memory_space<hbm>>
    tpu.wait_indirect_dma semaphore(%arg8 : memref<!tpu.dma_semaphore, #tpu.memory_space<semaphore_mem>>) src(%dma_wait3A_172 : memref<2000x32xf32, #tpu.memory_space<hbm>>) dst(%dma_wait3A_166 : memref<512x32xf32, #tpu.memory_space<vmem>>)
    %dma_start3A_173 = arith.constant 1 : i32
    %dma_start3A_174 = arith.constant 0 : i32
    %dma_start3A_175 = arith.constant 0 : i32
    %dma_start3A_176 = tpu.memref_slice %arg6[%dma_start3A_173, %dma_start3A_174, %dma_start3A_175] : memref<2x512x32xf32, #tpu.memory_space<vmem>> -> memref<1x512x32xf32, #tpu.memory_space<vmem>>
    %dma_start3A_177 = tpu.memref_squeeze %dma_start3A_176 : memref<1x512x32xf32, #tpu.memory_space<vmem>> -> memref<512x32xf32, #tpu.memory_space<vmem>>
    %dma_start3A_178 = arith.constant 0 : i32
    %dma_start3A_179 = tpu.memref_slice %arg4[%add3A_147, %dma_start3A_178] : memref<131072x32xf32, #tpu.memory_space<hbm>> -> memref<512x32xf32, #tpu.memory_space<hbm>>
    %dma_start3A_180 = arith.constant 0 : i32
    %dma_start3A_181 = tpu.memref_slice %arg4[%add3A_147, %dma_start3A_180] : memref<131072x32xf32, #tpu.memory_space<hbm>> -> memref<512x32xf32, #tpu.memory_space<hbm>>
    %dma_start3A_182 = arith.constant 0 : i32
    %dma_start3A_183 = arith.constant 0 : i32
    %dma_start3A_184 = tpu.memref_slice %arg6[%dma_start3A_173, %dma_start3A_182, %dma_start3A_183] : memref<2x512x32xf32, #tpu.memory_space<vmem>> -> memref<1x512x32xf32, #tpu.memory_space<vmem>>
    %dma_start3A_185 = tpu.memref_squeeze %dma_start3A_184 : memref<1x512x32xf32, #tpu.memory_space<vmem>> -> memref<512x32xf32, #tpu.memory_space<vmem>>
    tpu.enqueue_dma source(%dma_start3A_185 : memref<512x32xf32, #tpu.memory_space<vmem>>) target(%dma_start3A_181 : memref<512x32xf32, #tpu.memory_space<hbm>>) target_semaphore(%arg8 : memref<!tpu.dma_semaphore, #tpu.memory_space<semaphore_mem>>)
    %dma_wait3A_186 = arith.constant 0 : i32
    %dma_wait3A_187 = arith.constant 0 : i32
    %dma_wait3A_188 = arith.constant 0 : i32
    %dma_wait3A_189 = tpu.memref_slice %arg6[%dma_wait3A_186, %dma_wait3A_187, %dma_wait3A_188] : memref<2x512x32xf32, #tpu.memory_space<vmem>> -> memref<1x512x32xf32, #tpu.memory_space<vmem>>
    %dma_wait3A_190 = tpu.memref_squeeze %dma_wait3A_189 : memref<1x512x32xf32, #tpu.memory_space<vmem>> -> memref<512x32xf32, #tpu.memory_space<vmem>>
    %dma_wait3A_191 = arith.constant 0 : i32
    %dma_wait3A_192 = tpu.memref_slice %arg4[%add3A_94, %dma_wait3A_191] : memref<131072x32xf32, #tpu.memory_space<hbm>> -> memref<512x32xf32, #tpu.memory_space<hbm>>
    %dma_wait3A_193 = arith.constant 0 : i32
    %dma_wait3A_194 = tpu.memref_slice %arg4[%add3A_94, %dma_wait3A_193] : memref<131072x32xf32, #tpu.memory_space<hbm>> -> memref<512x32xf32, #tpu.memory_space<hbm>>
    %dma_wait3A_195 = arith.constant 0 : i32
    %dma_wait3A_196 = arith.constant 0 : i32
    %dma_wait3A_197 = tpu.memref_slice %arg6[%dma_wait3A_186, %dma_wait3A_195, %dma_wait3A_196] : memref<2x512x32xf32, #tpu.memory_space<vmem>> -> memref<1x512x32xf32, #tpu.memory_space<vmem>>
    %dma_wait3A_198 = tpu.memref_squeeze %dma_wait3A_197 : memref<1x512x32xf32, #tpu.memory_space<vmem>> -> memref<512x32xf32, #tpu.memory_space<vmem>>
    tpu.wait_dma2 semaphore(%arg7 : memref<!tpu.dma_semaphore, #tpu.memory_space<semaphore_mem>>) src(%dma_wait3A_198 : memref<512x32xf32, #tpu.memory_space<vmem>>) dst(%dma_wait3A_194 : memref<512x32xf32, #tpu.memory_space<hbm>>)
    %add3A_199 = arith.constant 2048 : i32
    %add3A_200 = arith.addi %mul3A_2, %add3A_199 : i32
    %run_scoped3A_201 = arith.constant 0 : i32
    "tpu.region"() ({
      %run_scoped3A_424 = tpu.sem_alloc : memref<!tpu.dma_semaphore, #tpu.memory_space<semaphore_mem>>
      %dma_start3A_425 = arith.constant 0 : i32
      %dma_start3A_426 = tpu.memref_slice %arg5[%run_scoped3A_201, %dma_start3A_425] : memref<2x512xi32, #tpu.memory_space<vmem>> -> memref<1x512xi32, #tpu.memory_space<vmem>>
      %dma_start3A_427 = tpu.memref_squeeze %dma_start3A_426 : memref<1x512xi32, #tpu.memory_space<vmem>> -> memref<512xi32, #tpu.memory_space<vmem>>
      %dma_start3A_428 = tpu.memref_slice %arg3[%add3A_200] : memref<131072xi32, #tpu.memory_space<hbm>> -> memref<512xi32, #tpu.memory_space<hbm>>
      %dma_start3A_429 = arith.constant 0 : i32
      %dma_start3A_430 = tpu.memref_slice %arg5[%run_scoped3A_201, %dma_start3A_429] : memref<2x512xi32, #tpu.memory_space<vmem>> -> memref<1x512xi32, #tpu.memory_space<vmem>>
      %dma_start3A_431 = tpu.memref_squeeze %dma_start3A_430 : memref<1x512xi32, #tpu.memory_space<vmem>> -> memref<512xi32, #tpu.memory_space<vmem>>
      %dma_start3A_432 = tpu.memref_slice %arg3[%add3A_200] : memref<131072xi32, #tpu.memory_space<hbm>> -> memref<512xi32, #tpu.memory_space<hbm>>
      tpu.enqueue_dma source(%dma_start3A_432 : memref<512xi32, #tpu.memory_space<hbm>>) target(%dma_start3A_431 : memref<512xi32, #tpu.memory_space<vmem>>) target_semaphore(%run_scoped3A_424 : memref<!tpu.dma_semaphore, #tpu.memory_space<semaphore_mem>>)
      %dma_wait3A_433 = arith.constant 0 : i32
      %dma_wait3A_434 = tpu.memref_slice %arg5[%run_scoped3A_201, %dma_wait3A_433] : memref<2x512xi32, #tpu.memory_space<vmem>> -> memref<1x512xi32, #tpu.memory_space<vmem>>
      %dma_wait3A_435 = tpu.memref_squeeze %dma_wait3A_434 : memref<1x512xi32, #tpu.memory_space<vmem>> -> memref<512xi32, #tpu.memory_space<vmem>>
      %dma_wait3A_436 = tpu.memref_slice %arg3[%add3A_200] : memref<131072xi32, #tpu.memory_space<hbm>> -> memref<512xi32, #tpu.memory_space<hbm>>
      %dma_wait3A_437 = arith.constant 0 : i32
      %dma_wait3A_438 = tpu.memref_slice %arg5[%run_scoped3A_201, %dma_wait3A_437] : memref<2x512xi32, #tpu.memory_space<vmem>> -> memref<1x512xi32, #tpu.memory_space<vmem>>
      %dma_wait3A_439 = tpu.memref_squeeze %dma_wait3A_438 : memref<1x512xi32, #tpu.memory_space<vmem>> -> memref<512xi32, #tpu.memory_space<vmem>>
      %dma_wait3A_440 = tpu.memref_slice %arg3[%add3A_200] : memref<131072xi32, #tpu.memory_space<hbm>> -> memref<512xi32, #tpu.memory_space<hbm>>
      tpu.wait_dma2 semaphore(%run_scoped3A_424 : memref<!tpu.dma_semaphore, #tpu.memory_space<semaphore_mem>>) src(%dma_wait3A_440 : memref<512xi32, #tpu.memory_space<hbm>>) dst(%dma_wait3A_439 : memref<512xi32, #tpu.memory_space<vmem>>)
      tpu.yield
    }) : () -> ()
    %dma_start3A_202 = arith.constant 0 : i32
    %dma_start3A_203 = arith.constant 0 : i32
    %dma_start3A_204 = arith.constant 0 : i32
    %dma_start3A_205 = arith.constant 0 : i32
    %dma_start3A_206 = tpu.memref_slice %arg6[%dma_start3A_203, %dma_start3A_204, %dma_start3A_205] : memref<2x512x32xf32, #tpu.memory_space<vmem>> -> memref<1x512x32xf32, #tpu.memory_space<vmem>>
    %dma_start3A_207 = tpu.memref_squeeze %dma_start3A_206 : memref<1x512x32xf32, #tpu.memory_space<vmem>> -> memref<512x32xf32, #tpu.memory_space<vmem>>
    %dma_start3A_208 = arith.constant 0 : i32
    %dma_start3A_209 = tpu.memref_slice %arg5[%dma_start3A_202, %dma_start3A_208] : memref<2x512xi32, #tpu.memory_space<vmem>> -> memref<1x512xi32, #tpu.memory_space<vmem>>
    %dma_start3A_210 = tpu.memref_squeeze %dma_start3A_209 : memref<1x512xi32, #tpu.memory_space<vmem>> -> memref<512xi32, #tpu.memory_space<vmem>>
    %dma_start3A_211 = arith.constant 0 : i32
    %dma_start3A_212 = arith.constant 0 : i32
    %dma_start3A_213 = tpu.memref_slice %arg2[%dma_start3A_211, %dma_start3A_212] : memref<2000x32xf32, #tpu.memory_space<hbm>> -> memref<2000x32xf32, #tpu.memory_space<hbm>>
    tpu.enqueue_indirect_dma source(%dma_start3A_213 : memref<2000x32xf32, #tpu.memory_space<hbm>>) target(%dma_start3A_207 : memref<512x32xf32, #tpu.memory_space<vmem>>) offsets(%dma_start3A_210 : memref<512xi32, #tpu.memory_space<vmem>>) semaphore(%arg7 : memref<!tpu.dma_semaphore, #tpu.memory_space<semaphore_mem>>)
    %dma_wait3A_214 = arith.constant 0 : i32
    %dma_wait3A_215 = arith.constant 0 : i32
    %dma_wait3A_216 = arith.constant 0 : i32
    %dma_wait3A_217 = arith.constant 0 : i32
    %dma_wait3A_218 = tpu.memref_slice %arg6[%dma_wait3A_215, %dma_wait3A_216, %dma_wait3A_217] : memref<2x512x32xf32, #tpu.memory_space<vmem>> -> memref<1x512x32xf32, #tpu.memory_space<vmem>>
    %dma_wait3A_219 = tpu.memref_squeeze %dma_wait3A_218 : memref<1x512x32xf32, #tpu.memory_space<vmem>> -> memref<512x32xf32, #tpu.memory_space<vmem>>
    %dma_wait3A_220 = arith.constant 0 : i32
    %dma_wait3A_221 = tpu.memref_slice %arg5[%dma_wait3A_214, %dma_wait3A_220] : memref<2x512xi32, #tpu.memory_space<vmem>> -> memref<1x512xi32, #tpu.memory_space<vmem>>
    %dma_wait3A_222 = tpu.memref_squeeze %dma_wait3A_221 : memref<1x512xi32, #tpu.memory_space<vmem>> -> memref<512xi32, #tpu.memory_space<vmem>>
    %dma_wait3A_223 = arith.constant 0 : i32
    %dma_wait3A_224 = arith.constant 0 : i32
    %dma_wait3A_225 = tpu.memref_slice %arg2[%dma_wait3A_223, %dma_wait3A_224] : memref<2000x32xf32, #tpu.memory_space<hbm>> -> memref<2000x32xf32, #tpu.memory_space<hbm>>
    tpu.wait_indirect_dma semaphore(%arg7 : memref<!tpu.dma_semaphore, #tpu.memory_space<semaphore_mem>>) src(%dma_wait3A_225 : memref<2000x32xf32, #tpu.memory_space<hbm>>) dst(%dma_wait3A_219 : memref<512x32xf32, #tpu.memory_space<vmem>>)
    %dma_start3A_226 = arith.constant 0 : i32
    %dma_start3A_227 = arith.constant 0 : i32
    %dma_start3A_228 = arith.constant 0 : i32
    %dma_start3A_229 = tpu.memref_slice %arg6[%dma_start3A_226, %dma_start3A_227, %dma_start3A_228] : memref<2x512x32xf32, #tpu.memory_space<vmem>> -> memref<1x512x32xf32, #tpu.memory_space<vmem>>
    %dma_start3A_230 = tpu.memref_squeeze %dma_start3A_229 : memref<1x512x32xf32, #tpu.memory_space<vmem>> -> memref<512x32xf32, #tpu.memory_space<vmem>>
    %dma_start3A_231 = arith.constant 0 : i32
    %dma_start3A_232 = tpu.memref_slice %arg4[%add3A_200, %dma_start3A_231] : memref<131072x32xf32, #tpu.memory_space<hbm>> -> memref<512x32xf32, #tpu.memory_space<hbm>>
    %dma_start3A_233 = arith.constant 0 : i32
    %dma_start3A_234 = tpu.memref_slice %arg4[%add3A_200, %dma_start3A_233] : memref<131072x32xf32, #tpu.memory_space<hbm>> -> memref<512x32xf32, #tpu.memory_space<hbm>>
    %dma_start3A_235 = arith.constant 0 : i32
    %dma_start3A_236 = arith.constant 0 : i32
    %dma_start3A_237 = tpu.memref_slice %arg6[%dma_start3A_226, %dma_start3A_235, %dma_start3A_236] : memref<2x512x32xf32, #tpu.memory_space<vmem>> -> memref<1x512x32xf32, #tpu.memory_space<vmem>>
    %dma_start3A_238 = tpu.memref_squeeze %dma_start3A_237 : memref<1x512x32xf32, #tpu.memory_space<vmem>> -> memref<512x32xf32, #tpu.memory_space<vmem>>
    tpu.enqueue_dma source(%dma_start3A_238 : memref<512x32xf32, #tpu.memory_space<vmem>>) target(%dma_start3A_234 : memref<512x32xf32, #tpu.memory_space<hbm>>) target_semaphore(%arg7 : memref<!tpu.dma_semaphore, #tpu.memory_space<semaphore_mem>>)
    %dma_wait3A_239 = arith.constant 1 : i32
    %dma_wait3A_240 = arith.constant 0 : i32
    %dma_wait3A_241 = arith.constant 0 : i32
    %dma_wait3A_242 = tpu.memref_slice %arg6[%dma_wait3A_239, %dma_wait3A_240, %dma_wait3A_241] : memref<2x512x32xf32, #tpu.memory_space<vmem>> -> memref<1x512x32xf32, #tpu.memory_space<vmem>>
    %dma_wait3A_243 = tpu.memref_squeeze %dma_wait3A_242 : memref<1x512x32xf32, #tpu.memory_space<vmem>> -> memref<512x32xf32, #tpu.memory_space<vmem>>
    %dma_wait3A_244 = arith.constant 0 : i32
    %dma_wait3A_245 = tpu.memref_slice %arg4[%add3A_147, %dma_wait3A_244] : memref<131072x32xf32, #tpu.memory_space<hbm>> -> memref<512x32xf32, #tpu.memory_space<hbm>>
    %dma_wait3A_246 = arith.constant 0 : i32
    %dma_wait3A_247 = tpu.memref_slice %arg4[%add3A_147, %dma_wait3A_246] : memref<131072x32xf32, #tpu.memory_space<hbm>> -> memref<512x32xf32, #tpu.memory_space<hbm>>
    %dma_wait3A_248 = arith.constant 0 : i32
    %dma_wait3A_249 = arith.constant 0 : i32
    %dma_wait3A_250 = tpu.memref_slice %arg6[%dma_wait3A_239, %dma_wait3A_248, %dma_wait3A_249] : memref<2x512x32xf32, #tpu.memory_space<vmem>> -> memref<1x512x32xf32, #tpu.memory_space<vmem>>
    %dma_wait3A_251 = tpu.memref_squeeze %dma_wait3A_250 : memref<1x512x32xf32, #tpu.memory_space<vmem>> -> memref<512x32xf32, #tpu.memory_space<vmem>>
    tpu.wait_dma2 semaphore(%arg8 : memref<!tpu.dma_semaphore, #tpu.memory_space<semaphore_mem>>) src(%dma_wait3A_251 : memref<512x32xf32, #tpu.memory_space<vmem>>) dst(%dma_wait3A_247 : memref<512x32xf32, #tpu.memory_space<hbm>>)
    %add3A_252 = arith.constant 2560 : i32
    %add3A_253 = arith.addi %mul3A_2, %add3A_252 : i32
    %run_scoped3A_254 = arith.constant 1 : i32
    "tpu.region"() ({
      %run_scoped3A_424 = tpu.sem_alloc : memref<!tpu.dma_semaphore, #tpu.memory_space<semaphore_mem>>
      %dma_start3A_425 = arith.constant 0 : i32
      %dma_start3A_426 = tpu.memref_slice %arg5[%run_scoped3A_254, %dma_start3A_425] : memref<2x512xi32, #tpu.memory_space<vmem>> -> memref<1x512xi32, #tpu.memory_space<vmem>>
      %dma_start3A_427 = tpu.memref_squeeze %dma_start3A_426 : memref<1x512xi32, #tpu.memory_space<vmem>> -> memref<512xi32, #tpu.memory_space<vmem>>
      %dma_start3A_428 = tpu.memref_slice %arg3[%add3A_253] : memref<131072xi32, #tpu.memory_space<hbm>> -> memref<512xi32, #tpu.memory_space<hbm>>
      %dma_start3A_429 = arith.constant 0 : i32
      %dma_start3A_430 = tpu.memref_slice %arg5[%run_scoped3A_254, %dma_start3A_429] : memref<2x512xi32, #tpu.memory_space<vmem>> -> memref<1x512xi32, #tpu.memory_space<vmem>>
      %dma_start3A_431 = tpu.memref_squeeze %dma_start3A_430 : memref<1x512xi32, #tpu.memory_space<vmem>> -> memref<512xi32, #tpu.memory_space<vmem>>
      %dma_start3A_432 = tpu.memref_slice %arg3[%add3A_253] : memref<131072xi32, #tpu.memory_space<hbm>> -> memref<512xi32, #tpu.memory_space<hbm>>
      tpu.enqueue_dma source(%dma_start3A_432 : memref<512xi32, #tpu.memory_space<hbm>>) target(%dma_start3A_431 : memref<512xi32, #tpu.memory_space<vmem>>) target_semaphore(%run_scoped3A_424 : memref<!tpu.dma_semaphore, #tpu.memory_space<semaphore_mem>>)
      %dma_wait3A_433 = arith.constant 0 : i32
      %dma_wait3A_434 = tpu.memref_slice %arg5[%run_scoped3A_254, %dma_wait3A_433] : memref<2x512xi32, #tpu.memory_space<vmem>> -> memref<1x512xi32, #tpu.memory_space<vmem>>
      %dma_wait3A_435 = tpu.memref_squeeze %dma_wait3A_434 : memref<1x512xi32, #tpu.memory_space<vmem>> -> memref<512xi32, #tpu.memory_space<vmem>>
      %dma_wait3A_436 = tpu.memref_slice %arg3[%add3A_253] : memref<131072xi32, #tpu.memory_space<hbm>> -> memref<512xi32, #tpu.memory_space<hbm>>
      %dma_wait3A_437 = arith.constant 0 : i32
      %dma_wait3A_438 = tpu.memref_slice %arg5[%run_scoped3A_254, %dma_wait3A_437] : memref<2x512xi32, #tpu.memory_space<vmem>> -> memref<1x512xi32, #tpu.memory_space<vmem>>
      %dma_wait3A_439 = tpu.memref_squeeze %dma_wait3A_438 : memref<1x512xi32, #tpu.memory_space<vmem>> -> memref<512xi32, #tpu.memory_space<vmem>>
      %dma_wait3A_440 = tpu.memref_slice %arg3[%add3A_253] : memref<131072xi32, #tpu.memory_space<hbm>> -> memref<512xi32, #tpu.memory_space<hbm>>
      tpu.wait_dma2 semaphore(%run_scoped3A_424 : memref<!tpu.dma_semaphore, #tpu.memory_space<semaphore_mem>>) src(%dma_wait3A_440 : memref<512xi32, #tpu.memory_space<hbm>>) dst(%dma_wait3A_439 : memref<512xi32, #tpu.memory_space<vmem>>)
      tpu.yield
    }) : () -> ()
    %dma_start3A_255 = arith.constant 1 : i32
    %dma_start3A_256 = arith.constant 1 : i32
    %dma_start3A_257 = arith.constant 0 : i32
    %dma_start3A_258 = arith.constant 0 : i32
    %dma_start3A_259 = tpu.memref_slice %arg6[%dma_start3A_256, %dma_start3A_257, %dma_start3A_258] : memref<2x512x32xf32, #tpu.memory_space<vmem>> -> memref<1x512x32xf32, #tpu.memory_space<vmem>>
    %dma_start3A_260 = tpu.memref_squeeze %dma_start3A_259 : memref<1x512x32xf32, #tpu.memory_space<vmem>> -> memref<512x32xf32, #tpu.memory_space<vmem>>
    %dma_start3A_261 = arith.constant 0 : i32
    %dma_start3A_262 = tpu.memref_slice %arg5[%dma_start3A_255, %dma_start3A_261] : memref<2x512xi32, #tpu.memory_space<vmem>> -> memref<1x512xi32, #tpu.memory_space<vmem>>
    %dma_start3A_263 = tpu.memref_squeeze %dma_start3A_262 : memref<1x512xi32, #tpu.memory_space<vmem>> -> memref<512xi32, #tpu.memory_space<vmem>>
    %dma_start3A_264 = arith.constant 0 : i32
    %dma_start3A_265 = arith.constant 0 : i32
    %dma_start3A_266 = tpu.memref_slice %arg2[%dma_start3A_264, %dma_start3A_265] : memref<2000x32xf32, #tpu.memory_space<hbm>> -> memref<2000x32xf32, #tpu.memory_space<hbm>>
    tpu.enqueue_indirect_dma source(%dma_start3A_266 : memref<2000x32xf32, #tpu.memory_space<hbm>>) target(%dma_start3A_260 : memref<512x32xf32, #tpu.memory_space<vmem>>) offsets(%dma_start3A_263 : memref<512xi32, #tpu.memory_space<vmem>>) semaphore(%arg8 : memref<!tpu.dma_semaphore, #tpu.memory_space<semaphore_mem>>)
    %dma_wait3A_267 = arith.constant 1 : i32
    %dma_wait3A_268 = arith.constant 1 : i32
    %dma_wait3A_269 = arith.constant 0 : i32
    %dma_wait3A_270 = arith.constant 0 : i32
    %dma_wait3A_271 = tpu.memref_slice %arg6[%dma_wait3A_268, %dma_wait3A_269, %dma_wait3A_270] : memref<2x512x32xf32, #tpu.memory_space<vmem>> -> memref<1x512x32xf32, #tpu.memory_space<vmem>>
    %dma_wait3A_272 = tpu.memref_squeeze %dma_wait3A_271 : memref<1x512x32xf32, #tpu.memory_space<vmem>> -> memref<512x32xf32, #tpu.memory_space<vmem>>
    %dma_wait3A_273 = arith.constant 0 : i32
    %dma_wait3A_274 = tpu.memref_slice %arg5[%dma_wait3A_267, %dma_wait3A_273] : memref<2x512xi32, #tpu.memory_space<vmem>> -> memref<1x512xi32, #tpu.memory_space<vmem>>
    %dma_wait3A_275 = tpu.memref_squeeze %dma_wait3A_274 : memref<1x512xi32, #tpu.memory_space<vmem>> -> memref<512xi32, #tpu.memory_space<vmem>>
    %dma_wait3A_276 = arith.constant 0 : i32
    %dma_wait3A_277 = arith.constant 0 : i32
    %dma_wait3A_278 = tpu.memref_slice %arg2[%dma_wait3A_276, %dma_wait3A_277] : memref<2000x32xf32, #tpu.memory_space<hbm>> -> memref<2000x32xf32, #tpu.memory_space<hbm>>
    tpu.wait_indirect_dma semaphore(%arg8 : memref<!tpu.dma_semaphore, #tpu.memory_space<semaphore_mem>>) src(%dma_wait3A_278 : memref<2000x32xf32, #tpu.memory_space<hbm>>) dst(%dma_wait3A_272 : memref<512x32xf32, #tpu.memory_space<vmem>>)
    %dma_start3A_279 = arith.constant 1 : i32
    %dma_start3A_280 = arith.constant 0 : i32
    %dma_start3A_281 = arith.constant 0 : i32
    %dma_start3A_282 = tpu.memref_slice %arg6[%dma_start3A_279, %dma_start3A_280, %dma_start3A_281] : memref<2x512x32xf32, #tpu.memory_space<vmem>> -> memref<1x512x32xf32, #tpu.memory_space<vmem>>
    %dma_start3A_283 = tpu.memref_squeeze %dma_start3A_282 : memref<1x512x32xf32, #tpu.memory_space<vmem>> -> memref<512x32xf32, #tpu.memory_space<vmem>>
    %dma_start3A_284 = arith.constant 0 : i32
    %dma_start3A_285 = tpu.memref_slice %arg4[%add3A_253, %dma_start3A_284] : memref<131072x32xf32, #tpu.memory_space<hbm>> -> memref<512x32xf32, #tpu.memory_space<hbm>>
    %dma_start3A_286 = arith.constant 0 : i32
    %dma_start3A_287 = tpu.memref_slice %arg4[%add3A_253, %dma_start3A_286] : memref<131072x32xf32, #tpu.memory_space<hbm>> -> memref<512x32xf32, #tpu.memory_space<hbm>>
    %dma_start3A_288 = arith.constant 0 : i32
    %dma_start3A_289 = arith.constant 0 : i32
    %dma_start3A_290 = tpu.memref_slice %arg6[%dma_start3A_279, %dma_start3A_288, %dma_start3A_289] : memref<2x512x32xf32, #tpu.memory_space<vmem>> -> memref<1x512x32xf32, #tpu.memory_space<vmem>>
    %dma_start3A_291 = tpu.memref_squeeze %dma_start3A_290 : memref<1x512x32xf32, #tpu.memory_space<vmem>> -> memref<512x32xf32, #tpu.memory_space<vmem>>
    tpu.enqueue_dma source(%dma_start3A_291 : memref<512x32xf32, #tpu.memory_space<vmem>>) target(%dma_start3A_287 : memref<512x32xf32, #tpu.memory_space<hbm>>) target_semaphore(%arg8 : memref<!tpu.dma_semaphore, #tpu.memory_space<semaphore_mem>>)
    %dma_wait3A_292 = arith.constant 0 : i32
    %dma_wait3A_293 = arith.constant 0 : i32
    %dma_wait3A_294 = arith.constant 0 : i32
    %dma_wait3A_295 = tpu.memref_slice %arg6[%dma_wait3A_292, %dma_wait3A_293, %dma_wait3A_294] : memref<2x512x32xf32, #tpu.memory_space<vmem>> -> memref<1x512x32xf32, #tpu.memory_space<vmem>>
    %dma_wait3A_296 = tpu.memref_squeeze %dma_wait3A_295 : memref<1x512x32xf32, #tpu.memory_space<vmem>> -> memref<512x32xf32, #tpu.memory_space<vmem>>
    %dma_wait3A_297 = arith.constant 0 : i32
    %dma_wait3A_298 = tpu.memref_slice %arg4[%add3A_200, %dma_wait3A_297] : memref<131072x32xf32, #tpu.memory_space<hbm>> -> memref<512x32xf32, #tpu.memory_space<hbm>>
    %dma_wait3A_299 = arith.constant 0 : i32
    %dma_wait3A_300 = tpu.memref_slice %arg4[%add3A_200, %dma_wait3A_299] : memref<131072x32xf32, #tpu.memory_space<hbm>> -> memref<512x32xf32, #tpu.memory_space<hbm>>
    %dma_wait3A_301 = arith.constant 0 : i32
    %dma_wait3A_302 = arith.constant 0 : i32
    %dma_wait3A_303 = tpu.memref_slice %arg6[%dma_wait3A_292, %dma_wait3A_301, %dma_wait3A_302] : memref<2x512x32xf32, #tpu.memory_space<vmem>> -> memref<1x512x32xf32, #tpu.memory_space<vmem>>
    %dma_wait3A_304 = tpu.memref_squeeze %dma_wait3A_303 : memref<1x512x32xf32, #tpu.memory_space<vmem>> -> memref<512x32xf32, #tpu.memory_space<vmem>>
    tpu.wait_dma2 semaphore(%arg7 : memref<!tpu.dma_semaphore, #tpu.memory_space<semaphore_mem>>) src(%dma_wait3A_304 : memref<512x32xf32, #tpu.memory_space<vmem>>) dst(%dma_wait3A_300 : memref<512x32xf32, #tpu.memory_space<hbm>>)
    %add3A_305 = arith.constant 3072 : i32
    %add3A_306 = arith.addi %mul3A_2, %add3A_305 : i32
    %run_scoped3A_307 = arith.constant 0 : i32
    "tpu.region"() ({
      %run_scoped3A_424 = tpu.sem_alloc : memref<!tpu.dma_semaphore, #tpu.memory_space<semaphore_mem>>
      %dma_start3A_425 = arith.constant 0 : i32
      %dma_start3A_426 = tpu.memref_slice %arg5[%run_scoped3A_307, %dma_start3A_425] : memref<2x512xi32, #tpu.memory_space<vmem>> -> memref<1x512xi32, #tpu.memory_space<vmem>>
      %dma_start3A_427 = tpu.memref_squeeze %dma_start3A_426 : memref<1x512xi32, #tpu.memory_space<vmem>> -> memref<512xi32, #tpu.memory_space<vmem>>
      %dma_start3A_428 = tpu.memref_slice %arg3[%add3A_306] : memref<131072xi32, #tpu.memory_space<hbm>> -> memref<512xi32, #tpu.memory_space<hbm>>
      %dma_start3A_429 = arith.constant 0 : i32
      %dma_start3A_430 = tpu.memref_slice %arg5[%run_scoped3A_307, %dma_start3A_429] : memref<2x512xi32, #tpu.memory_space<vmem>> -> memref<1x512xi32, #tpu.memory_space<vmem>>
      %dma_start3A_431 = tpu.memref_squeeze %dma_start3A_430 : memref<1x512xi32, #tpu.memory_space<vmem>> -> memref<512xi32, #tpu.memory_space<vmem>>
      %dma_start3A_432 = tpu.memref_slice %arg3[%add3A_306] : memref<131072xi32, #tpu.memory_space<hbm>> -> memref<512xi32, #tpu.memory_space<hbm>>
      tpu.enqueue_dma source(%dma_start3A_432 : memref<512xi32, #tpu.memory_space<hbm>>) target(%dma_start3A_431 : memref<512xi32, #tpu.memory_space<vmem>>) target_semaphore(%run_scoped3A_424 : memref<!tpu.dma_semaphore, #tpu.memory_space<semaphore_mem>>)
      %dma_wait3A_433 = arith.constant 0 : i32
      %dma_wait3A_434 = tpu.memref_slice %arg5[%run_scoped3A_307, %dma_wait3A_433] : memref<2x512xi32, #tpu.memory_space<vmem>> -> memref<1x512xi32, #tpu.memory_space<vmem>>
      %dma_wait3A_435 = tpu.memref_squeeze %dma_wait3A_434 : memref<1x512xi32, #tpu.memory_space<vmem>> -> memref<512xi32, #tpu.memory_space<vmem>>
      %dma_wait3A_436 = tpu.memref_slice %arg3[%add3A_306] : memref<131072xi32, #tpu.memory_space<hbm>> -> memref<512xi32, #tpu.memory_space<hbm>>
      %dma_wait3A_437 = arith.constant 0 : i32
      %dma_wait3A_438 = tpu.memref_slice %arg5[%run_scoped3A_307, %dma_wait3A_437] : memref<2x512xi32, #tpu.memory_space<vmem>> -> memref<1x512xi32, #tpu.memory_space<vmem>>
      %dma_wait3A_439 = tpu.memref_squeeze %dma_wait3A_438 : memref<1x512xi32, #tpu.memory_space<vmem>> -> memref<512xi32, #tpu.memory_space<vmem>>
      %dma_wait3A_440 = tpu.memref_slice %arg3[%add3A_306] : memref<131072xi32, #tpu.memory_space<hbm>> -> memref<512xi32, #tpu.memory_space<hbm>>
      tpu.wait_dma2 semaphore(%run_scoped3A_424 : memref<!tpu.dma_semaphore, #tpu.memory_space<semaphore_mem>>) src(%dma_wait3A_440 : memref<512xi32, #tpu.memory_space<hbm>>) dst(%dma_wait3A_439 : memref<512xi32, #tpu.memory_space<vmem>>)
      tpu.yield
    }) : () -> ()
    %dma_start3A_308 = arith.constant 0 : i32
    %dma_start3A_309 = arith.constant 0 : i32
    %dma_start3A_310 = arith.constant 0 : i32
    %dma_start3A_311 = arith.constant 0 : i32
    %dma_start3A_312 = tpu.memref_slice %arg6[%dma_start3A_309, %dma_start3A_310, %dma_start3A_311] : memref<2x512x32xf32, #tpu.memory_space<vmem>> -> memref<1x512x32xf32, #tpu.memory_space<vmem>>
    %dma_start3A_313 = tpu.memref_squeeze %dma_start3A_312 : memref<1x512x32xf32, #tpu.memory_space<vmem>> -> memref<512x32xf32, #tpu.memory_space<vmem>>
    %dma_start3A_314 = arith.constant 0 : i32
    %dma_start3A_315 = tpu.memref_slice %arg5[%dma_start3A_308, %dma_start3A_314] : memref<2x512xi32, #tpu.memory_space<vmem>> -> memref<1x512xi32, #tpu.memory_space<vmem>>
    %dma_start3A_316 = tpu.memref_squeeze %dma_start3A_315 : memref<1x512xi32, #tpu.memory_space<vmem>> -> memref<512xi32, #tpu.memory_space<vmem>>
    %dma_start3A_317 = arith.constant 0 : i32
    %dma_start3A_318 = arith.constant 0 : i32
    %dma_start3A_319 = tpu.memref_slice %arg2[%dma_start3A_317, %dma_start3A_318] : memref<2000x32xf32, #tpu.memory_space<hbm>> -> memref<2000x32xf32, #tpu.memory_space<hbm>>
    tpu.enqueue_indirect_dma source(%dma_start3A_319 : memref<2000x32xf32, #tpu.memory_space<hbm>>) target(%dma_start3A_313 : memref<512x32xf32, #tpu.memory_space<vmem>>) offsets(%dma_start3A_316 : memref<512xi32, #tpu.memory_space<vmem>>) semaphore(%arg7 : memref<!tpu.dma_semaphore, #tpu.memory_space<semaphore_mem>>)
    %dma_wait3A_320 = arith.constant 0 : i32
    %dma_wait3A_321 = arith.constant 0 : i32
    %dma_wait3A_322 = arith.constant 0 : i32
    %dma_wait3A_323 = arith.constant 0 : i32
    %dma_wait3A_324 = tpu.memref_slice %arg6[%dma_wait3A_321, %dma_wait3A_322, %dma_wait3A_323] : memref<2x512x32xf32, #tpu.memory_space<vmem>> -> memref<1x512x32xf32, #tpu.memory_space<vmem>>
    %dma_wait3A_325 = tpu.memref_squeeze %dma_wait3A_324 : memref<1x512x32xf32, #tpu.memory_space<vmem>> -> memref<512x32xf32, #tpu.memory_space<vmem>>
    %dma_wait3A_326 = arith.constant 0 : i32
    %dma_wait3A_327 = tpu.memref_slice %arg5[%dma_wait3A_320, %dma_wait3A_326] : memref<2x512xi32, #tpu.memory_space<vmem>> -> memref<1x512xi32, #tpu.memory_space<vmem>>
    %dma_wait3A_328 = tpu.memref_squeeze %dma_wait3A_327 : memref<1x512xi32, #tpu.memory_space<vmem>> -> memref<512xi32, #tpu.memory_space<vmem>>
    %dma_wait3A_329 = arith.constant 0 : i32
    %dma_wait3A_330 = arith.constant 0 : i32
    %dma_wait3A_331 = tpu.memref_slice %arg2[%dma_wait3A_329, %dma_wait3A_330] : memref<2000x32xf32, #tpu.memory_space<hbm>> -> memref<2000x32xf32, #tpu.memory_space<hbm>>
    tpu.wait_indirect_dma semaphore(%arg7 : memref<!tpu.dma_semaphore, #tpu.memory_space<semaphore_mem>>) src(%dma_wait3A_331 : memref<2000x32xf32, #tpu.memory_space<hbm>>) dst(%dma_wait3A_325 : memref<512x32xf32, #tpu.memory_space<vmem>>)
    %dma_start3A_332 = arith.constant 0 : i32
    %dma_start3A_333 = arith.constant 0 : i32
    %dma_start3A_334 = arith.constant 0 : i32
    %dma_start3A_335 = tpu.memref_slice %arg6[%dma_start3A_332, %dma_start3A_333, %dma_start3A_334] : memref<2x512x32xf32, #tpu.memory_space<vmem>> -> memref<1x512x32xf32, #tpu.memory_space<vmem>>
    %dma_start3A_336 = tpu.memref_squeeze %dma_start3A_335 : memref<1x512x32xf32, #tpu.memory_space<vmem>> -> memref<512x32xf32, #tpu.memory_space<vmem>>
    %dma_start3A_337 = arith.constant 0 : i32
    %dma_start3A_338 = tpu.memref_slice %arg4[%add3A_306, %dma_start3A_337] : memref<131072x32xf32, #tpu.memory_space<hbm>> -> memref<512x32xf32, #tpu.memory_space<hbm>>
    %dma_start3A_339 = arith.constant 0 : i32
    %dma_start3A_340 = tpu.memref_slice %arg4[%add3A_306, %dma_start3A_339] : memref<131072x32xf32, #tpu.memory_space<hbm>> -> memref<512x32xf32, #tpu.memory_space<hbm>>
    %dma_start3A_341 = arith.constant 0 : i32
    %dma_start3A_342 = arith.constant 0 : i32
    %dma_start3A_343 = tpu.memref_slice %arg6[%dma_start3A_332, %dma_start3A_341, %dma_start3A_342] : memref<2x512x32xf32, #tpu.memory_space<vmem>> -> memref<1x512x32xf32, #tpu.memory_space<vmem>>
    %dma_start3A_344 = tpu.memref_squeeze %dma_start3A_343 : memref<1x512x32xf32, #tpu.memory_space<vmem>> -> memref<512x32xf32, #tpu.memory_space<vmem>>
    tpu.enqueue_dma source(%dma_start3A_344 : memref<512x32xf32, #tpu.memory_space<vmem>>) target(%dma_start3A_340 : memref<512x32xf32, #tpu.memory_space<hbm>>) target_semaphore(%arg7 : memref<!tpu.dma_semaphore, #tpu.memory_space<semaphore_mem>>)
    %dma_wait3A_345 = arith.constant 1 : i32
    %dma_wait3A_346 = arith.constant 0 : i32
    %dma_wait3A_347 = arith.constant 0 : i32
    %dma_wait3A_348 = tpu.memref_slice %arg6[%dma_wait3A_345, %dma_wait3A_346, %dma_wait3A_347] : memref<2x512x32xf32, #tpu.memory_space<vmem>> -> memref<1x512x32xf32, #tpu.memory_space<vmem>>
    %dma_wait3A_349 = tpu.memref_squeeze %dma_wait3A_348 : memref<1x512x32xf32, #tpu.memory_space<vmem>> -> memref<512x32xf32, #tpu.memory_space<vmem>>
    %dma_wait3A_350 = arith.constant 0 : i32
    %dma_wait3A_351 = tpu.memref_slice %arg4[%add3A_253, %dma_wait3A_350] : memref<131072x32xf32, #tpu.memory_space<hbm>> -> memref<512x32xf32, #tpu.memory_space<hbm>>
    %dma_wait3A_352 = arith.constant 0 : i32
    %dma_wait3A_353 = tpu.memref_slice %arg4[%add3A_253, %dma_wait3A_352] : memref<131072x32xf32, #tpu.memory_space<hbm>> -> memref<512x32xf32, #tpu.memory_space<hbm>>
    %dma_wait3A_354 = arith.constant 0 : i32
    %dma_wait3A_355 = arith.constant 0 : i32
    %dma_wait3A_356 = tpu.memref_slice %arg6[%dma_wait3A_345, %dma_wait3A_354, %dma_wait3A_355] : memref<2x512x32xf32, #tpu.memory_space<vmem>> -> memref<1x512x32xf32, #tpu.memory_space<vmem>>
    %dma_wait3A_357 = tpu.memref_squeeze %dma_wait3A_356 : memref<1x512x32xf32, #tpu.memory_space<vmem>> -> memref<512x32xf32, #tpu.memory_space<vmem>>
    tpu.wait_dma2 semaphore(%arg8 : memref<!tpu.dma_semaphore, #tpu.memory_space<semaphore_mem>>) src(%dma_wait3A_357 : memref<512x32xf32, #tpu.memory_space<vmem>>) dst(%dma_wait3A_353 : memref<512x32xf32, #tpu.memory_space<hbm>>)
    %add3A_358 = arith.constant 3584 : i32
    %add3A_359 = arith.addi %mul3A_2, %add3A_358 : i32
    %run_scoped3A_360 = arith.constant 1 : i32
    "tpu.region"() ({
      %run_scoped3A_424 = tpu.sem_alloc : memref<!tpu.dma_semaphore, #tpu.memory_space<semaphore_mem>>
      %dma_start3A_425 = arith.constant 0 : i32
      %dma_start3A_426 = tpu.memref_slice %arg5[%run_scoped3A_360, %dma_start3A_425] : memref<2x512xi32, #tpu.memory_space<vmem>> -> memref<1x512xi32, #tpu.memory_space<vmem>>
      %dma_start3A_427 = tpu.memref_squeeze %dma_start3A_426 : memref<1x512xi32, #tpu.memory_space<vmem>> -> memref<512xi32, #tpu.memory_space<vmem>>
      %dma_start3A_428 = tpu.memref_slice %arg3[%add3A_359] : memref<131072xi32, #tpu.memory_space<hbm>> -> memref<512xi32, #tpu.memory_space<hbm>>
      %dma_start3A_429 = arith.constant 0 : i32
      %dma_start3A_430 = tpu.memref_slice %arg5[%run_scoped3A_360, %dma_start3A_429] : memref<2x512xi32, #tpu.memory_space<vmem>> -> memref<1x512xi32, #tpu.memory_space<vmem>>
      %dma_start3A_431 = tpu.memref_squeeze %dma_start3A_430 : memref<1x512xi32, #tpu.memory_space<vmem>> -> memref<512xi32, #tpu.memory_space<vmem>>
      %dma_start3A_432 = tpu.memref_slice %arg3[%add3A_359] : memref<131072xi32, #tpu.memory_space<hbm>> -> memref<512xi32, #tpu.memory_space<hbm>>
      tpu.enqueue_dma source(%dma_start3A_432 : memref<512xi32, #tpu.memory_space<hbm>>) target(%dma_start3A_431 : memref<512xi32, #tpu.memory_space<vmem>>) target_semaphore(%run_scoped3A_424 : memref<!tpu.dma_semaphore, #tpu.memory_space<semaphore_mem>>)
      %dma_wait3A_433 = arith.constant 0 : i32
      %dma_wait3A_434 = tpu.memref_slice %arg5[%run_scoped3A_360, %dma_wait3A_433] : memref<2x512xi32, #tpu.memory_space<vmem>> -> memref<1x512xi32, #tpu.memory_space<vmem>>
      %dma_wait3A_435 = tpu.memref_squeeze %dma_wait3A_434 : memref<1x512xi32, #tpu.memory_space<vmem>> -> memref<512xi32, #tpu.memory_space<vmem>>
      %dma_wait3A_436 = tpu.memref_slice %arg3[%add3A_359] : memref<131072xi32, #tpu.memory_space<hbm>> -> memref<512xi32, #tpu.memory_space<hbm>>
      %dma_wait3A_437 = arith.constant 0 : i32
      %dma_wait3A_438 = tpu.memref_slice %arg5[%run_scoped3A_360, %dma_wait3A_437] : memref<2x512xi32, #tpu.memory_space<vmem>> -> memref<1x512xi32, #tpu.memory_space<vmem>>
      %dma_wait3A_439 = tpu.memref_squeeze %dma_wait3A_438 : memref<1x512xi32, #tpu.memory_space<vmem>> -> memref<512xi32, #tpu.memory_space<vmem>>
      %dma_wait3A_440 = tpu.memref_slice %arg3[%add3A_359] : memref<131072xi32, #tpu.memory_space<hbm>> -> memref<512xi32, #tpu.memory_space<hbm>>
      tpu.wait_dma2 semaphore(%run_scoped3A_424 : memref<!tpu.dma_semaphore, #tpu.memory_space<semaphore_mem>>) src(%dma_wait3A_440 : memref<512xi32, #tpu.memory_space<hbm>>) dst(%dma_wait3A_439 : memref<512xi32, #tpu.memory_space<vmem>>)
      tpu.yield
    }) : () -> ()
    %dma_start3A_361 = arith.constant 1 : i32
    %dma_start3A_362 = arith.constant 1 : i32
    %dma_start3A_363 = arith.constant 0 : i32
    %dma_start3A_364 = arith.constant 0 : i32
    %dma_start3A_365 = tpu.memref_slice %arg6[%dma_start3A_362, %dma_start3A_363, %dma_start3A_364] : memref<2x512x32xf32, #tpu.memory_space<vmem>> -> memref<1x512x32xf32, #tpu.memory_space<vmem>>
    %dma_start3A_366 = tpu.memref_squeeze %dma_start3A_365 : memref<1x512x32xf32, #tpu.memory_space<vmem>> -> memref<512x32xf32, #tpu.memory_space<vmem>>
    %dma_start3A_367 = arith.constant 0 : i32
    %dma_start3A_368 = tpu.memref_slice %arg5[%dma_start3A_361, %dma_start3A_367] : memref<2x512xi32, #tpu.memory_space<vmem>> -> memref<1x512xi32, #tpu.memory_space<vmem>>
    %dma_start3A_369 = tpu.memref_squeeze %dma_start3A_368 : memref<1x512xi32, #tpu.memory_space<vmem>> -> memref<512xi32, #tpu.memory_space<vmem>>
    %dma_start3A_370 = arith.constant 0 : i32
    %dma_start3A_371 = arith.constant 0 : i32
    %dma_start3A_372 = tpu.memref_slice %arg2[%dma_start3A_370, %dma_start3A_371] : memref<2000x32xf32, #tpu.memory_space<hbm>> -> memref<2000x32xf32, #tpu.memory_space<hbm>>
    tpu.enqueue_indirect_dma source(%dma_start3A_372 : memref<2000x32xf32, #tpu.memory_space<hbm>>) target(%dma_start3A_366 : memref<512x32xf32, #tpu.memory_space<vmem>>) offsets(%dma_start3A_369 : memref<512xi32, #tpu.memory_space<vmem>>) semaphore(%arg8 : memref<!tpu.dma_semaphore, #tpu.memory_space<semaphore_mem>>)
    %dma_wait3A_373 = arith.constant 1 : i32
    %dma_wait3A_374 = arith.constant 1 : i32
    %dma_wait3A_375 = arith.constant 0 : i32
    %dma_wait3A_376 = arith.constant 0 : i32
    %dma_wait3A_377 = tpu.memref_slice %arg6[%dma_wait3A_374, %dma_wait3A_375, %dma_wait3A_376] : memref<2x512x32xf32, #tpu.memory_space<vmem>> -> memref<1x512x32xf32, #tpu.memory_space<vmem>>
    %dma_wait3A_378 = tpu.memref_squeeze %dma_wait3A_377 : memref<1x512x32xf32, #tpu.memory_space<vmem>> -> memref<512x32xf32, #tpu.memory_space<vmem>>
    %dma_wait3A_379 = arith.constant 0 : i32
    %dma_wait3A_380 = tpu.memref_slice %arg5[%dma_wait3A_373, %dma_wait3A_379] : memref<2x512xi32, #tpu.memory_space<vmem>> -> memref<1x512xi32, #tpu.memory_space<vmem>>
    %dma_wait3A_381 = tpu.memref_squeeze %dma_wait3A_380 : memref<1x512xi32, #tpu.memory_space<vmem>> -> memref<512xi32, #tpu.memory_space<vmem>>
    %dma_wait3A_382 = arith.constant 0 : i32
    %dma_wait3A_383 = arith.constant 0 : i32
    %dma_wait3A_384 = tpu.memref_slice %arg2[%dma_wait3A_382, %dma_wait3A_383] : memref<2000x32xf32, #tpu.memory_space<hbm>> -> memref<2000x32xf32, #tpu.memory_space<hbm>>
    tpu.wait_indirect_dma semaphore(%arg8 : memref<!tpu.dma_semaphore, #tpu.memory_space<semaphore_mem>>) src(%dma_wait3A_384 : memref<2000x32xf32, #tpu.memory_space<hbm>>) dst(%dma_wait3A_378 : memref<512x32xf32, #tpu.memory_space<vmem>>)
    %dma_start3A_385 = arith.constant 1 : i32
    %dma_start3A_386 = arith.constant 0 : i32
    %dma_start3A_387 = arith.constant 0 : i32
    %dma_start3A_388 = tpu.memref_slice %arg6[%dma_start3A_385, %dma_start3A_386, %dma_start3A_387] : memref<2x512x32xf32, #tpu.memory_space<vmem>> -> memref<1x512x32xf32, #tpu.memory_space<vmem>>
    %dma_start3A_389 = tpu.memref_squeeze %dma_start3A_388 : memref<1x512x32xf32, #tpu.memory_space<vmem>> -> memref<512x32xf32, #tpu.memory_space<vmem>>
    %dma_start3A_390 = arith.constant 0 : i32
    %dma_start3A_391 = tpu.memref_slice %arg4[%add3A_359, %dma_start3A_390] : memref<131072x32xf32, #tpu.memory_space<hbm>> -> memref<512x32xf32, #tpu.memory_space<hbm>>
    %dma_start3A_392 = arith.constant 0 : i32
    %dma_start3A_393 = tpu.memref_slice %arg4[%add3A_359, %dma_start3A_392] : memref<131072x32xf32, #tpu.memory_space<hbm>> -> memref<512x32xf32, #tpu.memory_space<hbm>>
    %dma_start3A_394 = arith.constant 0 : i32
    %dma_start3A_395 = arith.constant 0 : i32
    %dma_start3A_396 = tpu.memref_slice %arg6[%dma_start3A_385, %dma_start3A_394, %dma_start3A_395] : memref<2x512x32xf32, #tpu.memory_space<vmem>> -> memref<1x512x32xf32, #tpu.memory_space<vmem>>
    %dma_start3A_397 = tpu.memref_squeeze %dma_start3A_396 : memref<1x512x32xf32, #tpu.memory_space<vmem>> -> memref<512x32xf32, #tpu.memory_space<vmem>>
    tpu.enqueue_dma source(%dma_start3A_397 : memref<512x32xf32, #tpu.memory_space<vmem>>) target(%dma_start3A_393 : memref<512x32xf32, #tpu.memory_space<hbm>>) target_semaphore(%arg8 : memref<!tpu.dma_semaphore, #tpu.memory_space<semaphore_mem>>)
    %dma_wait3A_398 = arith.constant 0 : i32
    %dma_wait3A_399 = arith.constant 0 : i32
    %dma_wait3A_400 = arith.constant 0 : i32
    %dma_wait3A_401 = tpu.memref_slice %arg6[%dma_wait3A_398, %dma_wait3A_399, %dma_wait3A_400] : memref<2x512x32xf32, #tpu.memory_space<vmem>> -> memref<1x512x32xf32, #tpu.memory_space<vmem>>
    %dma_wait3A_402 = tpu.memref_squeeze %dma_wait3A_401 : memref<1x512x32xf32, #tpu.memory_space<vmem>> -> memref<512x32xf32, #tpu.memory_space<vmem>>
    %dma_wait3A_403 = arith.constant 0 : i32
    %dma_wait3A_404 = tpu.memref_slice %arg4[%add3A_306, %dma_wait3A_403] : memref<131072x32xf32, #tpu.memory_space<hbm>> -> memref<512x32xf32, #tpu.memory_space<hbm>>
    %dma_wait3A_405 = arith.constant 0 : i32
    %dma_wait3A_406 = tpu.memref_slice %arg4[%add3A_306, %dma_wait3A_405] : memref<131072x32xf32, #tpu.memory_space<hbm>> -> memref<512x32xf32, #tpu.memory_space<hbm>>
    %dma_wait3A_407 = arith.constant 0 : i32
    %dma_wait3A_408 = arith.constant 0 : i32
    %dma_wait3A_409 = tpu.memref_slice %arg6[%dma_wait3A_398, %dma_wait3A_407, %dma_wait3A_408] : memref<2x512x32xf32, #tpu.memory_space<vmem>> -> memref<1x512x32xf32, #tpu.memory_space<vmem>>
    %dma_wait3A_410 = tpu.memref_squeeze %dma_wait3A_409 : memref<1x512x32xf32, #tpu.memory_space<vmem>> -> memref<512x32xf32, #tpu.memory_space<vmem>>
    tpu.wait_dma2 semaphore(%arg7 : memref<!tpu.dma_semaphore, #tpu.memory_space<semaphore_mem>>) src(%dma_wait3A_410 : memref<512x32xf32, #tpu.memory_space<vmem>>) dst(%dma_wait3A_406 : memref<512x32xf32, #tpu.memory_space<hbm>>)
    %dma_wait3A_411 = arith.constant 1 : i32
    %dma_wait3A_412 = arith.constant 0 : i32
    %dma_wait3A_413 = arith.constant 0 : i32
    %dma_wait3A_414 = tpu.memref_slice %arg6[%dma_wait3A_411, %dma_wait3A_412, %dma_wait3A_413] : memref<2x512x32xf32, #tpu.memory_space<vmem>> -> memref<1x512x32xf32, #tpu.memory_space<vmem>>
    %dma_wait3A_415 = tpu.memref_squeeze %dma_wait3A_414 : memref<1x512x32xf32, #tpu.memory_space<vmem>> -> memref<512x32xf32, #tpu.memory_space<vmem>>
    %dma_wait3A_416 = arith.constant 0 : i32
    %dma_wait3A_417 = tpu.memref_slice %arg4[%add3A_359, %dma_wait3A_416] : memref<131072x32xf32, #tpu.memory_space<hbm>> -> memref<512x32xf32, #tpu.memory_space<hbm>>
    %dma_wait3A_418 = arith.constant 0 : i32
    %dma_wait3A_419 = tpu.memref_slice %arg4[%add3A_359, %dma_wait3A_418] : memref<131072x32xf32, #tpu.memory_space<hbm>> -> memref<512x32xf32, #tpu.memory_space<hbm>>
    %dma_wait3A_420 = arith.constant 0 : i32
    %dma_wait3A_421 = arith.constant 0 : i32
    %dma_wait3A_422 = tpu.memref_slice %arg6[%dma_wait3A_411, %dma_wait3A_420, %dma_wait3A_421] : memref<2x512x32xf32, #tpu.memory_space<vmem>> -> memref<1x512x32xf32, #tpu.memory_space<vmem>>
    %dma_wait3A_423 = tpu.memref_squeeze %dma_wait3A_422 : memref<1x512x32xf32, #tpu.memory_space<vmem>> -> memref<512x32xf32, #tpu.memory_space<vmem>>
    tpu.wait_dma2 semaphore(%arg8 : memref<!tpu.dma_semaphore, #tpu.memory_space<semaphore_mem>>) src(%dma_wait3A_423 : memref<512x32xf32, #tpu.memory_space<vmem>>) dst(%dma_wait3A_419 : memref<512x32xf32, #tpu.memory_space<hbm>>)
    return
  }
}

#map = affine_map<(d0, d1) -> (0, 0)>
#map1 = affine_map<(d0, d1) -> (0)>
module attributes {stable_mosaic.version = 14 : i64} {
  func.func @gather_k(%arg0: i32, %arg1: i32, %arg2: memref<2000x32xf32, #tpu.memory_space<hbm>>, %arg3: memref<131072xi32, #tpu.memory_space<hbm>>, %arg4: memref<131072x32xf32, #tpu.memory_space<hbm>>, %arg5: memref<2x512xi32, #tpu.memory_space<vmem>>, %arg6: memref<2x512x32xf32, #tpu.memory_space<vmem>>, %arg7: memref<!tpu.dma_semaphore, #tpu.memory_space<semaphore_mem>>, %arg8: memref<!tpu.dma_semaphore, #tpu.memory_space<semaphore_mem>>) attributes {dimension_semantics = [#tpu.dimension_semantics<core_parallel>, #tpu.dimension_semantics<subcore_parallel>], iteration_bounds = array<i64: 2, 16>, scalar_prefetch = 0 : i64, scratch_operands = 4 : i64, tpu.core_type = #tpu.core_type<sc_vector_subcore>, window_params = [{transform_indices = #map}, {transform_indices = #map1}, {transform_indices = #map}]} {
    %mul3A = arith.constant 2 : i32
    %mul3A_0 = arith.muli %arg1, %mul3A : i32
    %add3A = arith.addi %mul3A_0, %arg0 : i32
    %mul3A_1 = arith.constant 4096 : i32
    %mul3A_2 = arith.muli %add3A, %mul3A_1 : i32
    %add3A_3 = arith.constant 0 : i32
    %add3A_4 = arith.addi %mul3A_2, %add3A_3 : i32
    %run_scoped3A = arith.constant 0 : i32
    "tpu.region"() ({
      %run_scoped3A_424 = tpu.sem_alloc : memref<!tpu.dma_semaphore, #tpu.memory_space<semaphore_mem>>
      %dma_start3A_425 = arith.constant 0 : i32
      %dma_start3A_426 = tpu.memref_slice %arg5[%run_scoped3A, %dma_start3A_425] : memref<2x512xi32, #tpu.memory_space<vmem>> -> memref<1x512xi32, #tpu.memory_space<vmem>>
      %dma_start3A_427 = tpu.memref_squeeze %dma_start3A_426 : memref<1x512xi32, #tpu.memory_space<vmem>> -> memref<512xi32, #tpu.memory_space<vmem>>
      %dma_start3A_428 = tpu.memref_slice %arg3[%add3A_4] : memref<131072xi32, #tpu.memory_space<hbm>> -> memref<512xi32, #tpu.memory_space<hbm>>
      %dma_start3A_429 = arith.constant 0 : i32
      %dma_start3A_430 = tpu.memref_slice %arg5[%run_scoped3A, %dma_start3A_429] : memref<2x512xi32, #tpu.memory_space<vmem>> -> memref<1x512xi32, #tpu.memory_space<vmem>>
      %dma_start3A_431 = tpu.memref_squeeze %dma_start3A_430 : memref<1x512xi32, #tpu.memory_space<vmem>> -> memref<512xi32, #tpu.memory_space<vmem>>
      %dma_start3A_432 = tpu.memref_slice %arg3[%add3A_4] : memref<131072xi32, #tpu.memory_space<hbm>> -> memref<512xi32, #tpu.memory_space<hbm>>
      tpu.enqueue_dma source(%dma_start3A_432 : memref<512xi32, #tpu.memory_space<hbm>>) target(%dma_start3A_431 : memref<512xi32, #tpu.memory_space<vmem>>) target_semaphore(%run_scoped3A_424 : memref<!tpu.dma_semaphore, #tpu.memory_space<semaphore_mem>>)
      %dma_wait3A_433 = arith.constant 0 : i32
      %dma_wait3A_434 = tpu.memref_slice %arg5[%run_scoped3A, %dma_wait3A_433] : memref<2x512xi32, #tpu.memory_space<vmem>> -> memref<1x512xi32, #tpu.memory_space<vmem>>
      %dma_wait3A_435 = tpu.memref_squeeze %dma_wait3A_434 : memref<1x512xi32, #tpu.memory_space<vmem>> -> memref<512xi32, #tpu.memory_space<vmem>>
      %dma_wait3A_436 = tpu.memref_slice %arg3[%add3A_4] : memref<131072xi32, #tpu.memory_space<hbm>> -> memref<512xi32, #tpu.memory_space<hbm>>
      %dma_wait3A_437 = arith.constant 0 : i32
      %dma_wait3A_438 = tpu.memref_slice %arg5[%run_scoped3A, %dma_wait3A_437] : memref<2x512xi32, #tpu.memory_space<vmem>> -> memref<1x512xi32, #tpu.memory_space<vmem>>
      %dma_wait3A_439 = tpu.memref_squeeze %dma_wait3A_438 : memref<1x512xi32, #tpu.memory_space<vmem>> -> memref<512xi32, #tpu.memory_space<vmem>>
      %dma_wait3A_440 = tpu.memref_slice %arg3[%add3A_4] : memref<131072xi32, #tpu.memory_space<hbm>> -> memref<512xi32, #tpu.memory_space<hbm>>
      tpu.wait_dma2 semaphore(%run_scoped3A_424 : memref<!tpu.dma_semaphore, #tpu.memory_space<semaphore_mem>>) src(%dma_wait3A_440 : memref<512xi32, #tpu.memory_space<hbm>>) dst(%dma_wait3A_439 : memref<512xi32, #tpu.memory_space<vmem>>)
      tpu.yield
    }) : () -> ()
    %dma_start3A = arith.constant 0 : i32
    %dma_start3A_5 = arith.constant 0 : i32
    %dma_start3A_6 = arith.constant 0 : i32
    %dma_start3A_7 = arith.constant 0 : i32
    %dma_start3A_8 = tpu.memref_slice %arg6[%dma_start3A_5, %dma_start3A_6, %dma_start3A_7] : memref<2x512x32xf32, #tpu.memory_space<vmem>> -> memref<1x512x32xf32, #tpu.memory_space<vmem>>
    %dma_start3A_9 = tpu.memref_squeeze %dma_start3A_8 : memref<1x512x32xf32, #tpu.memory_space<vmem>> -> memref<512x32xf32, #tpu.memory_space<vmem>>
    %dma_start3A_10 = arith.constant 0 : i32
    %dma_start3A_11 = tpu.memref_slice %arg5[%dma_start3A, %dma_start3A_10] : memref<2x512xi32, #tpu.memory_space<vmem>> -> memref<1x512xi32, #tpu.memory_space<vmem>>
    %dma_start3A_12 = tpu.memref_squeeze %dma_start3A_11 : memref<1x512xi32, #tpu.memory_space<vmem>> -> memref<512xi32, #tpu.memory_space<vmem>>
    %dma_start3A_13 = arith.constant 0 : i32
    %dma_start3A_14 = arith.constant 0 : i32
    %dma_start3A_15 = tpu.memref_slice %arg2[%dma_start3A_13, %dma_start3A_14] : memref<2000x32xf32, #tpu.memory_space<hbm>> -> memref<2000x32xf32, #tpu.memory_space<hbm>>
    tpu.enqueue_indirect_dma source(%dma_start3A_15 : memref<2000x32xf32, #tpu.memory_space<hbm>>) target(%dma_start3A_9 : memref<512x32xf32, #tpu.memory_space<vmem>>) offsets(%dma_start3A_12 : memref<512xi32, #tpu.memory_space<vmem>>) semaphore(%arg7 : memref<!tpu.dma_semaphore, #tpu.memory_space<semaphore_mem>>)
    %dma_wait3A = arith.constant 0 : i32
    %dma_wait3A_16 = arith.constant 0 : i32
    %dma_wait3A_17 = arith.constant 0 : i32
    %dma_wait3A_18 = arith.constant 0 : i32
    %dma_wait3A_19 = tpu.memref_slice %arg6[%dma_wait3A_16, %dma_wait3A_17, %dma_wait3A_18] : memref<2x512x32xf32, #tpu.memory_space<vmem>> -> memref<1x512x32xf32, #tpu.memory_space<vmem>>
    %dma_wait3A_20 = tpu.memref_squeeze %dma_wait3A_19 : memref<1x512x32xf32, #tpu.memory_space<vmem>> -> memref<512x32xf32, #tpu.memory_space<vmem>>
    %dma_wait3A_21 = arith.constant 0 : i32
    %dma_wait3A_22 = tpu.memref_slice %arg5[%dma_wait3A, %dma_wait3A_21] : memref<2x512xi32, #tpu.memory_space<vmem>> -> memref<1x512xi32, #tpu.memory_space<vmem>>
    %dma_wait3A_23 = tpu.memref_squeeze %dma_wait3A_22 : memref<1x512xi32, #tpu.memory_space<vmem>> -> memref<512xi32, #tpu.memory_space<vmem>>
    %dma_wait3A_24 = arith.constant 0 : i32
    %dma_wait3A_25 = arith.constant 0 : i32
    %dma_wait3A_26 = tpu.memref_slice %arg2[%dma_wait3A_24, %dma_wait3A_25] : memref<2000x32xf32, #tpu.memory_space<hbm>> -> memref<2000x32xf32, #tpu.memory_space<hbm>>
    tpu.wait_indirect_dma semaphore(%arg7 : memref<!tpu.dma_semaphore, #tpu.memory_space<semaphore_mem>>) src(%dma_wait3A_26 : memref<2000x32xf32, #tpu.memory_space<hbm>>) dst(%dma_wait3A_20 : memref<512x32xf32, #tpu.memory_space<vmem>>)
    %dma_start3A_27 = arith.constant 0 : i32
    %dma_start3A_28 = arith.constant 0 : i32
    %dma_start3A_29 = arith.constant 0 : i32
    %dma_start3A_30 = tpu.memref_slice %arg6[%dma_start3A_27, %dma_start3A_28, %dma_start3A_29] : memref<2x512x32xf32, #tpu.memory_space<vmem>> -> memref<1x512x32xf32, #tpu.memory_space<vmem>>
    %dma_start3A_31 = tpu.memref_squeeze %dma_start3A_30 : memref<1x512x32xf32, #tpu.memory_space<vmem>> -> memref<512x32xf32, #tpu.memory_space<vmem>>
    %dma_start3A_32 = arith.constant 0 : i32
    %dma_start3A_33 = tpu.memref_slice %arg4[%add3A_4, %dma_start3A_32] : memref<131072x32xf32, #tpu.memory_space<hbm>> -> memref<512x32xf32, #tpu.memory_space<hbm>>
    %dma_start3A_34 = arith.constant 0 : i32
    %dma_start3A_35 = tpu.memref_slice %arg4[%add3A_4, %dma_start3A_34] : memref<131072x32xf32, #tpu.memory_space<hbm>> -> memref<512x32xf32, #tpu.memory_space<hbm>>
    %dma_start3A_36 = arith.constant 0 : i32
    %dma_start3A_37 = arith.constant 0 : i32
    %dma_start3A_38 = tpu.memref_slice %arg6[%dma_start3A_27, %dma_start3A_36, %dma_start3A_37] : memref<2x512x32xf32, #tpu.memory_space<vmem>> -> memref<1x512x32xf32, #tpu.memory_space<vmem>>
    %dma_start3A_39 = tpu.memref_squeeze %dma_start3A_38 : memref<1x512x32xf32, #tpu.memory_space<vmem>> -> memref<512x32xf32, #tpu.memory_space<vmem>>
    tpu.enqueue_dma source(%dma_start3A_39 : memref<512x32xf32, #tpu.memory_space<vmem>>) target(%dma_start3A_35 : memref<512x32xf32, #tpu.memory_space<hbm>>) target_semaphore(%arg7 : memref<!tpu.dma_semaphore, #tpu.memory_space<semaphore_mem>>)
    %add3A_40 = arith.constant 512 : i32
    %add3A_41 = arith.addi %mul3A_2, %add3A_40 : i32
    %run_scoped3A_42 = arith.constant 1 : i32
    "tpu.region"() ({
      %run_scoped3A_424 = tpu.sem_alloc : memref<!tpu.dma_semaphore, #tpu.memory_space<semaphore_mem>>
      %dma_start3A_425 = arith.constant 0 : i32
      %dma_start3A_426 = tpu.memref_slice %arg5[%run_scoped3A_42, %dma_start3A_425] : memref<2x512xi32, #tpu.memory_space<vmem>> -> memref<1x512xi32, #tpu.memory_space<vmem>>
      %dma_start3A_427 = tpu.memref_squeeze %dma_start3A_426 : memref<1x512xi32, #tpu.memory_space<vmem>> -> memref<512xi32, #tpu.memory_space<vmem>>
      %dma_start3A_428 = tpu.memref_slice %arg3[%add3A_41] : memref<131072xi32, #tpu.memory_space<hbm>> -> memref<512xi32, #tpu.memory_space<hbm>>
      %dma_start3A_429 = arith.constant 0 : i32
      %dma_start3A_430 = tpu.memref_slice %arg5[%run_scoped3A_42, %dma_start3A_429] : memref<2x512xi32, #tpu.memory_space<vmem>> -> memref<1x512xi32, #tpu.memory_space<vmem>>
      %dma_start3A_431 = tpu.memref_squeeze %dma_start3A_430 : memref<1x512xi32, #tpu.memory_space<vmem>> -> memref<512xi32, #tpu.memory_space<vmem>>
      %dma_start3A_432 = tpu.memref_slice %arg3[%add3A_41] : memref<131072xi32, #tpu.memory_space<hbm>> -> memref<512xi32, #tpu.memory_space<hbm>>
      tpu.enqueue_dma source(%dma_start3A_432 : memref<512xi32, #tpu.memory_space<hbm>>) target(%dma_start3A_431 : memref<512xi32, #tpu.memory_space<vmem>>) target_semaphore(%run_scoped3A_424 : memref<!tpu.dma_semaphore, #tpu.memory_space<semaphore_mem>>)
      %dma_wait3A_433 = arith.constant 0 : i32
      %dma_wait3A_434 = tpu.memref_slice %arg5[%run_scoped3A_42, %dma_wait3A_433] : memref<2x512xi32, #tpu.memory_space<vmem>> -> memref<1x512xi32, #tpu.memory_space<vmem>>
      %dma_wait3A_435 = tpu.memref_squeeze %dma_wait3A_434 : memref<1x512xi32, #tpu.memory_space<vmem>> -> memref<512xi32, #tpu.memory_space<vmem>>
      %dma_wait3A_436 = tpu.memref_slice %arg3[%add3A_41] : memref<131072xi32, #tpu.memory_space<hbm>> -> memref<512xi32, #tpu.memory_space<hbm>>
      %dma_wait3A_437 = arith.constant 0 : i32
      %dma_wait3A_438 = tpu.memref_slice %arg5[%run_scoped3A_42, %dma_wait3A_437] : memref<2x512xi32, #tpu.memory_space<vmem>> -> memref<1x512xi32, #tpu.memory_space<vmem>>
      %dma_wait3A_439 = tpu.memref_squeeze %dma_wait3A_438 : memref<1x512xi32, #tpu.memory_space<vmem>> -> memref<512xi32, #tpu.memory_space<vmem>>
      %dma_wait3A_440 = tpu.memref_slice %arg3[%add3A_41] : memref<131072xi32, #tpu.memory_space<hbm>> -> memref<512xi32, #tpu.memory_space<hbm>>
      tpu.wait_dma2 semaphore(%run_scoped3A_424 : memref<!tpu.dma_semaphore, #tpu.memory_space<semaphore_mem>>) src(%dma_wait3A_440 : memref<512xi32, #tpu.memory_space<hbm>>) dst(%dma_wait3A_439 : memref<512xi32, #tpu.memory_space<vmem>>)
      tpu.yield
    }) : () -> ()
    %dma_start3A_43 = arith.constant 1 : i32
    %dma_start3A_44 = arith.constant 1 : i32
    %dma_start3A_45 = arith.constant 0 : i32
    %dma_start3A_46 = arith.constant 0 : i32
    %dma_start3A_47 = tpu.memref_slice %arg6[%dma_start3A_44, %dma_start3A_45, %dma_start3A_46] : memref<2x512x32xf32, #tpu.memory_space<vmem>> -> memref<1x512x32xf32, #tpu.memory_space<vmem>>
    %dma_start3A_48 = tpu.memref_squeeze %dma_start3A_47 : memref<1x512x32xf32, #tpu.memory_space<vmem>> -> memref<512x32xf32, #tpu.memory_space<vmem>>
    %dma_start3A_49 = arith.constant 0 : i32
    %dma_start3A_50 = tpu.memref_slice %arg5[%dma_start3A_43, %dma_start3A_49] : memref<2x512xi32, #tpu.memory_space<vmem>> -> memref<1x512xi32, #tpu.memory_space<vmem>>
    %dma_start3A_51 = tpu.memref_squeeze %dma_start3A_50 : memref<1x512xi32, #tpu.memory_space<vmem>> -> memref<512xi32, #tpu.memory_space<vmem>>
    %dma_start3A_52 = arith.constant 0 : i32
    %dma_start3A_53 = arith.constant 0 : i32
    %dma_start3A_54 = tpu.memref_slice %arg2[%dma_start3A_52, %dma_start3A_53] : memref<2000x32xf32, #tpu.memory_space<hbm>> -> memref<2000x32xf32, #tpu.memory_space<hbm>>
    tpu.enqueue_indirect_dma source(%dma_start3A_54 : memref<2000x32xf32, #tpu.memory_space<hbm>>) target(%dma_start3A_48 : memref<512x32xf32, #tpu.memory_space<vmem>>) offsets(%dma_start3A_51 : memref<512xi32, #tpu.memory_space<vmem>>) semaphore(%arg8 : memref<!tpu.dma_semaphore, #tpu.memory_space<semaphore_mem>>)
    %dma_wait3A_55 = arith.constant 1 : i32
    %dma_wait3A_56 = arith.constant 1 : i32
    %dma_wait3A_57 = arith.constant 0 : i32
    %dma_wait3A_58 = arith.constant 0 : i32
    %dma_wait3A_59 = tpu.memref_slice %arg6[%dma_wait3A_56, %dma_wait3A_57, %dma_wait3A_58] : memref<2x512x32xf32, #tpu.memory_space<vmem>> -> memref<1x512x32xf32, #tpu.memory_space<vmem>>
    %dma_wait3A_60 = tpu.memref_squeeze %dma_wait3A_59 : memref<1x512x32xf32, #tpu.memory_space<vmem>> -> memref<512x32xf32, #tpu.memory_space<vmem>>
    %dma_wait3A_61 = arith.constant 0 : i32
    %dma_wait3A_62 = tpu.memref_slice %arg5[%dma_wait3A_55, %dma_wait3A_61] : memref<2x512xi32, #tpu.memory_space<vmem>> -> memref<1x512xi32, #tpu.memory_space<vmem>>
    %dma_wait3A_63 = tpu.memref_squeeze %dma_wait3A_62 : memref<1x512xi32, #tpu.memory_space<vmem>> -> memref<512xi32, #tpu.memory_space<vmem>>
    %dma_wait3A_64 = arith.constant 0 : i32
    %dma_wait3A_65 = arith.constant 0 : i32
    %dma_wait3A_66 = tpu.memref_slice %arg2[%dma_wait3A_64, %dma_wait3A_65] : memref<2000x32xf32, #tpu.memory_space<hbm>> -> memref<2000x32xf32, #tpu.memory_space<hbm>>
    tpu.wait_indirect_dma semaphore(%arg8 : memref<!tpu.dma_semaphore, #tpu.memory_space<semaphore_mem>>) src(%dma_wait3A_66 : memref<2000x32xf32, #tpu.memory_space<hbm>>) dst(%dma_wait3A_60 : memref<512x32xf32, #tpu.memory_space<vmem>>)
    %dma_start3A_67 = arith.constant 1 : i32
    %dma_start3A_68 = arith.constant 0 : i32
    %dma_start3A_69 = arith.constant 0 : i32
    %dma_start3A_70 = tpu.memref_slice %arg6[%dma_start3A_67, %dma_start3A_68, %dma_start3A_69] : memref<2x512x32xf32, #tpu.memory_space<vmem>> -> memref<1x512x32xf32, #tpu.memory_space<vmem>>
    %dma_start3A_71 = tpu.memref_squeeze %dma_start3A_70 : memref<1x512x32xf32, #tpu.memory_space<vmem>> -> memref<512x32xf32, #tpu.memory_space<vmem>>
    %dma_start3A_72 = arith.constant 0 : i32
    %dma_start3A_73 = tpu.memref_slice %arg4[%add3A_41, %dma_start3A_72] : memref<131072x32xf32, #tpu.memory_space<hbm>> -> memref<512x32xf32, #tpu.memory_space<hbm>>
    %dma_start3A_74 = arith.constant 0 : i32
    %dma_start3A_75 = tpu.memref_slice %arg4[%add3A_41, %dma_start3A_74] : memref<131072x32xf32, #tpu.memory_space<hbm>> -> memref<512x32xf32, #tpu.memory_space<hbm>>
    %dma_start3A_76 = arith.constant 0 : i32
    %dma_start3A_77 = arith.constant 0 : i32
    %dma_start3A_78 = tpu.memref_slice %arg6[%dma_start3A_67, %dma_start3A_76, %dma_start3A_77] : memref<2x512x32xf32, #tpu.memory_space<vmem>> -> memref<1x512x32xf32, #tpu.memory_space<vmem>>
    %dma_start3A_79 = tpu.memref_squeeze %dma_start3A_78 : memref<1x512x32xf32, #tpu.memory_space<vmem>> -> memref<512x32xf32, #tpu.memory_space<vmem>>
    tpu.enqueue_dma source(%dma_start3A_79 : memref<512x32xf32, #tpu.memory_space<vmem>>) target(%dma_start3A_75 : memref<512x32xf32, #tpu.memory_space<hbm>>) target_semaphore(%arg8 : memref<!tpu.dma_semaphore, #tpu.memory_space<semaphore_mem>>)
    %dma_wait3A_80 = arith.constant 0 : i32
    %dma_wait3A_81 = arith.constant 0 : i32
    %dma_wait3A_82 = arith.constant 0 : i32
    %dma_wait3A_83 = tpu.memref_slice %arg6[%dma_wait3A_80, %dma_wait3A_81, %dma_wait3A_82] : memref<2x512x32xf32, #tpu.memory_space<vmem>> -> memref<1x512x32xf32, #tpu.memory_space<vmem>>
    %dma_wait3A_84 = tpu.memref_squeeze %dma_wait3A_83 : memref<1x512x32xf32, #tpu.memory_space<vmem>> -> memref<512x32xf32, #tpu.memory_space<vmem>>
    %dma_wait3A_85 = arith.constant 0 : i32
    %dma_wait3A_86 = tpu.memref_slice %arg4[%add3A_4, %dma_wait3A_85] : memref<131072x32xf32, #tpu.memory_space<hbm>> -> memref<512x32xf32, #tpu.memory_space<hbm>>
    %dma_wait3A_87 = arith.constant 0 : i32
    %dma_wait3A_88 = tpu.memref_slice %arg4[%add3A_4, %dma_wait3A_87] : memref<131072x32xf32, #tpu.memory_space<hbm>> -> memref<512x32xf32, #tpu.memory_space<hbm>>
    %dma_wait3A_89 = arith.constant 0 : i32
    %dma_wait3A_90 = arith.constant 0 : i32
    %dma_wait3A_91 = tpu.memref_slice %arg6[%dma_wait3A_80, %dma_wait3A_89, %dma_wait3A_90] : memref<2x512x32xf32, #tpu.memory_space<vmem>> -> memref<1x512x32xf32, #tpu.memory_space<vmem>>
    %dma_wait3A_92 = tpu.memref_squeeze %dma_wait3A_91 : memref<1x512x32xf32, #tpu.memory_space<vmem>> -> memref<512x32xf32, #tpu.memory_space<vmem>>
    tpu.wait_dma2 semaphore(%arg7 : memref<!tpu.dma_semaphore, #tpu.memory_space<semaphore_mem>>) src(%dma_wait3A_92 : memref<512x32xf32, #tpu.memory_space<vmem>>) dst(%dma_wait3A_88 : memref<512x32xf32, #tpu.memory_space<hbm>>)
    %add3A_93 = arith.constant 1024 : i32
    %add3A_94 = arith.addi %mul3A_2, %add3A_93 : i32
    %run_scoped3A_95 = arith.constant 0 : i32
    "tpu.region"() ({
      %run_scoped3A_424 = tpu.sem_alloc : memref<!tpu.dma_semaphore, #tpu.memory_space<semaphore_mem>>
      %dma_start3A_425 = arith.constant 0 : i32
      %dma_start3A_426 = tpu.memref_slice %arg5[%run_scoped3A_95, %dma_start3A_425] : memref<2x512xi32, #tpu.memory_space<vmem>> -> memref<1x512xi32, #tpu.memory_space<vmem>>
      %dma_start3A_427 = tpu.memref_squeeze %dma_start3A_426 : memref<1x512xi32, #tpu.memory_space<vmem>> -> memref<512xi32, #tpu.memory_space<vmem>>
      %dma_start3A_428 = tpu.memref_slice %arg3[%add3A_94] : memref<131072xi32, #tpu.memory_space<hbm>> -> memref<512xi32, #tpu.memory_space<hbm>>
      %dma_start3A_429 = arith.constant 0 : i32
      %dma_start3A_430 = tpu.memref_slice %arg5[%run_scoped3A_95, %dma_start3A_429] : memref<2x512xi32, #tpu.memory_space<vmem>> -> memref<1x512xi32, #tpu.memory_space<vmem>>
      %dma_start3A_431 = tpu.memref_squeeze %dma_start3A_430 : memref<1x512xi32, #tpu.memory_space<vmem>> -> memref<512xi32, #tpu.memory_space<vmem>>
      %dma_start3A_432 = tpu.memref_slice %arg3[%add3A_94] : memref<131072xi32, #tpu.memory_space<hbm>> -> memref<512xi32, #tpu.memory_space<hbm>>
      tpu.enqueue_dma source(%dma_start3A_432 : memref<512xi32, #tpu.memory_space<hbm>>) target(%dma_start3A_431 : memref<512xi32, #tpu.memory_space<vmem>>) target_semaphore(%run_scoped3A_424 : memref<!tpu.dma_semaphore, #tpu.memory_space<semaphore_mem>>)
      %dma_wait3A_433 = arith.constant 0 : i32
      %dma_wait3A_434 = tpu.memref_slice %arg5[%run_scoped3A_95, %dma_wait3A_433] : memref<2x512xi32, #tpu.memory_space<vmem>> -> memref<1x512xi32, #tpu.memory_space<vmem>>
      %dma_wait3A_435 = tpu.memref_squeeze %dma_wait3A_434 : memref<1x512xi32, #tpu.memory_space<vmem>> -> memref<512xi32, #tpu.memory_space<vmem>>
      %dma_wait3A_436 = tpu.memref_slice %arg3[%add3A_94] : memref<131072xi32, #tpu.memory_space<hbm>> -> memref<512xi32, #tpu.memory_space<hbm>>
      %dma_wait3A_437 = arith.constant 0 : i32
      %dma_wait3A_438 = tpu.memref_slice %arg5[%run_scoped3A_95, %dma_wait3A_437] : memref<2x512xi32, #tpu.memory_space<vmem>> -> memref<1x512xi32, #tpu.memory_space<vmem>>
      %dma_wait3A_439 = tpu.memref_squeeze %dma_wait3A_438 : memref<1x512xi32, #tpu.memory_space<vmem>> -> memref<512xi32, #tpu.memory_space<vmem>>
      %dma_wait3A_440 = tpu.memref_slice %arg3[%add3A_94] : memref<131072xi32, #tpu.memory_space<hbm>> -> memref<512xi32, #tpu.memory_space<hbm>>
      tpu.wait_dma2 semaphore(%run_scoped3A_424 : memref<!tpu.dma_semaphore, #tpu.memory_space<semaphore_mem>>) src(%dma_wait3A_440 : memref<512xi32, #tpu.memory_space<hbm>>) dst(%dma_wait3A_439 : memref<512xi32, #tpu.memory_space<vmem>>)
      tpu.yield
    }) : () -> ()
    %dma_start3A_96 = arith.constant 0 : i32
    %dma_start3A_97 = arith.constant 0 : i32
    %dma_start3A_98 = arith.constant 0 : i32
    %dma_start3A_99 = arith.constant 0 : i32
    %dma_start3A_100 = tpu.memref_slice %arg6[%dma_start3A_97, %dma_start3A_98, %dma_start3A_99] : memref<2x512x32xf32, #tpu.memory_space<vmem>> -> memref<1x512x32xf32, #tpu.memory_space<vmem>>
    %dma_start3A_101 = tpu.memref_squeeze %dma_start3A_100 : memref<1x512x32xf32, #tpu.memory_space<vmem>> -> memref<512x32xf32, #tpu.memory_space<vmem>>
    %dma_start3A_102 = arith.constant 0 : i32
    %dma_start3A_103 = tpu.memref_slice %arg5[%dma_start3A_96, %dma_start3A_102] : memref<2x512xi32, #tpu.memory_space<vmem>> -> memref<1x512xi32, #tpu.memory_space<vmem>>
    %dma_start3A_104 = tpu.memref_squeeze %dma_start3A_103 : memref<1x512xi32, #tpu.memory_space<vmem>> -> memref<512xi32, #tpu.memory_space<vmem>>
    %dma_start3A_105 = arith.constant 0 : i32
    %dma_start3A_106 = arith.constant 0 : i32
    %dma_start3A_107 = tpu.memref_slice %arg2[%dma_start3A_105, %dma_start3A_106] : memref<2000x32xf32, #tpu.memory_space<hbm>> -> memref<2000x32xf32, #tpu.memory_space<hbm>>
    tpu.enqueue_indirect_dma source(%dma_start3A_107 : memref<2000x32xf32, #tpu.memory_space<hbm>>) target(%dma_start3A_101 : memref<512x32xf32, #tpu.memory_space<vmem>>) offsets(%dma_start3A_104 : memref<512xi32, #tpu.memory_space<vmem>>) semaphore(%arg7 : memref<!tpu.dma_semaphore, #tpu.memory_space<semaphore_mem>>)
    %dma_wait3A_108 = arith.constant 0 : i32
    %dma_wait3A_109 = arith.constant 0 : i32
    %dma_wait3A_110 = arith.constant 0 : i32
    %dma_wait3A_111 = arith.constant 0 : i32
    %dma_wait3A_112 = tpu.memref_slice %arg6[%dma_wait3A_109, %dma_wait3A_110, %dma_wait3A_111] : memref<2x512x32xf32, #tpu.memory_space<vmem>> -> memref<1x512x32xf32, #tpu.memory_space<vmem>>
    %dma_wait3A_113 = tpu.memref_squeeze %dma_wait3A_112 : memref<1x512x32xf32, #tpu.memory_space<vmem>> -> memref<512x32xf32, #tpu.memory_space<vmem>>
    %dma_wait3A_114 = arith.constant 0 : i32
    %dma_wait3A_115 = tpu.memref_slice %arg5[%dma_wait3A_108, %dma_wait3A_114] : memref<2x512xi32, #tpu.memory_space<vmem>> -> memref<1x512xi32, #tpu.memory_space<vmem>>
    %dma_wait3A_116 = tpu.memref_squeeze %dma_wait3A_115 : memref<1x512xi32, #tpu.memory_space<vmem>> -> memref<512xi32, #tpu.memory_space<vmem>>
    %dma_wait3A_117 = arith.constant 0 : i32
    %dma_wait3A_118 = arith.constant 0 : i32
    %dma_wait3A_119 = tpu.memref_slice %arg2[%dma_wait3A_117, %dma_wait3A_118] : memref<2000x32xf32, #tpu.memory_space<hbm>> -> memref<2000x32xf32, #tpu.memory_space<hbm>>
    tpu.wait_indirect_dma semaphore(%arg7 : memref<!tpu.dma_semaphore, #tpu.memory_space<semaphore_mem>>) src(%dma_wait3A_119 : memref<2000x32xf32, #tpu.memory_space<hbm>>) dst(%dma_wait3A_113 : memref<512x32xf32, #tpu.memory_space<vmem>>)
    %dma_start3A_120 = arith.constant 0 : i32
    %dma_start3A_121 = arith.constant 0 : i32
    %dma_start3A_122 = arith.constant 0 : i32
    %dma_start3A_123 = tpu.memref_slice %arg6[%dma_start3A_120, %dma_start3A_121, %dma_start3A_122] : memref<2x512x32xf32, #tpu.memory_space<vmem>> -> memref<1x512x32xf32, #tpu.memory_space<vmem>>
    %dma_start3A_124 = tpu.memref_squeeze %dma_start3A_123 : memref<1x512x32xf32, #tpu.memory_space<vmem>> -> memref<512x32xf32, #tpu.memory_space<vmem>>
    %dma_start3A_125 = arith.constant 0 : i32
    %dma_start3A_126 = tpu.memref_slice %arg4[%add3A_94, %dma_start3A_125] : memref<131072x32xf32, #tpu.memory_space<hbm>> -> memref<512x32xf32, #tpu.memory_space<hbm>>
    %dma_start3A_127 = arith.constant 0 : i32
    %dma_start3A_128 = tpu.memref_slice %arg4[%add3A_94, %dma_start3A_127] : memref<131072x32xf32, #tpu.memory_space<hbm>> -> memref<512x32xf32, #tpu.memory_space<hbm>>
    %dma_start3A_129 = arith.constant 0 : i32
    %dma_start3A_130 = arith.constant 0 : i32
    %dma_start3A_131 = tpu.memref_slice %arg6[%dma_start3A_120, %dma_start3A_129, %dma_start3A_130] : memref<2x512x32xf32, #tpu.memory_space<vmem>> -> memref<1x512x32xf32, #tpu.memory_space<vmem>>
    %dma_start3A_132 = tpu.memref_squeeze %dma_start3A_131 : memref<1x512x32xf32, #tpu.memory_space<vmem>> -> memref<512x32xf32, #tpu.memory_space<vmem>>
    tpu.enqueue_dma source(%dma_start3A_132 : memref<512x32xf32, #tpu.memory_space<vmem>>) target(%dma_start3A_128 : memref<512x32xf32, #tpu.memory_space<hbm>>) target_semaphore(%arg7 : memref<!tpu.dma_semaphore, #tpu.memory_space<semaphore_mem>>)
    %dma_wait3A_133 = arith.constant 1 : i32
    %dma_wait3A_134 = arith.constant 0 : i32
    %dma_wait3A_135 = arith.constant 0 : i32
    %dma_wait3A_136 = tpu.memref_slice %arg6[%dma_wait3A_133, %dma_wait3A_134, %dma_wait3A_135] : memref<2x512x32xf32, #tpu.memory_space<vmem>> -> memref<1x512x32xf32, #tpu.memory_space<vmem>>
    %dma_wait3A_137 = tpu.memref_squeeze %dma_wait3A_136 : memref<1x512x32xf32, #tpu.memory_space<vmem>> -> memref<512x32xf32, #tpu.memory_space<vmem>>
    %dma_wait3A_138 = arith.constant 0 : i32
    %dma_wait3A_139 = tpu.memref_slice %arg4[%add3A_41, %dma_wait3A_138] : memref<131072x32xf32, #tpu.memory_space<hbm>> -> memref<512x32xf32, #tpu.memory_space<hbm>>
    %dma_wait3A_140 = arith.constant 0 : i32
    %dma_wait3A_141 = tpu.memref_slice %arg4[%add3A_41, %dma_wait3A_140] : memref<131072x32xf32, #tpu.memory_space<hbm>> -> memref<512x32xf32, #tpu.memory_space<hbm>>
    %dma_wait3A_142 = arith.constant 0 : i32
    %dma_wait3A_143 = arith.constant 0 : i32
    %dma_wait3A_144 = tpu.memref_slice %arg6[%dma_wait3A_133, %dma_wait3A_142, %dma_wait3A_143] : memref<2x512x32xf32, #tpu.memory_space<vmem>> -> memref<1x512x32xf32, #tpu.memory_space<vmem>>
    %dma_wait3A_145 = tpu.memref_squeeze %dma_wait3A_144 : memref<1x512x32xf32, #tpu.memory_space<vmem>> -> memref<512x32xf32, #tpu.memory_space<vmem>>
    tpu.wait_dma2 semaphore(%arg8 : memref<!tpu.dma_semaphore, #tpu.memory_space<semaphore_mem>>) src(%dma_wait3A_145 : memref<512x32xf32, #tpu.memory_space<vmem>>) dst(%dma_wait3A_141 : memref<512x32xf32, #tpu.memory_space<hbm>>)
    %add3A_146 = arith.constant 1536 : i32
    %add3A_147 = arith.addi %mul3A_2, %add3A_146 : i32
    %run_scoped3A_148 = arith.constant 1 : i32
    "tpu.region"() ({
      %run_scoped3A_424 = tpu.sem_alloc : memref<!tpu.dma_semaphore, #tpu.memory_space<semaphore_mem>>
      %dma_start3A_425 = arith.constant 0 : i32
      %dma_start3A_426 = tpu.memref_slice %arg5[%run_scoped3A_148, %dma_start3A_425] : memref<2x512xi32, #tpu.memory_space<vmem>> -> memref<1x512xi32, #tpu.memory_space<vmem>>
      %dma_start3A_427 = tpu.memref_squeeze %dma_start3A_426 : memref<1x512xi32, #tpu.memory_space<vmem>> -> memref<512xi32, #tpu.memory_space<vmem>>
      %dma_start3A_428 = tpu.memref_slice %arg3[%add3A_147] : memref<131072xi32, #tpu.memory_space<hbm>> -> memref<512xi32, #tpu.memory_space<hbm>>
      %dma_start3A_429 = arith.constant 0 : i32
      %dma_start3A_430 = tpu.memref_slice %arg5[%run_scoped3A_148, %dma_start3A_429] : memref<2x512xi32, #tpu.memory_space<vmem>> -> memref<1x512xi32, #tpu.memory_space<vmem>>
      %dma_start3A_431 = tpu.memref_squeeze %dma_start3A_430 : memref<1x512xi32, #tpu.memory_space<vmem>> -> memref<512xi32, #tpu.memory_space<vmem>>
      %dma_start3A_432 = tpu.memref_slice %arg3[%add3A_147] : memref<131072xi32, #tpu.memory_space<hbm>> -> memref<512xi32, #tpu.memory_space<hbm>>
      tpu.enqueue_dma source(%dma_start3A_432 : memref<512xi32, #tpu.memory_space<hbm>>) target(%dma_start3A_431 : memref<512xi32, #tpu.memory_space<vmem>>) target_semaphore(%run_scoped3A_424 : memref<!tpu.dma_semaphore, #tpu.memory_space<semaphore_mem>>)
      %dma_wait3A_433 = arith.constant 0 : i32
      %dma_wait3A_434 = tpu.memref_slice %arg5[%run_scoped3A_148, %dma_wait3A_433] : memref<2x512xi32, #tpu.memory_space<vmem>> -> memref<1x512xi32, #tpu.memory_space<vmem>>
      %dma_wait3A_435 = tpu.memref_squeeze %dma_wait3A_434 : memref<1x512xi32, #tpu.memory_space<vmem>> -> memref<512xi32, #tpu.memory_space<vmem>>
      %dma_wait3A_436 = tpu.memref_slice %arg3[%add3A_147] : memref<131072xi32, #tpu.memory_space<hbm>> -> memref<512xi32, #tpu.memory_space<hbm>>
      %dma_wait3A_437 = arith.constant 0 : i32
      %dma_wait3A_438 = tpu.memref_slice %arg5[%run_scoped3A_148, %dma_wait3A_437] : memref<2x512xi32, #tpu.memory_space<vmem>> -> memref<1x512xi32, #tpu.memory_space<vmem>>
      %dma_wait3A_439 = tpu.memref_squeeze %dma_wait3A_438 : memref<1x512xi32, #tpu.memory_space<vmem>> -> memref<512xi32, #tpu.memory_space<vmem>>
      %dma_wait3A_440 = tpu.memref_slice %arg3[%add3A_147] : memref<131072xi32, #tpu.memory_space<hbm>> -> memref<512xi32, #tpu.memory_space<hbm>>
      tpu.wait_dma2 semaphore(%run_scoped3A_424 : memref<!tpu.dma_semaphore, #tpu.memory_space<semaphore_mem>>) src(%dma_wait3A_440 : memref<512xi32, #tpu.memory_space<hbm>>) dst(%dma_wait3A_439 : memref<512xi32, #tpu.memory_space<vmem>>)
      tpu.yield
    }) : () -> ()
    %dma_start3A_149 = arith.constant 1 : i32
    %dma_start3A_150 = arith.constant 1 : i32
    %dma_start3A_151 = arith.constant 0 : i32
    %dma_start3A_152 = arith.constant 0 : i32
    %dma_start3A_153 = tpu.memref_slice %arg6[%dma_start3A_150, %dma_start3A_151, %dma_start3A_152] : memref<2x512x32xf32, #tpu.memory_space<vmem>> -> memref<1x512x32xf32, #tpu.memory_space<vmem>>
    %dma_start3A_154 = tpu.memref_squeeze %dma_start3A_153 : memref<1x512x32xf32, #tpu.memory_space<vmem>> -> memref<512x32xf32, #tpu.memory_space<vmem>>
    %dma_start3A_155 = arith.constant 0 : i32
    %dma_start3A_156 = tpu.memref_slice %arg5[%dma_start3A_149, %dma_start3A_155] : memref<2x512xi32, #tpu.memory_space<vmem>> -> memref<1x512xi32, #tpu.memory_space<vmem>>
    %dma_start3A_157 = tpu.memref_squeeze %dma_start3A_156 : memref<1x512xi32, #tpu.memory_space<vmem>> -> memref<512xi32, #tpu.memory_space<vmem>>
    %dma_start3A_158 = arith.constant 0 : i32
    %dma_start3A_159 = arith.constant 0 : i32
    %dma_start3A_160 = tpu.memref_slice %arg2[%dma_start3A_158, %dma_start3A_159] : memref<2000x32xf32, #tpu.memory_space<hbm>> -> memref<2000x32xf32, #tpu.memory_space<hbm>>
    tpu.enqueue_indirect_dma source(%dma_start3A_160 : memref<2000x32xf32, #tpu.memory_space<hbm>>) target(%dma_start3A_154 : memref<512x32xf32, #tpu.memory_space<vmem>>) offsets(%dma_start3A_157 : memref<512xi32, #tpu.memory_space<vmem>>) semaphore(%arg8 : memref<!tpu.dma_semaphore, #tpu.memory_space<semaphore_mem>>)
    %dma_wait3A_161 = arith.constant 1 : i32
    %dma_wait3A_162 = arith.constant 1 : i32
    %dma_wait3A_163 = arith.constant 0 : i32
    %dma_wait3A_164 = arith.constant 0 : i32
    %dma_wait3A_165 = tpu.memref_slice %arg6[%dma_wait3A_162, %dma_wait3A_163, %dma_wait3A_164] : memref<2x512x32xf32, #tpu.memory_space<vmem>> -> memref<1x512x32xf32, #tpu.memory_space<vmem>>
    %dma_wait3A_166 = tpu.memref_squeeze %dma_wait3A_165 : memref<1x512x32xf32, #tpu.memory_space<vmem>> -> memref<512x32xf32, #tpu.memory_space<vmem>>
    %dma_wait3A_167 = arith.constant 0 : i32
    %dma_wait3A_168 = tpu.memref_slice %arg5[%dma_wait3A_161, %dma_wait3A_167] : memref<2x512xi32, #tpu.memory_space<vmem>> -> memref<1x512xi32, #tpu.memory_space<vmem>>
    %dma_wait3A_169 = tpu.memref_squeeze %dma_wait3A_168 : memref<1x512xi32, #tpu.memory_space<vmem>> -> memref<512xi32, #tpu.memory_space<vmem>>
    %dma_wait3A_170 = arith.constant 0 : i32
    %dma_wait3A_171 = arith.constant 0 : i32
    %dma_wait3A_172 = tpu.memref_slice %arg2[%dma_wait3A_170, %dma_wait3A_171] : memref<2000x32xf32, #tpu.memory_space<hbm>> -> memref<2000x32xf32, #tpu.memory_space<hbm>>
    tpu.wait_indirect_dma semaphore(%arg8 : memref<!tpu.dma_semaphore, #tpu.memory_space<semaphore_mem>>) src(%dma_wait3A_172 : memref<2000x32xf32, #tpu.memory_space<hbm>>) dst(%dma_wait3A_166 : memref<512x32xf32, #tpu.memory_space<vmem>>)
    %dma_start3A_173 = arith.constant 1 : i32
    %dma_start3A_174 = arith.constant 0 : i32
    %dma_start3A_175 = arith.constant 0 : i32
    %dma_start3A_176 = tpu.memref_slice %arg6[%dma_start3A_173, %dma_start3A_174, %dma_start3A_175] : memref<2x512x32xf32, #tpu.memory_space<vmem>> -> memref<1x512x32xf32, #tpu.memory_space<vmem>>
    %dma_start3A_177 = tpu.memref_squeeze %dma_start3A_176 : memref<1x512x32xf32, #tpu.memory_space<vmem>> -> memref<512x32xf32, #tpu.memory_space<vmem>>
    %dma_start3A_178 = arith.constant 0 : i32
    %dma_start3A_179 = tpu.memref_slice %arg4[%add3A_147, %dma_start3A_178] : memref<131072x32xf32, #tpu.memory_space<hbm>> -> memref<512x32xf32, #tpu.memory_space<hbm>>
    %dma_start3A_180 = arith.constant 0 : i32
    %dma_start3A_181 = tpu.memref_slice %arg4[%add3A_147, %dma_start3A_180] : memref<131072x32xf32, #tpu.memory_space<hbm>> -> memref<512x32xf32, #tpu.memory_space<hbm>>
    %dma_start3A_182 = arith.constant 0 : i32
    %dma_start3A_183 = arith.constant 0 : i32
    %dma_start3A_184 = tpu.memref_slice %arg6[%dma_start3A_173, %dma_start3A_182, %dma_start3A_183] : memref<2x512x32xf32, #tpu.memory_space<vmem>> -> memref<1x512x32xf32, #tpu.memory_space<vmem>>
    %dma_start3A_185 = tpu.memref_squeeze %dma_start3A_184 : memref<1x512x32xf32, #tpu.memory_space<vmem>> -> memref<512x32xf32, #tpu.memory_space<vmem>>
    tpu.enqueue_dma source(%dma_start3A_185 : memref<512x32xf32, #tpu.memory_space<vmem>>) target(%dma_start3A_181 : memref<512x32xf32, #tpu.memory_space<hbm>>) target_semaphore(%arg8 : memref<!tpu.dma_semaphore, #tpu.memory_space<semaphore_mem>>)
    %dma_wait3A_186 = arith.constant 0 : i32
    %dma_wait3A_187 = arith.constant 0 : i32
    %dma_wait3A_188 = arith.constant 0 : i32
    %dma_wait3A_189 = tpu.memref_slice %arg6[%dma_wait3A_186, %dma_wait3A_187, %dma_wait3A_188] : memref<2x512x32xf32, #tpu.memory_space<vmem>> -> memref<1x512x32xf32, #tpu.memory_space<vmem>>
    %dma_wait3A_190 = tpu.memref_squeeze %dma_wait3A_189 : memref<1x512x32xf32, #tpu.memory_space<vmem>> -> memref<512x32xf32, #tpu.memory_space<vmem>>
    %dma_wait3A_191 = arith.constant 0 : i32
    %dma_wait3A_192 = tpu.memref_slice %arg4[%add3A_94, %dma_wait3A_191] : memref<131072x32xf32, #tpu.memory_space<hbm>> -> memref<512x32xf32, #tpu.memory_space<hbm>>
    %dma_wait3A_193 = arith.constant 0 : i32
    %dma_wait3A_194 = tpu.memref_slice %arg4[%add3A_94, %dma_wait3A_193] : memref<131072x32xf32, #tpu.memory_space<hbm>> -> memref<512x32xf32, #tpu.memory_space<hbm>>
    %dma_wait3A_195 = arith.constant 0 : i32
    %dma_wait3A_196 = arith.constant 0 : i32
    %dma_wait3A_197 = tpu.memref_slice %arg6[%dma_wait3A_186, %dma_wait3A_195, %dma_wait3A_196] : memref<2x512x32xf32, #tpu.memory_space<vmem>> -> memref<1x512x32xf32, #tpu.memory_space<vmem>>
    %dma_wait3A_198 = tpu.memref_squeeze %dma_wait3A_197 : memref<1x512x32xf32, #tpu.memory_space<vmem>> -> memref<512x32xf32, #tpu.memory_space<vmem>>
    tpu.wait_dma2 semaphore(%arg7 : memref<!tpu.dma_semaphore, #tpu.memory_space<semaphore_mem>>) src(%dma_wait3A_198 : memref<512x32xf32, #tpu.memory_space<vmem>>) dst(%dma_wait3A_194 : memref<512x32xf32, #tpu.memory_space<hbm>>)
    %add3A_199 = arith.constant 2048 : i32
    %add3A_200 = arith.addi %mul3A_2, %add3A_199 : i32
    %run_scoped3A_201 = arith.constant 0 : i32
    "tpu.region"() ({
      %run_scoped3A_424 = tpu.sem_alloc : memref<!tpu.dma_semaphore, #tpu.memory_space<semaphore_mem>>
      %dma_start3A_425 = arith.constant 0 : i32
      %dma_start3A_426 = tpu.memref_slice %arg5[%run_scoped3A_201, %dma_start3A_425] : memref<2x512xi32, #tpu.memory_space<vmem>> -> memref<1x512xi32, #tpu.memory_space<vmem>>
      %dma_start3A_427 = tpu.memref_squeeze %dma_start3A_426 : memref<1x512xi32, #tpu.memory_space<vmem>> -> memref<512xi32, #tpu.memory_space<vmem>>
      %dma_start3A_428 = tpu.memref_slice %arg3[%add3A_200] : memref<131072xi32, #tpu.memory_space<hbm>> -> memref<512xi32, #tpu.memory_space<hbm>>
      %dma_start3A_429 = arith.constant 0 : i32
      %dma_start3A_430 = tpu.memref_slice %arg5[%run_scoped3A_201, %dma_start3A_429] : memref<2x512xi32, #tpu.memory_space<vmem>> -> memref<1x512xi32, #tpu.memory_space<vmem>>
      %dma_start3A_431 = tpu.memref_squeeze %dma_start3A_430 : memref<1x512xi32, #tpu.memory_space<vmem>> -> memref<512xi32, #tpu.memory_space<vmem>>
      %dma_start3A_432 = tpu.memref_slice %arg3[%add3A_200] : memref<131072xi32, #tpu.memory_space<hbm>> -> memref<512xi32, #tpu.memory_space<hbm>>
      tpu.enqueue_dma source(%dma_start3A_432 : memref<512xi32, #tpu.memory_space<hbm>>) target(%dma_start3A_431 : memref<512xi32, #tpu.memory_space<vmem>>) target_semaphore(%run_scoped3A_424 : memref<!tpu.dma_semaphore, #tpu.memory_space<semaphore_mem>>)
      %dma_wait3A_433 = arith.constant 0 : i32
      %dma_wait3A_434 = tpu.memref_slice %arg5[%run_scoped3A_201, %dma_wait3A_433] : memref<2x512xi32, #tpu.memory_space<vmem>> -> memref<1x512xi32, #tpu.memory_space<vmem>>
      %dma_wait3A_435 = tpu.memref_squeeze %dma_wait3A_434 : memref<1x512xi32, #tpu.memory_space<vmem>> -> memref<512xi32, #tpu.memory_space<vmem>>
      %dma_wait3A_436 = tpu.memref_slice %arg3[%add3A_200] : memref<131072xi32, #tpu.memory_space<hbm>> -> memref<512xi32, #tpu.memory_space<hbm>>
      %dma_wait3A_437 = arith.constant 0 : i32
      %dma_wait3A_438 = tpu.memref_slice %arg5[%run_scoped3A_201, %dma_wait3A_437] : memref<2x512xi32, #tpu.memory_space<vmem>> -> memref<1x512xi32, #tpu.memory_space<vmem>>
      %dma_wait3A_439 = tpu.memref_squeeze %dma_wait3A_438 : memref<1x512xi32, #tpu.memory_space<vmem>> -> memref<512xi32, #tpu.memory_space<vmem>>
      %dma_wait3A_440 = tpu.memref_slice %arg3[%add3A_200] : memref<131072xi32, #tpu.memory_space<hbm>> -> memref<512xi32, #tpu.memory_space<hbm>>
      tpu.wait_dma2 semaphore(%run_scoped3A_424 : memref<!tpu.dma_semaphore, #tpu.memory_space<semaphore_mem>>) src(%dma_wait3A_440 : memref<512xi32, #tpu.memory_space<hbm>>) dst(%dma_wait3A_439 : memref<512xi32, #tpu.memory_space<vmem>>)
      tpu.yield
    }) : () -> ()
    %dma_start3A_202 = arith.constant 0 : i32
    %dma_start3A_203 = arith.constant 0 : i32
    %dma_start3A_204 = arith.constant 0 : i32
    %dma_start3A_205 = arith.constant 0 : i32
    %dma_start3A_206 = tpu.memref_slice %arg6[%dma_start3A_203, %dma_start3A_204, %dma_start3A_205] : memref<2x512x32xf32, #tpu.memory_space<vmem>> -> memref<1x512x32xf32, #tpu.memory_space<vmem>>
    %dma_start3A_207 = tpu.memref_squeeze %dma_start3A_206 : memref<1x512x32xf32, #tpu.memory_space<vmem>> -> memref<512x32xf32, #tpu.memory_space<vmem>>
    %dma_start3A_208 = arith.constant 0 : i32
    %dma_start3A_209 = tpu.memref_slice %arg5[%dma_start3A_202, %dma_start3A_208] : memref<2x512xi32, #tpu.memory_space<vmem>> -> memref<1x512xi32, #tpu.memory_space<vmem>>
    %dma_start3A_210 = tpu.memref_squeeze %dma_start3A_209 : memref<1x512xi32, #tpu.memory_space<vmem>> -> memref<512xi32, #tpu.memory_space<vmem>>
    %dma_start3A_211 = arith.constant 0 : i32
    %dma_start3A_212 = arith.constant 0 : i32
    %dma_start3A_213 = tpu.memref_slice %arg2[%dma_start3A_211, %dma_start3A_212] : memref<2000x32xf32, #tpu.memory_space<hbm>> -> memref<2000x32xf32, #tpu.memory_space<hbm>>
    tpu.enqueue_indirect_dma source(%dma_start3A_213 : memref<2000x32xf32, #tpu.memory_space<hbm>>) target(%dma_start3A_207 : memref<512x32xf32, #tpu.memory_space<vmem>>) offsets(%dma_start3A_210 : memref<512xi32, #tpu.memory_space<vmem>>) semaphore(%arg7 : memref<!tpu.dma_semaphore, #tpu.memory_space<semaphore_mem>>)
    %dma_wait3A_214 = arith.constant 0 : i32
    %dma_wait3A_215 = arith.constant 0 : i32
    %dma_wait3A_216 = arith.constant 0 : i32
    %dma_wait3A_217 = arith.constant 0 : i32
    %dma_wait3A_218 = tpu.memref_slice %arg6[%dma_wait3A_215, %dma_wait3A_216, %dma_wait3A_217] : memref<2x512x32xf32, #tpu.memory_space<vmem>> -> memref<1x512x32xf32, #tpu.memory_space<vmem>>
    %dma_wait3A_219 = tpu.memref_squeeze %dma_wait3A_218 : memref<1x512x32xf32, #tpu.memory_space<vmem>> -> memref<512x32xf32, #tpu.memory_space<vmem>>
    %dma_wait3A_220 = arith.constant 0 : i32
    %dma_wait3A_221 = tpu.memref_slice %arg5[%dma_wait3A_214, %dma_wait3A_220] : memref<2x512xi32, #tpu.memory_space<vmem>> -> memref<1x512xi32, #tpu.memory_space<vmem>>
    %dma_wait3A_222 = tpu.memref_squeeze %dma_wait3A_221 : memref<1x512xi32, #tpu.memory_space<vmem>> -> memref<512xi32, #tpu.memory_space<vmem>>
    %dma_wait3A_223 = arith.constant 0 : i32
    %dma_wait3A_224 = arith.constant 0 : i32
    %dma_wait3A_225 = tpu.memref_slice %arg2[%dma_wait3A_223, %dma_wait3A_224] : memref<2000x32xf32, #tpu.memory_space<hbm>> -> memref<2000x32xf32, #tpu.memory_space<hbm>>
    tpu.wait_indirect_dma semaphore(%arg7 : memref<!tpu.dma_semaphore, #tpu.memory_space<semaphore_mem>>) src(%dma_wait3A_225 : memref<2000x32xf32, #tpu.memory_space<hbm>>) dst(%dma_wait3A_219 : memref<512x32xf32, #tpu.memory_space<vmem>>)
    %dma_start3A_226 = arith.constant 0 : i32
    %dma_start3A_227 = arith.constant 0 : i32
    %dma_start3A_228 = arith.constant 0 : i32
    %dma_start3A_229 = tpu.memref_slice %arg6[%dma_start3A_226, %dma_start3A_227, %dma_start3A_228] : memref<2x512x32xf32, #tpu.memory_space<vmem>> -> memref<1x512x32xf32, #tpu.memory_space<vmem>>
    %dma_start3A_230 = tpu.memref_squeeze %dma_start3A_229 : memref<1x512x32xf32, #tpu.memory_space<vmem>> -> memref<512x32xf32, #tpu.memory_space<vmem>>
    %dma_start3A_231 = arith.constant 0 : i32
    %dma_start3A_232 = tpu.memref_slice %arg4[%add3A_200, %dma_start3A_231] : memref<131072x32xf32, #tpu.memory_space<hbm>> -> memref<512x32xf32, #tpu.memory_space<hbm>>
    %dma_start3A_233 = arith.constant 0 : i32
    %dma_start3A_234 = tpu.memref_slice %arg4[%add3A_200, %dma_start3A_233] : memref<131072x32xf32, #tpu.memory_space<hbm>> -> memref<512x32xf32, #tpu.memory_space<hbm>>
    %dma_start3A_235 = arith.constant 0 : i32
    %dma_start3A_236 = arith.constant 0 : i32
    %dma_start3A_237 = tpu.memref_slice %arg6[%dma_start3A_226, %dma_start3A_235, %dma_start3A_236] : memref<2x512x32xf32, #tpu.memory_space<vmem>> -> memref<1x512x32xf32, #tpu.memory_space<vmem>>
    %dma_start3A_238 = tpu.memref_squeeze %dma_start3A_237 : memref<1x512x32xf32, #tpu.memory_space<vmem>> -> memref<512x32xf32, #tpu.memory_space<vmem>>
    tpu.enqueue_dma source(%dma_start3A_238 : memref<512x32xf32, #tpu.memory_space<vmem>>) target(%dma_start3A_234 : memref<512x32xf32, #tpu.memory_space<hbm>>) target_semaphore(%arg7 : memref<!tpu.dma_semaphore, #tpu.memory_space<semaphore_mem>>)
    %dma_wait3A_239 = arith.constant 1 : i32
    %dma_wait3A_240 = arith.constant 0 : i32
    %dma_wait3A_241 = arith.constant 0 : i32
    %dma_wait3A_242 = tpu.memref_slice %arg6[%dma_wait3A_239, %dma_wait3A_240, %dma_wait3A_241] : memref<2x512x32xf32, #tpu.memory_space<vmem>> -> memref<1x512x32xf32, #tpu.memory_space<vmem>>
    %dma_wait3A_243 = tpu.memref_squeeze %dma_wait3A_242 : memref<1x512x32xf32, #tpu.memory_space<vmem>> -> memref<512x32xf32, #tpu.memory_space<vmem>>
    %dma_wait3A_244 = arith.constant 0 : i32
    %dma_wait3A_245 = tpu.memref_slice %arg4[%add3A_147, %dma_wait3A_244] : memref<131072x32xf32, #tpu.memory_space<hbm>> -> memref<512x32xf32, #tpu.memory_space<hbm>>
    %dma_wait3A_246 = arith.constant 0 : i32
    %dma_wait3A_247 = tpu.memref_slice %arg4[%add3A_147, %dma_wait3A_246] : memref<131072x32xf32, #tpu.memory_space<hbm>> -> memref<512x32xf32, #tpu.memory_space<hbm>>
    %dma_wait3A_248 = arith.constant 0 : i32
    %dma_wait3A_249 = arith.constant 0 : i32
    %dma_wait3A_250 = tpu.memref_slice %arg6[%dma_wait3A_239, %dma_wait3A_248, %dma_wait3A_249] : memref<2x512x32xf32, #tpu.memory_space<vmem>> -> memref<1x512x32xf32, #tpu.memory_space<vmem>>
    %dma_wait3A_251 = tpu.memref_squeeze %dma_wait3A_250 : memref<1x512x32xf32, #tpu.memory_space<vmem>> -> memref<512x32xf32, #tpu.memory_space<vmem>>
    tpu.wait_dma2 semaphore(%arg8 : memref<!tpu.dma_semaphore, #tpu.memory_space<semaphore_mem>>) src(%dma_wait3A_251 : memref<512x32xf32, #tpu.memory_space<vmem>>) dst(%dma_wait3A_247 : memref<512x32xf32, #tpu.memory_space<hbm>>)
    %add3A_252 = arith.constant 2560 : i32
    %add3A_253 = arith.addi %mul3A_2, %add3A_252 : i32
    %run_scoped3A_254 = arith.constant 1 : i32
    "tpu.region"() ({
      %run_scoped3A_424 = tpu.sem_alloc : memref<!tpu.dma_semaphore, #tpu.memory_space<semaphore_mem>>
      %dma_start3A_425 = arith.constant 0 : i32
      %dma_start3A_426 = tpu.memref_slice %arg5[%run_scoped3A_254, %dma_start3A_425] : memref<2x512xi32, #tpu.memory_space<vmem>> -> memref<1x512xi32, #tpu.memory_space<vmem>>
      %dma_start3A_427 = tpu.memref_squeeze %dma_start3A_426 : memref<1x512xi32, #tpu.memory_space<vmem>> -> memref<512xi32, #tpu.memory_space<vmem>>
      %dma_start3A_428 = tpu.memref_slice %arg3[%add3A_253] : memref<131072xi32, #tpu.memory_space<hbm>> -> memref<512xi32, #tpu.memory_space<hbm>>
      %dma_start3A_429 = arith.constant 0 : i32
      %dma_start3A_430 = tpu.memref_slice %arg5[%run_scoped3A_254, %dma_start3A_429] : memref<2x512xi32, #tpu.memory_space<vmem>> -> memref<1x512xi32, #tpu.memory_space<vmem>>
      %dma_start3A_431 = tpu.memref_squeeze %dma_start3A_430 : memref<1x512xi32, #tpu.memory_space<vmem>> -> memref<512xi32, #tpu.memory_space<vmem>>
      %dma_start3A_432 = tpu.memref_slice %arg3[%add3A_253] : memref<131072xi32, #tpu.memory_space<hbm>> -> memref<512xi32, #tpu.memory_space<hbm>>
      tpu.enqueue_dma source(%dma_start3A_432 : memref<512xi32, #tpu.memory_space<hbm>>) target(%dma_start3A_431 : memref<512xi32, #tpu.memory_space<vmem>>) target_semaphore(%run_scoped3A_424 : memref<!tpu.dma_semaphore, #tpu.memory_space<semaphore_mem>>)
      %dma_wait3A_433 = arith.constant 0 : i32
      %dma_wait3A_434 = tpu.memref_slice %arg5[%run_scoped3A_254, %dma_wait3A_433] : memref<2x512xi32, #tpu.memory_space<vmem>> -> memref<1x512xi32, #tpu.memory_space<vmem>>
      %dma_wait3A_435 = tpu.memref_squeeze %dma_wait3A_434 : memref<1x512xi32, #tpu.memory_space<vmem>> -> memref<512xi32, #tpu.memory_space<vmem>>
      %dma_wait3A_436 = tpu.memref_slice %arg3[%add3A_253] : memref<131072xi32, #tpu.memory_space<hbm>> -> memref<512xi32, #tpu.memory_space<hbm>>
      %dma_wait3A_437 = arith.constant 0 : i32
      %dma_wait3A_438 = tpu.memref_slice %arg5[%run_scoped3A_254, %dma_wait3A_437] : memref<2x512xi32, #tpu.memory_space<vmem>> -> memref<1x512xi32, #tpu.memory_space<vmem>>
      %dma_wait3A_439 = tpu.memref_squeeze %dma_wait3A_438 : memref<1x512xi32, #tpu.memory_space<vmem>> -> memref<512xi32, #tpu.memory_space<vmem>>
      %dma_wait3A_440 = tpu.memref_slice %arg3[%add3A_253] : memref<131072xi32, #tpu.memory_space<hbm>> -> memref<512xi32, #tpu.memory_space<hbm>>
      tpu.wait_dma2 semaphore(%run_scoped3A_424 : memref<!tpu.dma_semaphore, #tpu.memory_space<semaphore_mem>>) src(%dma_wait3A_440 : memref<512xi32, #tpu.memory_space<hbm>>) dst(%dma_wait3A_439 : memref<512xi32, #tpu.memory_space<vmem>>)
      tpu.yield
    }) : () -> ()
    %dma_start3A_255 = arith.constant 1 : i32
    %dma_start3A_256 = arith.constant 1 : i32
    %dma_start3A_257 = arith.constant 0 : i32
    %dma_start3A_258 = arith.constant 0 : i32
    %dma_start3A_259 = tpu.memref_slice %arg6[%dma_start3A_256, %dma_start3A_257, %dma_start3A_258] : memref<2x512x32xf32, #tpu.memory_space<vmem>> -> memref<1x512x32xf32, #tpu.memory_space<vmem>>
    %dma_start3A_260 = tpu.memref_squeeze %dma_start3A_259 : memref<1x512x32xf32, #tpu.memory_space<vmem>> -> memref<512x32xf32, #tpu.memory_space<vmem>>
    %dma_start3A_261 = arith.constant 0 : i32
    %dma_start3A_262 = tpu.memref_slice %arg5[%dma_start3A_255, %dma_start3A_261] : memref<2x512xi32, #tpu.memory_space<vmem>> -> memref<1x512xi32, #tpu.memory_space<vmem>>
    %dma_start3A_263 = tpu.memref_squeeze %dma_start3A_262 : memref<1x512xi32, #tpu.memory_space<vmem>> -> memref<512xi32, #tpu.memory_space<vmem>>
    %dma_start3A_264 = arith.constant 0 : i32
    %dma_start3A_265 = arith.constant 0 : i32
    %dma_start3A_266 = tpu.memref_slice %arg2[%dma_start3A_264, %dma_start3A_265] : memref<2000x32xf32, #tpu.memory_space<hbm>> -> memref<2000x32xf32, #tpu.memory_space<hbm>>
    tpu.enqueue_indirect_dma source(%dma_start3A_266 : memref<2000x32xf32, #tpu.memory_space<hbm>>) target(%dma_start3A_260 : memref<512x32xf32, #tpu.memory_space<vmem>>) offsets(%dma_start3A_263 : memref<512xi32, #tpu.memory_space<vmem>>) semaphore(%arg8 : memref<!tpu.dma_semaphore, #tpu.memory_space<semaphore_mem>>)
    %dma_wait3A_267 = arith.constant 1 : i32
    %dma_wait3A_268 = arith.constant 1 : i32
    %dma_wait3A_269 = arith.constant 0 : i32
    %dma_wait3A_270 = arith.constant 0 : i32
    %dma_wait3A_271 = tpu.memref_slice %arg6[%dma_wait3A_268, %dma_wait3A_269, %dma_wait3A_270] : memref<2x512x32xf32, #tpu.memory_space<vmem>> -> memref<1x512x32xf32, #tpu.memory_space<vmem>>
    %dma_wait3A_272 = tpu.memref_squeeze %dma_wait3A_271 : memref<1x512x32xf32, #tpu.memory_space<vmem>> -> memref<512x32xf32, #tpu.memory_space<vmem>>
    %dma_wait3A_273 = arith.constant 0 : i32
    %dma_wait3A_274 = tpu.memref_slice %arg5[%dma_wait3A_267, %dma_wait3A_273] : memref<2x512xi32, #tpu.memory_space<vmem>> -> memref<1x512xi32, #tpu.memory_space<vmem>>
    %dma_wait3A_275 = tpu.memref_squeeze %dma_wait3A_274 : memref<1x512xi32, #tpu.memory_space<vmem>> -> memref<512xi32, #tpu.memory_space<vmem>>
    %dma_wait3A_276 = arith.constant 0 : i32
    %dma_wait3A_277 = arith.constant 0 : i32
    %dma_wait3A_278 = tpu.memref_slice %arg2[%dma_wait3A_276, %dma_wait3A_277] : memref<2000x32xf32, #tpu.memory_space<hbm>> -> memref<2000x32xf32, #tpu.memory_space<hbm>>
    tpu.wait_indirect_dma semaphore(%arg8 : memref<!tpu.dma_semaphore, #tpu.memory_space<semaphore_mem>>) src(%dma_wait3A_278 : memref<2000x32xf32, #tpu.memory_space<hbm>>) dst(%dma_wait3A_272 : memref<512x32xf32, #tpu.memory_space<vmem>>)
    %dma_start3A_279 = arith.constant 1 : i32
    %dma_start3A_280 = arith.constant 0 : i32
    %dma_start3A_281 = arith.constant 0 : i32
    %dma_start3A_282 = tpu.memref_slice %arg6[%dma_start3A_279, %dma_start3A_280, %dma_start3A_281] : memref<2x512x32xf32, #tpu.memory_space<vmem>> -> memref<1x512x32xf32, #tpu.memory_space<vmem>>
    %dma_start3A_283 = tpu.memref_squeeze %dma_start3A_282 : memref<1x512x32xf32, #tpu.memory_space<vmem>> -> memref<512x32xf32, #tpu.memory_space<vmem>>
    %dma_start3A_284 = arith.constant 0 : i32
    %dma_start3A_285 = tpu.memref_slice %arg4[%add3A_253, %dma_start3A_284] : memref<131072x32xf32, #tpu.memory_space<hbm>> -> memref<512x32xf32, #tpu.memory_space<hbm>>
    %dma_start3A_286 = arith.constant 0 : i32
    %dma_start3A_287 = tpu.memref_slice %arg4[%add3A_253, %dma_start3A_286] : memref<131072x32xf32, #tpu.memory_space<hbm>> -> memref<512x32xf32, #tpu.memory_space<hbm>>
    %dma_start3A_288 = arith.constant 0 : i32
    %dma_start3A_289 = arith.constant 0 : i32
    %dma_start3A_290 = tpu.memref_slice %arg6[%dma_start3A_279, %dma_start3A_288, %dma_start3A_289] : memref<2x512x32xf32, #tpu.memory_space<vmem>> -> memref<1x512x32xf32, #tpu.memory_space<vmem>>
    %dma_start3A_291 = tpu.memref_squeeze %dma_start3A_290 : memref<1x512x32xf32, #tpu.memory_space<vmem>> -> memref<512x32xf32, #tpu.memory_space<vmem>>
    tpu.enqueue_dma source(%dma_start3A_291 : memref<512x32xf32, #tpu.memory_space<vmem>>) target(%dma_start3A_287 : memref<512x32xf32, #tpu.memory_space<hbm>>) target_semaphore(%arg8 : memref<!tpu.dma_semaphore, #tpu.memory_space<semaphore_mem>>)
    %dma_wait3A_292 = arith.constant 0 : i32
    %dma_wait3A_293 = arith.constant 0 : i32
    %dma_wait3A_294 = arith.constant 0 : i32
    %dma_wait3A_295 = tpu.memref_slice %arg6[%dma_wait3A_292, %dma_wait3A_293, %dma_wait3A_294] : memref<2x512x32xf32, #tpu.memory_space<vmem>> -> memref<1x512x32xf32, #tpu.memory_space<vmem>>
    %dma_wait3A_296 = tpu.memref_squeeze %dma_wait3A_295 : memref<1x512x32xf32, #tpu.memory_space<vmem>> -> memref<512x32xf32, #tpu.memory_space<vmem>>
    %dma_wait3A_297 = arith.constant 0 : i32
    %dma_wait3A_298 = tpu.memref_slice %arg4[%add3A_200, %dma_wait3A_297] : memref<131072x32xf32, #tpu.memory_space<hbm>> -> memref<512x32xf32, #tpu.memory_space<hbm>>
    %dma_wait3A_299 = arith.constant 0 : i32
    %dma_wait3A_300 = tpu.memref_slice %arg4[%add3A_200, %dma_wait3A_299] : memref<131072x32xf32, #tpu.memory_space<hbm>> -> memref<512x32xf32, #tpu.memory_space<hbm>>
    %dma_wait3A_301 = arith.constant 0 : i32
    %dma_wait3A_302 = arith.constant 0 : i32
    %dma_wait3A_303 = tpu.memref_slice %arg6[%dma_wait3A_292, %dma_wait3A_301, %dma_wait3A_302] : memref<2x512x32xf32, #tpu.memory_space<vmem>> -> memref<1x512x32xf32, #tpu.memory_space<vmem>>
    %dma_wait3A_304 = tpu.memref_squeeze %dma_wait3A_303 : memref<1x512x32xf32, #tpu.memory_space<vmem>> -> memref<512x32xf32, #tpu.memory_space<vmem>>
    tpu.wait_dma2 semaphore(%arg7 : memref<!tpu.dma_semaphore, #tpu.memory_space<semaphore_mem>>) src(%dma_wait3A_304 : memref<512x32xf32, #tpu.memory_space<vmem>>) dst(%dma_wait3A_300 : memref<512x32xf32, #tpu.memory_space<hbm>>)
    %add3A_305 = arith.constant 3072 : i32
    %add3A_306 = arith.addi %mul3A_2, %add3A_305 : i32
    %run_scoped3A_307 = arith.constant 0 : i32
    "tpu.region"() ({
      %run_scoped3A_424 = tpu.sem_alloc : memref<!tpu.dma_semaphore, #tpu.memory_space<semaphore_mem>>
      %dma_start3A_425 = arith.constant 0 : i32
      %dma_start3A_426 = tpu.memref_slice %arg5[%run_scoped3A_307, %dma_start3A_425] : memref<2x512xi32, #tpu.memory_space<vmem>> -> memref<1x512xi32, #tpu.memory_space<vmem>>
      %dma_start3A_427 = tpu.memref_squeeze %dma_start3A_426 : memref<1x512xi32, #tpu.memory_space<vmem>> -> memref<512xi32, #tpu.memory_space<vmem>>
      %dma_start3A_428 = tpu.memref_slice %arg3[%add3A_306] : memref<131072xi32, #tpu.memory_space<hbm>> -> memref<512xi32, #tpu.memory_space<hbm>>
      %dma_start3A_429 = arith.constant 0 : i32
      %dma_start3A_430 = tpu.memref_slice %arg5[%run_scoped3A_307, %dma_start3A_429] : memref<2x512xi32, #tpu.memory_space<vmem>> -> memref<1x512xi32, #tpu.memory_space<vmem>>
      %dma_start3A_431 = tpu.memref_squeeze %dma_start3A_430 : memref<1x512xi32, #tpu.memory_space<vmem>> -> memref<512xi32, #tpu.memory_space<vmem>>
      %dma_start3A_432 = tpu.memref_slice %arg3[%add3A_306] : memref<131072xi32, #tpu.memory_space<hbm>> -> memref<512xi32, #tpu.memory_space<hbm>>
      tpu.enqueue_dma source(%dma_start3A_432 : memref<512xi32, #tpu.memory_space<hbm>>) target(%dma_start3A_431 : memref<512xi32, #tpu.memory_space<vmem>>) target_semaphore(%run_scoped3A_424 : memref<!tpu.dma_semaphore, #tpu.memory_space<semaphore_mem>>)
      %dma_wait3A_433 = arith.constant 0 : i32
      %dma_wait3A_434 = tpu.memref_slice %arg5[%run_scoped3A_307, %dma_wait3A_433] : memref<2x512xi32, #tpu.memory_space<vmem>> -> memref<1x512xi32, #tpu.memory_space<vmem>>
      %dma_wait3A_435 = tpu.memref_squeeze %dma_wait3A_434 : memref<1x512xi32, #tpu.memory_space<vmem>> -> memref<512xi32, #tpu.memory_space<vmem>>
      %dma_wait3A_436 = tpu.memref_slice %arg3[%add3A_306] : memref<131072xi32, #tpu.memory_space<hbm>> -> memref<512xi32, #tpu.memory_space<hbm>>
      %dma_wait3A_437 = arith.constant 0 : i32
      %dma_wait3A_438 = tpu.memref_slice %arg5[%run_scoped3A_307, %dma_wait3A_437] : memref<2x512xi32, #tpu.memory_space<vmem>> -> memref<1x512xi32, #tpu.memory_space<vmem>>
      %dma_wait3A_439 = tpu.memref_squeeze %dma_wait3A_438 : memref<1x512xi32, #tpu.memory_space<vmem>> -> memref<512xi32, #tpu.memory_space<vmem>>
      %dma_wait3A_440 = tpu.memref_slice %arg3[%add3A_306] : memref<131072xi32, #tpu.memory_space<hbm>> -> memref<512xi32, #tpu.memory_space<hbm>>
      tpu.wait_dma2 semaphore(%run_scoped3A_424 : memref<!tpu.dma_semaphore, #tpu.memory_space<semaphore_mem>>) src(%dma_wait3A_440 : memref<512xi32, #tpu.memory_space<hbm>>) dst(%dma_wait3A_439 : memref<512xi32, #tpu.memory_space<vmem>>)
      tpu.yield
    }) : () -> ()
    %dma_start3A_308 = arith.constant 0 : i32
    %dma_start3A_309 = arith.constant 0 : i32
    %dma_start3A_310 = arith.constant 0 : i32
    %dma_start3A_311 = arith.constant 0 : i32
    %dma_start3A_312 = tpu.memref_slice %arg6[%dma_start3A_309, %dma_start3A_310, %dma_start3A_311] : memref<2x512x32xf32, #tpu.memory_space<vmem>> -> memref<1x512x32xf32, #tpu.memory_space<vmem>>
    %dma_start3A_313 = tpu.memref_squeeze %dma_start3A_312 : memref<1x512x32xf32, #tpu.memory_space<vmem>> -> memref<512x32xf32, #tpu.memory_space<vmem>>
    %dma_start3A_314 = arith.constant 0 : i32
    %dma_start3A_315 = tpu.memref_slice %arg5[%dma_start3A_308, %dma_start3A_314] : memref<2x512xi32, #tpu.memory_space<vmem>> -> memref<1x512xi32, #tpu.memory_space<vmem>>
    %dma_start3A_316 = tpu.memref_squeeze %dma_start3A_315 : memref<1x512xi32, #tpu.memory_space<vmem>> -> memref<512xi32, #tpu.memory_space<vmem>>
    %dma_start3A_317 = arith.constant 0 : i32
    %dma_start3A_318 = arith.constant 0 : i32
    %dma_start3A_319 = tpu.memref_slice %arg2[%dma_start3A_317, %dma_start3A_318] : memref<2000x32xf32, #tpu.memory_space<hbm>> -> memref<2000x32xf32, #tpu.memory_space<hbm>>
    tpu.enqueue_indirect_dma source(%dma_start3A_319 : memref<2000x32xf32, #tpu.memory_space<hbm>>) target(%dma_start3A_313 : memref<512x32xf32, #tpu.memory_space<vmem>>) offsets(%dma_start3A_316 : memref<512xi32, #tpu.memory_space<vmem>>) semaphore(%arg7 : memref<!tpu.dma_semaphore, #tpu.memory_space<semaphore_mem>>)
    %dma_wait3A_320 = arith.constant 0 : i32
    %dma_wait3A_321 = arith.constant 0 : i32
    %dma_wait3A_322 = arith.constant 0 : i32
    %dma_wait3A_323 = arith.constant 0 : i32
    %dma_wait3A_324 = tpu.memref_slice %arg6[%dma_wait3A_321, %dma_wait3A_322, %dma_wait3A_323] : memref<2x512x32xf32, #tpu.memory_space<vmem>> -> memref<1x512x32xf32, #tpu.memory_space<vmem>>
    %dma_wait3A_325 = tpu.memref_squeeze %dma_wait3A_324 : memref<1x512x32xf32, #tpu.memory_space<vmem>> -> memref<512x32xf32, #tpu.memory_space<vmem>>
    %dma_wait3A_326 = arith.constant 0 : i32
    %dma_wait3A_327 = tpu.memref_slice %arg5[%dma_wait3A_320, %dma_wait3A_326] : memref<2x512xi32, #tpu.memory_space<vmem>> -> memref<1x512xi32, #tpu.memory_space<vmem>>
    %dma_wait3A_328 = tpu.memref_squeeze %dma_wait3A_327 : memref<1x512xi32, #tpu.memory_space<vmem>> -> memref<512xi32, #tpu.memory_space<vmem>>
    %dma_wait3A_329 = arith.constant 0 : i32
    %dma_wait3A_330 = arith.constant 0 : i32
    %dma_wait3A_331 = tpu.memref_slice %arg2[%dma_wait3A_329, %dma_wait3A_330] : memref<2000x32xf32, #tpu.memory_space<hbm>> -> memref<2000x32xf32, #tpu.memory_space<hbm>>
    tpu.wait_indirect_dma semaphore(%arg7 : memref<!tpu.dma_semaphore, #tpu.memory_space<semaphore_mem>>) src(%dma_wait3A_331 : memref<2000x32xf32, #tpu.memory_space<hbm>>) dst(%dma_wait3A_325 : memref<512x32xf32, #tpu.memory_space<vmem>>)
    %dma_start3A_332 = arith.constant 0 : i32
    %dma_start3A_333 = arith.constant 0 : i32
    %dma_start3A_334 = arith.constant 0 : i32
    %dma_start3A_335 = tpu.memref_slice %arg6[%dma_start3A_332, %dma_start3A_333, %dma_start3A_334] : memref<2x512x32xf32, #tpu.memory_space<vmem>> -> memref<1x512x32xf32, #tpu.memory_space<vmem>>
    %dma_start3A_336 = tpu.memref_squeeze %dma_start3A_335 : memref<1x512x32xf32, #tpu.memory_space<vmem>> -> memref<512x32xf32, #tpu.memory_space<vmem>>
    %dma_start3A_337 = arith.constant 0 : i32
    %dma_start3A_338 = tpu.memref_slice %arg4[%add3A_306, %dma_start3A_337] : memref<131072x32xf32, #tpu.memory_space<hbm>> -> memref<512x32xf32, #tpu.memory_space<hbm>>
    %dma_start3A_339 = arith.constant 0 : i32
    %dma_start3A_340 = tpu.memref_slice %arg4[%add3A_306, %dma_start3A_339] : memref<131072x32xf32, #tpu.memory_space<hbm>> -> memref<512x32xf32, #tpu.memory_space<hbm>>
    %dma_start3A_341 = arith.constant 0 : i32
    %dma_start3A_342 = arith.constant 0 : i32
    %dma_start3A_343 = tpu.memref_slice %arg6[%dma_start3A_332, %dma_start3A_341, %dma_start3A_342] : memref<2x512x32xf32, #tpu.memory_space<vmem>> -> memref<1x512x32xf32, #tpu.memory_space<vmem>>
    %dma_start3A_344 = tpu.memref_squeeze %dma_start3A_343 : memref<1x512x32xf32, #tpu.memory_space<vmem>> -> memref<512x32xf32, #tpu.memory_space<vmem>>
    tpu.enqueue_dma source(%dma_start3A_344 : memref<512x32xf32, #tpu.memory_space<vmem>>) target(%dma_start3A_340 : memref<512x32xf32, #tpu.memory_space<hbm>>) target_semaphore(%arg7 : memref<!tpu.dma_semaphore, #tpu.memory_space<semaphore_mem>>)
    %dma_wait3A_345 = arith.constant 1 : i32
    %dma_wait3A_346 = arith.constant 0 : i32
    %dma_wait3A_347 = arith.constant 0 : i32
    %dma_wait3A_348 = tpu.memref_slice %arg6[%dma_wait3A_345, %dma_wait3A_346, %dma_wait3A_347] : memref<2x512x32xf32, #tpu.memory_space<vmem>> -> memref<1x512x32xf32, #tpu.memory_space<vmem>>
    %dma_wait3A_349 = tpu.memref_squeeze %dma_wait3A_348 : memref<1x512x32xf32, #tpu.memory_space<vmem>> -> memref<512x32xf32, #tpu.memory_space<vmem>>
    %dma_wait3A_350 = arith.constant 0 : i32
    %dma_wait3A_351 = tpu.memref_slice %arg4[%add3A_253, %dma_wait3A_350] : memref<131072x32xf32, #tpu.memory_space<hbm>> -> memref<512x32xf32, #tpu.memory_space<hbm>>
    %dma_wait3A_352 = arith.constant 0 : i32
    %dma_wait3A_353 = tpu.memref_slice %arg4[%add3A_253, %dma_wait3A_352] : memref<131072x32xf32, #tpu.memory_space<hbm>> -> memref<512x32xf32, #tpu.memory_space<hbm>>
    %dma_wait3A_354 = arith.constant 0 : i32
    %dma_wait3A_355 = arith.constant 0 : i32
    %dma_wait3A_356 = tpu.memref_slice %arg6[%dma_wait3A_345, %dma_wait3A_354, %dma_wait3A_355] : memref<2x512x32xf32, #tpu.memory_space<vmem>> -> memref<1x512x32xf32, #tpu.memory_space<vmem>>
    %dma_wait3A_357 = tpu.memref_squeeze %dma_wait3A_356 : memref<1x512x32xf32, #tpu.memory_space<vmem>> -> memref<512x32xf32, #tpu.memory_space<vmem>>
    tpu.wait_dma2 semaphore(%arg8 : memref<!tpu.dma_semaphore, #tpu.memory_space<semaphore_mem>>) src(%dma_wait3A_357 : memref<512x32xf32, #tpu.memory_space<vmem>>) dst(%dma_wait3A_353 : memref<512x32xf32, #tpu.memory_space<hbm>>)
    %add3A_358 = arith.constant 3584 : i32
    %add3A_359 = arith.addi %mul3A_2, %add3A_358 : i32
    %run_scoped3A_360 = arith.constant 1 : i32
    "tpu.region"() ({
      %run_scoped3A_424 = tpu.sem_alloc : memref<!tpu.dma_semaphore, #tpu.memory_space<semaphore_mem>>
      %dma_start3A_425 = arith.constant 0 : i32
      %dma_start3A_426 = tpu.memref_slice %arg5[%run_scoped3A_360, %dma_start3A_425] : memref<2x512xi32, #tpu.memory_space<vmem>> -> memref<1x512xi32, #tpu.memory_space<vmem>>
      %dma_start3A_427 = tpu.memref_squeeze %dma_start3A_426 : memref<1x512xi32, #tpu.memory_space<vmem>> -> memref<512xi32, #tpu.memory_space<vmem>>
      %dma_start3A_428 = tpu.memref_slice %arg3[%add3A_359] : memref<131072xi32, #tpu.memory_space<hbm>> -> memref<512xi32, #tpu.memory_space<hbm>>
      %dma_start3A_429 = arith.constant 0 : i32
      %dma_start3A_430 = tpu.memref_slice %arg5[%run_scoped3A_360, %dma_start3A_429] : memref<2x512xi32, #tpu.memory_space<vmem>> -> memref<1x512xi32, #tpu.memory_space<vmem>>
      %dma_start3A_431 = tpu.memref_squeeze %dma_start3A_430 : memref<1x512xi32, #tpu.memory_space<vmem>> -> memref<512xi32, #tpu.memory_space<vmem>>
      %dma_start3A_432 = tpu.memref_slice %arg3[%add3A_359] : memref<131072xi32, #tpu.memory_space<hbm>> -> memref<512xi32, #tpu.memory_space<hbm>>
      tpu.enqueue_dma source(%dma_start3A_432 : memref<512xi32, #tpu.memory_space<hbm>>) target(%dma_start3A_431 : memref<512xi32, #tpu.memory_space<vmem>>) target_semaphore(%run_scoped3A_424 : memref<!tpu.dma_semaphore, #tpu.memory_space<semaphore_mem>>)
      %dma_wait3A_433 = arith.constant 0 : i32
      %dma_wait3A_434 = tpu.memref_slice %arg5[%run_scoped3A_360, %dma_wait3A_433] : memref<2x512xi32, #tpu.memory_space<vmem>> -> memref<1x512xi32, #tpu.memory_space<vmem>>
      %dma_wait3A_435 = tpu.memref_squeeze %dma_wait3A_434 : memref<1x512xi32, #tpu.memory_space<vmem>> -> memref<512xi32, #tpu.memory_space<vmem>>
      %dma_wait3A_436 = tpu.memref_slice %arg3[%add3A_359] : memref<131072xi32, #tpu.memory_space<hbm>> -> memref<512xi32, #tpu.memory_space<hbm>>
      %dma_wait3A_437 = arith.constant 0 : i32
      %dma_wait3A_438 = tpu.memref_slice %arg5[%run_scoped3A_360, %dma_wait3A_437] : memref<2x512xi32, #tpu.memory_space<vmem>> -> memref<1x512xi32, #tpu.memory_space<vmem>>
      %dma_wait3A_439 = tpu.memref_squeeze %dma_wait3A_438 : memref<1x512xi32, #tpu.memory_space<vmem>> -> memref<512xi32, #tpu.memory_space<vmem>>
      %dma_wait3A_440 = tpu.memref_slice %arg3[%add3A_359] : memref<131072xi32, #tpu.memory_space<hbm>> -> memref<512xi32, #tpu.memory_space<hbm>>
      tpu.wait_dma2 semaphore(%run_scoped3A_424 : memref<!tpu.dma_semaphore, #tpu.memory_space<semaphore_mem>>) src(%dma_wait3A_440 : memref<512xi32, #tpu.memory_space<hbm>>) dst(%dma_wait3A_439 : memref<512xi32, #tpu.memory_space<vmem>>)
      tpu.yield
    }) : () -> ()
    %dma_start3A_361 = arith.constant 1 : i32
    %dma_start3A_362 = arith.constant 1 : i32
    %dma_start3A_363 = arith.constant 0 : i32
    %dma_start3A_364 = arith.constant 0 : i32
    %dma_start3A_365 = tpu.memref_slice %arg6[%dma_start3A_362, %dma_start3A_363, %dma_start3A_364] : memref<2x512x32xf32, #tpu.memory_space<vmem>> -> memref<1x512x32xf32, #tpu.memory_space<vmem>>
    %dma_start3A_366 = tpu.memref_squeeze %dma_start3A_365 : memref<1x512x32xf32, #tpu.memory_space<vmem>> -> memref<512x32xf32, #tpu.memory_space<vmem>>
    %dma_start3A_367 = arith.constant 0 : i32
    %dma_start3A_368 = tpu.memref_slice %arg5[%dma_start3A_361, %dma_start3A_367] : memref<2x512xi32, #tpu.memory_space<vmem>> -> memref<1x512xi32, #tpu.memory_space<vmem>>
    %dma_start3A_369 = tpu.memref_squeeze %dma_start3A_368 : memref<1x512xi32, #tpu.memory_space<vmem>> -> memref<512xi32, #tpu.memory_space<vmem>>
    %dma_start3A_370 = arith.constant 0 : i32
    %dma_start3A_371 = arith.constant 0 : i32
    %dma_start3A_372 = tpu.memref_slice %arg2[%dma_start3A_370, %dma_start3A_371] : memref<2000x32xf32, #tpu.memory_space<hbm>> -> memref<2000x32xf32, #tpu.memory_space<hbm>>
    tpu.enqueue_indirect_dma source(%dma_start3A_372 : memref<2000x32xf32, #tpu.memory_space<hbm>>) target(%dma_start3A_366 : memref<512x32xf32, #tpu.memory_space<vmem>>) offsets(%dma_start3A_369 : memref<512xi32, #tpu.memory_space<vmem>>) semaphore(%arg8 : memref<!tpu.dma_semaphore, #tpu.memory_space<semaphore_mem>>)
    %dma_wait3A_373 = arith.constant 1 : i32
    %dma_wait3A_374 = arith.constant 1 : i32
    %dma_wait3A_375 = arith.constant 0 : i32
    %dma_wait3A_376 = arith.constant 0 : i32
    %dma_wait3A_377 = tpu.memref_slice %arg6[%dma_wait3A_374, %dma_wait3A_375, %dma_wait3A_376] : memref<2x512x32xf32, #tpu.memory_space<vmem>> -> memref<1x512x32xf32, #tpu.memory_space<vmem>>
    %dma_wait3A_378 = tpu.memref_squeeze %dma_wait3A_377 : memref<1x512x32xf32, #tpu.memory_space<vmem>> -> memref<512x32xf32, #tpu.memory_space<vmem>>
    %dma_wait3A_379 = arith.constant 0 : i32
    %dma_wait3A_380 = tpu.memref_slice %arg5[%dma_wait3A_373, %dma_wait3A_379] : memref<2x512xi32, #tpu.memory_space<vmem>> -> memref<1x512xi32, #tpu.memory_space<vmem>>
    %dma_wait3A_381 = tpu.memref_squeeze %dma_wait3A_380 : memref<1x512xi32, #tpu.memory_space<vmem>> -> memref<512xi32, #tpu.memory_space<vmem>>
    %dma_wait3A_382 = arith.constant 0 : i32
    %dma_wait3A_383 = arith.constant 0 : i32
    %dma_wait3A_384 = tpu.memref_slice %arg2[%dma_wait3A_382, %dma_wait3A_383] : memref<2000x32xf32, #tpu.memory_space<hbm>> -> memref<2000x32xf32, #tpu.memory_space<hbm>>
    tpu.wait_indirect_dma semaphore(%arg8 : memref<!tpu.dma_semaphore, #tpu.memory_space<semaphore_mem>>) src(%dma_wait3A_384 : memref<2000x32xf32, #tpu.memory_space<hbm>>) dst(%dma_wait3A_378 : memref<512x32xf32, #tpu.memory_space<vmem>>)
    %dma_start3A_385 = arith.constant 1 : i32
    %dma_start3A_386 = arith.constant 0 : i32
    %dma_start3A_387 = arith.constant 0 : i32
    %dma_start3A_388 = tpu.memref_slice %arg6[%dma_start3A_385, %dma_start3A_386, %dma_start3A_387] : memref<2x512x32xf32, #tpu.memory_space<vmem>> -> memref<1x512x32xf32, #tpu.memory_space<vmem>>
    %dma_start3A_389 = tpu.memref_squeeze %dma_start3A_388 : memref<1x512x32xf32, #tpu.memory_space<vmem>> -> memref<512x32xf32, #tpu.memory_space<vmem>>
    %dma_start3A_390 = arith.constant 0 : i32
    %dma_start3A_391 = tpu.memref_slice %arg4[%add3A_359, %dma_start3A_390] : memref<131072x32xf32, #tpu.memory_space<hbm>> -> memref<512x32xf32, #tpu.memory_space<hbm>>
    %dma_start3A_392 = arith.constant 0 : i32
    %dma_start3A_393 = tpu.memref_slice %arg4[%add3A_359, %dma_start3A_392] : memref<131072x32xf32, #tpu.memory_space<hbm>> -> memref<512x32xf32, #tpu.memory_space<hbm>>
    %dma_start3A_394 = arith.constant 0 : i32
    %dma_start3A_395 = arith.constant 0 : i32
    %dma_start3A_396 = tpu.memref_slice %arg6[%dma_start3A_385, %dma_start3A_394, %dma_start3A_395] : memref<2x512x32xf32, #tpu.memory_space<vmem>> -> memref<1x512x32xf32, #tpu.memory_space<vmem>>
    %dma_start3A_397 = tpu.memref_squeeze %dma_start3A_396 : memref<1x512x32xf32, #tpu.memory_space<vmem>> -> memref<512x32xf32, #tpu.memory_space<vmem>>
    tpu.enqueue_dma source(%dma_start3A_397 : memref<512x32xf32, #tpu.memory_space<vmem>>) target(%dma_start3A_393 : memref<512x32xf32, #tpu.memory_space<hbm>>) target_semaphore(%arg8 : memref<!tpu.dma_semaphore, #tpu.memory_space<semaphore_mem>>)
    %dma_wait3A_398 = arith.constant 0 : i32
    %dma_wait3A_399 = arith.constant 0 : i32
    %dma_wait3A_400 = arith.constant 0 : i32
    %dma_wait3A_401 = tpu.memref_slice %arg6[%dma_wait3A_398, %dma_wait3A_399, %dma_wait3A_400] : memref<2x512x32xf32, #tpu.memory_space<vmem>> -> memref<1x512x32xf32, #tpu.memory_space<vmem>>
    %dma_wait3A_402 = tpu.memref_squeeze %dma_wait3A_401 : memref<1x512x32xf32, #tpu.memory_space<vmem>> -> memref<512x32xf32, #tpu.memory_space<vmem>>
    %dma_wait3A_403 = arith.constant 0 : i32
    %dma_wait3A_404 = tpu.memref_slice %arg4[%add3A_306, %dma_wait3A_403] : memref<131072x32xf32, #tpu.memory_space<hbm>> -> memref<512x32xf32, #tpu.memory_space<hbm>>
    %dma_wait3A_405 = arith.constant 0 : i32
    %dma_wait3A_406 = tpu.memref_slice %arg4[%add3A_306, %dma_wait3A_405] : memref<131072x32xf32, #tpu.memory_space<hbm>> -> memref<512x32xf32, #tpu.memory_space<hbm>>
    %dma_wait3A_407 = arith.constant 0 : i32
    %dma_wait3A_408 = arith.constant 0 : i32
    %dma_wait3A_409 = tpu.memref_slice %arg6[%dma_wait3A_398, %dma_wait3A_407, %dma_wait3A_408] : memref<2x512x32xf32, #tpu.memory_space<vmem>> -> memref<1x512x32xf32, #tpu.memory_space<vmem>>
    %dma_wait3A_410 = tpu.memref_squeeze %dma_wait3A_409 : memref<1x512x32xf32, #tpu.memory_space<vmem>> -> memref<512x32xf32, #tpu.memory_space<vmem>>
    tpu.wait_dma2 semaphore(%arg7 : memref<!tpu.dma_semaphore, #tpu.memory_space<semaphore_mem>>) src(%dma_wait3A_410 : memref<512x32xf32, #tpu.memory_space<vmem>>) dst(%dma_wait3A_406 : memref<512x32xf32, #tpu.memory_space<hbm>>)
    %dma_wait3A_411 = arith.constant 1 : i32
    %dma_wait3A_412 = arith.constant 0 : i32
    %dma_wait3A_413 = arith.constant 0 : i32
    %dma_wait3A_414 = tpu.memref_slice %arg6[%dma_wait3A_411, %dma_wait3A_412, %dma_wait3A_413] : memref<2x512x32xf32, #tpu.memory_space<vmem>> -> memref<1x512x32xf32, #tpu.memory_space<vmem>>
    %dma_wait3A_415 = tpu.memref_squeeze %dma_wait3A_414 : memref<1x512x32xf32, #tpu.memory_space<vmem>> -> memref<512x32xf32, #tpu.memory_space<vmem>>
    %dma_wait3A_416 = arith.constant 0 : i32
    %dma_wait3A_417 = tpu.memref_slice %arg4[%add3A_359, %dma_wait3A_416] : memref<131072x32xf32, #tpu.memory_space<hbm>> -> memref<512x32xf32, #tpu.memory_space<hbm>>
    %dma_wait3A_418 = arith.constant 0 : i32
    %dma_wait3A_419 = tpu.memref_slice %arg4[%add3A_359, %dma_wait3A_418] : memref<131072x32xf32, #tpu.memory_space<hbm>> -> memref<512x32xf32, #tpu.memory_space<hbm>>
    %dma_wait3A_420 = arith.constant 0 : i32
    %dma_wait3A_421 = arith.constant 0 : i32
    %dma_wait3A_422 = tpu.memref_slice %arg6[%dma_wait3A_411, %dma_wait3A_420, %dma_wait3A_421] : memref<2x512x32xf32, #tpu.memory_space<vmem>> -> memref<1x512x32xf32, #tpu.memory_space<vmem>>
    %dma_wait3A_423 = tpu.memref_squeeze %dma_wait3A_422 : memref<1x512x32xf32, #tpu.memory_space<vmem>> -> memref<512x32xf32, #tpu.memory_space<vmem>>
    tpu.wait_dma2 semaphore(%arg8 : memref<!tpu.dma_semaphore, #tpu.memory_space<semaphore_mem>>) src(%dma_wait3A_423 : memref<512x32xf32, #tpu.memory_space<vmem>>) dst(%dma_wait3A_419 : memref<512x32xf32, #tpu.memory_space<hbm>>)
    return
  }
}

module attributes {stable_mosaic.version = 14 : i64} {
  func.func @_mlp_body(%arg0: i32, %arg1: memref<4x2048x128xf32, #tpu.memory_space<vmem>>, %arg2: memref<2048x13xbf16, #tpu.memory_space<vmem>>, %arg3: memref<512x512xbf16, #tpu.memory_space<vmem>>, %arg4: memref<13x512xbf16, #tpu.memory_space<vmem>>, %arg5: memref<1x512xf32, #tpu.memory_space<vmem>>, %arg6: memref<512x512xbf16, #tpu.memory_space<vmem>>, %arg7: memref<1x512xf32, #tpu.memory_space<vmem>>, %arg8: memref<512x1xbf16, #tpu.memory_space<vmem>>, %arg9: memref<1x1xf32, #tpu.memory_space<vmem>>, %arg10: memref<2048x1xf32, #tpu.memory_space<vmem>>) attributes {dimension_semantics = [#tpu.dimension_semantics<arbitrary>], iteration_bounds = array<i64: 4>, scalar_prefetch = 0 : i64, scratch_operands = 0 : i64, tpu.core_type = #tpu.core_type<tc>, window_params = [{transform_indices = @transform_0, window_bounds = array<i64: 4, 2048, 128>}, {transform_indices = @transform_1, window_bounds = array<i64: 2048, 13>}, {pipeline_mode = #tpu.pipeline_mode<synchronous>, transform_indices = @transform_2, window_bounds = array<i64: 512, 512>}, {pipeline_mode = #tpu.pipeline_mode<synchronous>, transform_indices = @transform_3, window_bounds = array<i64: 13, 512>}, {pipeline_mode = #tpu.pipeline_mode<synchronous>, transform_indices = @transform_4, window_bounds = array<i64: 1, 512>}, {pipeline_mode = #tpu.pipeline_mode<synchronous>, transform_indices = @transform_5, window_bounds = array<i64: 512, 512>}, {pipeline_mode = #tpu.pipeline_mode<synchronous>, transform_indices = @transform_6, window_bounds = array<i64: 1, 512>}, {pipeline_mode = #tpu.pipeline_mode<synchronous>, transform_indices = @transform_7, window_bounds = array<i64: 512, 1>}, {pipeline_mode = #tpu.pipeline_mode<synchronous>, transform_indices = @transform_8, window_bounds = array<i64: 1, 1>}, {transform_indices = @transform_9, window_bounds = array<i64: 2048, 1>}]} {
    %get3A = arith.constant 0 : index
    %get3A_0 = arith.constant 0 : index
    %get3A_1 = vector.load %arg2[%get3A, %get3A_0] : memref<2048x13xbf16, #tpu.memory_space<vmem>>, vector<2048x13xbf16>
    %get3A_2 = arith.constant 0 : index
    %get3A_3 = arith.constant 0 : index
    %get3A_4 = vector.load %arg4[%get3A_2, %get3A_3] : memref<13x512xbf16, #tpu.memory_space<vmem>>, vector<13x512xbf16>
    %dot_general3A = arith.constant dense<0.000000e+00> : vector<2048x512xf32>
    %dot_general3A_5 = tpu.matmul %get3A_1, %get3A_4, %dot_general3A {dimension_numbers = #tpu.dot_dimension_numbers<[1], [0], [0], [1], [0, 0, 1, 1], [], []>, transpose_lhs_hint = false} : vector<2048x13xbf16>, vector<13x512xbf16>, vector<2048x512xf32> -> vector<2048x512xf32>
    %get3A_6 = arith.constant 0 : index
    %get3A_7 = arith.constant 0 : index
    %get3A_8 = arith.constant 0 : index
    %get3A_9 = vector.load %arg1[%get3A_6, %get3A_7, %get3A_8] : memref<4x2048x128xf32, #tpu.memory_space<vmem>>, vector<1x2048x128xf32>
    %get3A_10 = vector.shape_cast %get3A_9 : vector<1x2048x128xf32> to vector<2048x128xf32>
    %convert_element_type3A = arith.truncf %get3A_10 : vector<2048x128xf32> to vector<2048x128xbf16>
    %get3A_11 = arith.constant 1 : index
    %get3A_12 = arith.constant 0 : index
    %get3A_13 = arith.constant 0 : index
    %get3A_14 = vector.load %arg1[%get3A_11, %get3A_12, %get3A_13] : memref<4x2048x128xf32, #tpu.memory_space<vmem>>, vector<1x2048x128xf32>
    %get3A_15 = vector.shape_cast %get3A_14 : vector<1x2048x128xf32> to vector<2048x128xf32>
    %convert_element_type3A_16 = arith.truncf %get3A_15 : vector<2048x128xf32> to vector<2048x128xbf16>
    %get3A_17 = arith.constant 2 : index
    %get3A_18 = arith.constant 0 : index
    %get3A_19 = arith.constant 0 : index
    %get3A_20 = vector.load %arg1[%get3A_17, %get3A_18, %get3A_19] : memref<4x2048x128xf32, #tpu.memory_space<vmem>>, vector<1x2048x128xf32>
    %get3A_21 = vector.shape_cast %get3A_20 : vector<1x2048x128xf32> to vector<2048x128xf32>
    %convert_element_type3A_22 = arith.truncf %get3A_21 : vector<2048x128xf32> to vector<2048x128xbf16>
    %get3A_23 = arith.constant 3 : index
    %get3A_24 = arith.constant 0 : index
    %get3A_25 = arith.constant 0 : index
    %get3A_26 = vector.load %arg1[%get3A_23, %get3A_24, %get3A_25] : memref<4x2048x128xf32, #tpu.memory_space<vmem>>, vector<1x2048x128xf32>
    %get3A_27 = vector.shape_cast %get3A_26 : vector<1x2048x128xf32> to vector<2048x128xf32>
    %convert_element_type3A_28 = arith.truncf %get3A_27 : vector<2048x128xf32> to vector<2048x128xbf16>
    %concatenate3A = tpu.concatenate %convert_element_type3A, %convert_element_type3A_16, %convert_element_type3A_22, %convert_element_type3A_28 in 1 : vector<2048x128xbf16>, vector<2048x128xbf16>, vector<2048x128xbf16>, vector<2048x128xbf16> -> vector<2048x512xbf16>
    %get3A_29 = arith.constant 0 : index
    %get3A_30 = arith.constant 0 : index
    %get3A_31 = vector.load %arg3[%get3A_29, %get3A_30] : memref<512x512xbf16, #tpu.memory_space<vmem>>, vector<512x512xbf16>
    %dot_general3A_32 = arith.constant dense<0.000000e+00> : vector<2048x512xf32>
    %dot_general3A_33 = tpu.matmul %concatenate3A, %get3A_31, %dot_general3A_32 {dimension_numbers = #tpu.dot_dimension_numbers<[1], [0], [0], [1], [0, 0, 1, 1], [], []>, transpose_lhs_hint = false} : vector<2048x512xbf16>, vector<512x512xbf16>, vector<2048x512xf32> -> vector<2048x512xf32>
    %add3A = arith.addf %dot_general3A_5, %dot_general3A_33 : vector<2048x512xf32>
    %get3A_34 = arith.constant 0 : index
    %get3A_35 = arith.constant 0 : index
    %get3A_36 = vector.load %arg5[%get3A_34, %get3A_35] : memref<1x512xf32, #tpu.memory_space<vmem>>, vector<1x512xf32>
    %add3A_37 = vector.broadcast %get3A_36 : vector<1x512xf32> to vector<2048x512xf32>
    %add3A_38 = arith.addf %add3A, %add3A_37 : vector<2048x512xf32>
    %max3A = arith.constant 0.000000e+00 : f32
    %max3A_39 = vector.broadcast %max3A : f32 to vector<2048x512xf32>
    %max3A_40 = arith.maximumf %add3A_38, %max3A_39 : vector<2048x512xf32>
    %convert_element_type3A_41 = arith.truncf %max3A_40 : vector<2048x512xf32> to vector<2048x512xbf16>
    %get3A_42 = arith.constant 0 : index
    %get3A_43 = arith.constant 0 : index
    %get3A_44 = vector.load %arg6[%get3A_42, %get3A_43] : memref<512x512xbf16, #tpu.memory_space<vmem>>, vector<512x512xbf16>
    %dot_general3A_45 = arith.constant dense<0.000000e+00> : vector<2048x512xf32>
    %dot_general3A_46 = tpu.matmul %convert_element_type3A_41, %get3A_44, %dot_general3A_45 {dimension_numbers = #tpu.dot_dimension_numbers<[1], [0], [0], [1], [0, 0, 1, 1], [], []>, transpose_lhs_hint = false} : vector<2048x512xbf16>, vector<512x512xbf16>, vector<2048x512xf32> -> vector<2048x512xf32>
    %get3A_47 = arith.constant 0 : index
    %get3A_48 = arith.constant 0 : index
    %get3A_49 = vector.load %arg7[%get3A_47, %get3A_48] : memref<1x512xf32, #tpu.memory_space<vmem>>, vector<1x512xf32>
    %add3A_50 = vector.broadcast %get3A_49 : vector<1x512xf32> to vector<2048x512xf32>
    %add3A_51 = arith.addf %dot_general3A_46, %add3A_50 : vector<2048x512xf32>
    %max3A_52 = arith.constant 0.000000e+00 : f32
    %max3A_53 = vector.broadcast %max3A_52 : f32 to vector<2048x512xf32>
    %max3A_54 = arith.maximumf %add3A_51, %max3A_53 : vector<2048x512xf32>
    %convert_element_type3A_55 = arith.truncf %max3A_54 : vector<2048x512xf32> to vector<2048x512xbf16>
    %get3A_56 = arith.constant 0 : index
    %get3A_57 = arith.constant 0 : index
    %get3A_58 = vector.load %arg8[%get3A_56, %get3A_57] : memref<512x1xbf16, #tpu.memory_space<vmem>>, vector<512x1xbf16>
    %dot_general3A_59 = arith.constant dense<0.000000e+00> : vector<2048x1xf32>
    %dot_general3A_60 = tpu.matmul %convert_element_type3A_55, %get3A_58, %dot_general3A_59 {dimension_numbers = #tpu.dot_dimension_numbers<[1], [0], [0], [1], [0, 0, 1, 1], [], []>, transpose_lhs_hint = false} : vector<2048x512xbf16>, vector<512x1xbf16>, vector<2048x1xf32> -> vector<2048x1xf32>
    %get3A_61 = arith.constant 0 : index
    %get3A_62 = arith.constant 0 : index
    %get3A_63 = vector.load %arg9[%get3A_61, %get3A_62] : memref<1x1xf32, #tpu.memory_space<vmem>>, vector<1x1xf32>
    %add3A_64 = vector.broadcast %get3A_63 : vector<1x1xf32> to vector<2048x1xf32>
    %add3A_65 = arith.addf %dot_general3A_60, %add3A_64 : vector<2048x1xf32>
    %swap3A = arith.constant 0 : index
    %swap3A_66 = arith.constant 0 : index
    %swap3A_67 = vector.load %arg10[%swap3A, %swap3A_66] : memref<2048x1xf32, #tpu.memory_space<vmem>>, vector<2048x1xf32>
    tpu.vector_store %arg10[%swap3A, %swap3A_66], %add3A_65 {strides = array<i32>} : memref<2048x1xf32, #tpu.memory_space<vmem>>, vector<2048x1xf32>,
    return
  }
  func.func @transform_0(%arg0: i32) -> (i32, i32, i32) {
    %c0_i32 = arith.constant 0 : i32
    %c0_i32_0 = arith.constant 0 : i32
    %c0_i32_1 = arith.constant 0 : i32
    return %c0_i32, %arg0, %c0_i32_0 : i32, i32, i32
  }
  func.func @transform_1(%arg0: i32) -> (i32, i32) {
    %c0_i32 = arith.constant 0 : i32
    %c0_i32_0 = arith.constant 0 : i32
    return %arg0, %c0_i32 : i32, i32
  }
  func.func @transform_2(%arg0: i32) -> (i32, i32) {
    %c0_i32 = arith.constant 0 : i32
    %c0_i32_0 = arith.constant 0 : i32
    %c0_i32_1 = arith.constant 0 : i32
    return %c0_i32, %c0_i32_0 : i32, i32
  }
  func.func @transform_3(%arg0: i32) -> (i32, i32) {
    %c0_i32 = arith.constant 0 : i32
    %c0_i32_0 = arith.constant 0 : i32
    %c0_i32_1 = arith.constant 0 : i32
    return %c0_i32, %c0_i32_0 : i32, i32
  }
  func.func @transform_4(%arg0: i32) -> (i32, i32) {
    %c0_i32 = arith.constant 0 : i32
    %c0_i32_0 = arith.constant 0 : i32
    %c0_i32_1 = arith.constant 0 : i32
    return %c0_i32, %c0_i32_0 : i32, i32
  }
  func.func @transform_5(%arg0: i32) -> (i32, i32) {
    %c0_i32 = arith.constant 0 : i32
    %c0_i32_0 = arith.constant 0 : i32
    %c0_i32_1 = arith.constant 0 : i32
    return %c0_i32, %c0_i32_0 : i32, i32
  }
  func.func @transform_6(%arg0: i32) -> (i32, i32) {
    %c0_i32 = arith.constant 0 : i32
    %c0_i32_0 = arith.constant 0 : i32
    %c0_i32_1 = arith.constant 0 : i32
    return %c0_i32, %c0_i32_0 : i32, i32
  }
  func.func @transform_7(%arg0: i32) -> (i32, i32) {
    %c0_i32 = arith.constant 0 : i32
    %c0_i32_0 = arith.constant 0 : i32
    %c0_i32_1 = arith.constant 0 : i32
    return %c0_i32, %c0_i32_0 : i32, i32
  }
  func.func @transform_8(%arg0: i32) -> (i32, i32) {
    %c0_i32 = arith.constant 0 : i32
    %c0_i32_0 = arith.constant 0 : i32
    %c0_i32_1 = arith.constant 0 : i32
    return %c0_i32, %c0_i32_0 : i32, i32
  }
  func.func @transform_9(%arg0: i32) -> (i32, i32) {
    %c0_i32 = arith.constant 0 : i32
    %c0_i32_0 = arith.constant 0 : i32
    return %arg0, %c0_i32 : i32, i32
  }
}

</mosaic_0001>

<sc_bundles>
// kernel: kernel.6.cloned.1.call-start
scs
__scs_entry_jumppad:
0x0: {  	(pc) =	sbr.rel $0x88, $3  }
0x1: {  	(tag) =	ssettag $0x0;
	lr =	simm.s32 $0x1  }
0x2: {  	[smem:$0x3F98] =	sst lr;
	_ =	strace $0xD0000000  }
0x3: {  	_ = 	snop  }
0x4: {  	_ = 	snop  }
0x5: {  	_ = 	snop  }
0x6: {  	_ = 	snop  }
0x7: {  	_ = 	snop  }
__scs_overlays_trampoline_lowered:
0x8: {  	[smem:$0x3FA7] =	sst s0  }
0x9: {  	[smem:$0x3FA8] =	sst s1  }
0xa: {  	[smem:$0x3FA9] =	sst s2  }
0xb: {  	[smem:$0x3FAA] =	sst s3  }
0xc: {  	[smem:$0x3FAB] =	sst s4  }
0xd: {  	[smem:$0x3FAC] =	sst s5  }
0xe: {  	[smem:$0x3FAD] =	sst s6  }
0xf: {  	[smem:$0x3FAE] =	sst s7  }
0x10: {  	[smem:$0x3FAF] =	sst s8  }
0x11: {  	[smem:$0x3FB0] =	sst s9;
	s0 =	simm.s32 @!p0 $0x0  }
0x12: {  	s1 =	sld [smem:$0x3F96];
	s0 =	simm.s32 @p0 $0x1  }
0x13: {  	[smem:$0x3FB1] =	sst s0;
	s0 =	simm.s32 @!p1 $0x0  }
0x14: {  	s2 =	sld [smem:$0x3F95];
	s0 =	simm.s32 @p1 $0x1  }
0x15: {  	[smem:$0x3FB2] =	sst s0;
	s0 =	simm.s32 @!p2 $0x0  }
0x16: {  	s3 =	sld [smem:$0x3FDB];
	s0 =	simm.s32 @p2 $0x1  }
0x17: {  	s4 =	simm.s32 $0x1BF5;
	[smem:$0x3FB4] =	sst s0  }
0x18: {  	s0 =	sld [smem:$0x3F97];
	_ =	swait.ge [sflag:s4], $0x0  }
0x19: {  	s7 =	sld [smem:$0x3F98]  }
0x1a: {  	s8 =	sadd.s32 $0xFFFFE003, lr  }
0x1b: {  	s9 =	sadd.s32 $0xFFFFFEF7, lr;
	s5 =	simm.s32 $0xFFFFFFFF;
	p2 =	slt.u32 s8, $0xFFFFF086  }
0x1c: {  	p1 =	slt.u32 s9, $0xF7A;
	s5 =	simm.s32 @!p2 $0x0  }
0x1d: {  	s5 =	simm.s32 @p1 $0x1;
	p0 =	seq.s32 s7, s2  }
0x1e: {  	s7 =	smul.u32 @!p0 $0xF7A, s2;
	p2 =	seq.s32 @!p0 s5, $0x0  }
0x1f: {  	s9 =	smul.u32 $0xF7A, s1;
	s8 =	simm.s32 @!p0 $0x1BF5;
	p2 =	por !p2, p0  }
0x20: {  	[sflag:s8] =	ssyncset.s32 @!p0 $0xFFFFF086;
	s6 =	sadd.s32 @!p0 s3, s7;
	s7 =	simm.s32 @!p0 $0x108  }
0x21: {  	s3 =	sadd.s32 s3, s9;
	s6 =	sadd.s32 @!p0 $0x88, s6;
	s7 =	simm.s32 @p2 $0x1082  }
0x22: {  	[simem:s7], [sflag:s8] =	dma.local @!p0 [hbm:s6], $0xF7A  }
0x23: {  	s9 =	sor.u32 $0xD0000000, s2;
	s6 =	simm.s32 $0x108;
	_ =	swait.ge @!p0 [sflag:s8], $0x0  }
0x24: {  	s3 =	sadd.s32 $0x88, s3;
	s6 =	simm.s32 @!p1 $0x1082;
	[sflag:s4] =	ssyncset.s32 $0xFFFFF086  }
0x25: {  	[simem:s6], [sflag:s4] =	dma.local [hbm:s3], $0xF7A  }
0x26: {  	[smem:$0x3F98] =	sst s1;
	(tag) =	ssettag s2;
	_ =	strace s9  }
0x27: {  	s1 =	sld [smem:$0x3FA8]  }
0x28: {  	s2 =	sld [smem:$0x3FA9]  }
0x29: {  	s4 =	sld [smem:$0x3FAB]  }
0x2a: {  	p0 =	seq.s32 s5, $0x0;
	s5 =	sld [smem:$0x3FAC]  }
0x2b: {  	s6 =	sld [smem:$0x3FAD]  }
0x2c: {  	s7 =	sld [smem:$0x3FAE]  }
0x2d: {  	s3 =	simm.s32 $0x108;
	s8 =	sld [smem:$0x3FAF]  }
0x2e: {  	s3 =	simm.s32 @!p0 $0x1082;
	s9 =	sld [smem:$0x3FB0]  }
0x2f: {  	lr =	sadd.s32 s0, s3;
	s0 =	sld [smem:$0x3FA7]  }
0x30: {  	s3 =	sld [smem:$0x3FAA]  }
0x31: {  	[smem:$0x3FB3] =	sst s10  }
0x32: {  	s10 =	sld [smem:$0x3FB1];
	_ =	sdelay $0x3  }
0x33: {  	p0 =	seq.s32 s10, $0x1;
	s10 =	sld [smem:$0x3FB3];
	_ =	sdelay $0x3  }
0x34: {  	[smem:$0x3FB3] =	sst s10  }
0x35: {  	s10 =	sld [smem:$0x3FB2];
	_ =	sdelay $0x3  }
0x36: {  	p1 =	seq.s32 s10, $0x1;
	s10 =	sld [smem:$0x3FB3];
	_ =	sdelay $0x3  }
0x37: {  	[smem:$0x3FB3] =	sst s10  }
0x38: {  	s10 =	sld [smem:$0x3FB4]  }
0x39: {  	_ = 	snop;
	(pc) =	sbr.ind lr, $3  }
0x3a: {  	_ = 	snop  }
0x3b: {  	_ = 	snop  }
0x3c: {  	p2 =	seq.s32 s10, $0x1;
	s10 =	sld [smem:$0x3FB3]  }
0x3d: {  	_ =	shalt  }
0x3e: {  	_ =	shalt  }
0x3f: {  	_ =	shalt  }
0x40: {  	_ =	shalt  }
0x41: {  	_ =	shalt  }
0x42: {  	_ =	shalt  }
0x43: {  	_ =	shalt  }
0x44: {  	_ =	shalt  }
0x45: {  	_ =	shalt  }
0x46: {  	_ =	shalt  }
0x47: {  	_ =	shalt  }
0x48: {  	_ =	shalt  }
0x49: {  	_ =	shalt  }
0x4a: {  	_ =	shalt  }
0x4b: {  	_ =	shalt  }
0x4c: {  	_ =	shalt  }
0x4d: {  	_ =	shalt  }
0x4e: {  	_ =	shalt  }
0x4f: {  	_ =	shalt  }
0x50: {  	_ =	shalt  }
0x51: {  	_ =	shalt  }
0x52: {  	_ =	shalt  }
0x53: {  	_ =	shalt  }
0x54: {  	_ =	shalt  }
0x55: {  	_ =	shalt  }
0x56: {  	_ =	shalt  }
0x57: {  	_ =	shalt  }
0x58: {  	_ =	shalt  }
0x59: {  	_ =	shalt  }
0x5a: {  	_ =	shalt  }
0x5b: {  	_ =	shalt  }
0x5c: {  	_ =	shalt  }
0x5d: {  	_ =	shalt  }
0x5e: {  	_ =	shalt  }
0x5f: {  	_ =	shalt  }
0x60: {  	_ =	shalt  }
0x61: {  	_ =	shalt  }
0x62: {  	_ =	shalt  }
0x63: {  	_ =	shalt  }
0x64: {  	_ =	shalt  }
0x65: {  	_ =	shalt  }
0x66: {  	_ =	shalt  }
0x67: {  	_ =	shalt  }
0x68: {  	_ =	shalt  }
0x69: {  	_ =	shalt  }
0x6a: {  	_ =	shalt  }
0x6b: {  	_ =	shalt  }
0x6c: {  	_ =	shalt  }
0x6d: {  	_ =	shalt  }
0x6e: {  	_ =	shalt  }
0x6f: {  	_ =	shalt  }
0x70: {  	_ =	shalt  }
0x71: {  	_ =	shalt  }
0x72: {  	_ =	shalt  }
0x73: {  	_ =	shalt  }
0x74: {  	_ =	shalt  }
0x75: {  	_ =	shalt  }
0x76: {  	_ =	shalt  }
0x77: {  	_ =	shalt  }
0x78: {  	_ =	shalt  }
0x79: {  	_ =	shalt  }
0x7a: {  	_ =	shalt  }
0x7b: {  	_ =	shalt  }
0x7c: {  	_ =	shalt  }
0x7d: {  	_ =	shalt  }
0x7e: {  	_ =	shalt  }
0x7f: {  	_ =	shalt  }
0x80: {  	_ =	shalt  }
0x81: {  	_ =	shalt  }
0x82: {  	_ =	shalt  }
0x83: {  	_ =	shalt  }
0x84: {  	_ =	shalt  }
0x85: {  	_ =	shalt  }
0x86: {  	_ =	shalt  }
0x87: {  	_ =	shalt  }
.Lfunc_end0:
.L_simem_size_0:
called_computation_lowered:
.L_overlay_start_0:
0x88: {  	s2 =	sld [smem:$0x3FD9]  }
0x89: {  	s3 =	sld [smem:$0x3FFE];
	_ =	sdelay $0x1  }
0x8a: {  	s1 =	srdreg.scid  }
0x8b: {  	s0 =	sand.u32 $0x1, s1  }
0x8c: {  	s16 =	sshll.u32 s0, $0xA;
	s2 =	sadd.s32 s3, s2  }
0x8d: {  	s2 =	sadd.s32 s2, s16  }
0x8e: {  	[smem:$0x3FBF] =	sst s2  }
0x8f: {  	_ = 	snop  }
0x90: {  	(tm) =	ssettm $0x1  }
0x91: {  	s17 =	sld [smem:$0x3FFB];
	_ =	sdelay $0x3  }
0x92: {  	_ =	strace s17  }
0x93: {  	s2 =	sld [smem:$0x3FFC];
	_ =	sdelay $0x3  }
0x94: {  	_ =	strace s2  }
0x95: {  	s2 =	sld [smem:$0x3FFD];
	_ =	sdelay $0x3  }
0x96: {  	_ =	strace s2  }
0x97: {  	_ =	strace $0x8FFFFFFF  }
0x98: {  	s18 =	sld [smem:$0x3FDB];
	_ =	sdelay $0x1  }
0x99: {  	s19 =	simm.s32 $_scs_section_size  }
0x9a: {  	s4 =	simm.s32 $_size__tile_overlayer_lowered;
	s5 =	simm.s32 $_tile_overlayer_lowered  }
0x9b: {  	s22 =	simm.s32 $0x1BFF;
	s21 =	sshll.u32 s5, $0x1;
	s2 =	sadd.s32 s19, s18  }
0x9c: {  	s6 =	simm.s32 $0x0;
	s20 =	sshll.u32 s4, $0x1;
	s4 =	sadd.s32 s21, s2  }
0x9d: {  	[timem:s6], [sflag:s22] =	dma.local [hbm:s4], s20  }
0x9e: {  	_ =	swait.ge [sflag:s22], s20  }
0x9f: {  	s3 =	ssub.s32 $0x0, s20;
	[sflag:s22] =	ssyncset.done $0x0  }
0xa0: {  	[sflag:s22] =	ssyncadd.s32 s3;
	_ =	sdelay $0x1  }
0xa1: {  	s23 =	simm.s32 $0x1B8B  }
0xa2: {  	_ =	swait.ge [sflag:s23], $0x1  }
0xa3: {  	[sflag:s23] =	ssyncset.done $0x0  }
0xa4: {  	s25 =	simm.s32 $0x1B8E;
	s24 =	sld [smem:$0x3FFE];
	[sflag:s23] =	ssyncadd.s32 $0xFFFFFFFF  }
0xa5: {  	s26 =	simm.s32 $execute0_lowered;
	[smem:$0x3FD2] =	sst s25  }
0xa6: {  	s4 =	sshll.u32 s26, $0x1;
	_ =	strace $0x80000046;
	[dreg:$0x1] =	wrdreg $0xFFFFFFFF  }
0xa7: {  	s28 =	simm.s32 $_size_execute0_lowered;
	s2 =	sadd.s32 s2, s4;
	[dreg:$0x0] =	wrdreg $0x0  }
0xa8: {  	s4 =	sshll.u32 s28, $0x1;
	[dreg:$0x2] =	wrdreg s2  }
0xa9: {  	[dreg:$0x3] =	wrdreg s4  }
0xaa: {  	[dreg:$0x4] =	wrdreg $0xC0  }
0xab: {  	_ =	task [dreg:s6], $0x5FFFF  }
0xac: {  	[dreg:$0x1] =	wrdreg $0xFFFFFFFF  }
0xad: {  	[dreg:$0x0] =	wrdreg $0x60  }
0xae: {  	[dreg:$0x2] =	wrdreg s24  }
0xaf: {  	[dreg:$0x3] =	wrdreg $0x9  }
0xb0: {  	_ =	task.clear_ibuf [dreg:s6], $0x4FFFF;
	_ =	strace $0x90000046  }
0xb1: {  	s29 =	simm.s32 $0x9;
	_ =	strace $0x80000048  }
0xb2: {  	_ =	swait.ge [sflag:s29], $0x1  }
0xb3: {  	[sflag:s29] =	ssyncadd.s32 $0xFFFFFFFF  }
0xb4: {  	_ =	strace $0x90000048  }
0xb5: {  	_ =	sfence  }
0xb6: {  	s30 =	sld [smem:$0x0];
	_ =	sdelay $0x2  }
0xb7: {  	s31 =	sshll.u32 s1, $0xD;
	s1 =	sshrl.u32 s1, $0x2  }
0xb8: {  	s3 =	sand.u32 $0x4000, s31;
	s1 =	sadd.s32 s1, s30  }
0xb9: {  	s0 =	sor.u32 s3, s0;
	s1 =	sshll.u32 s1, $0x11  }
0xba: {  	s0 =	sor.u32 s1, s0  }
0xbb: {  	s0 =	sadd.s32 $0x8F2B, s0  }
0xbc: {  	[sflag:s0] =	ssyncadd.remote.s32 $0x1  }
0xbd: {  	_ =	sfence.sel $0xFFFF  }
0xbe: {  	[dreg:$0x0] =	wrdreg $0xFFFFFFFF;
	(pc) =	sbr.abs _section_cstart, $3  }
0xbf: {  	[dreg:$0x1] =	wrdreg $0xFFFFFFFF  }
0xc0: {  	_ =	task.clear_ibuf [dreg:s6], $0x2FFFF;
	_ =	strace $0x9FFFFFFF  }
0xc1: {  	(tm) =	ssettm $0x7FFFFFFF  }
tec
execute0_lowered:
.L_overlay_start_1:
0x0: {  	(tag) =	ssettag $0x1  }
0x1: {  	s1 =	srdreg.scid  }
0x2: {  	s0 =	stileid.u32;
	s26 =	sand.u32 $0x1, s1  }
0x3: {  	s9 =	rddreg [dreg:$0x0];
	s3 =	sshll.u32 s0, $0xD;
	s4 =	sshll.u32 s26, $0xC  }
0x4: {  	s2 =	simm.s32 $0x0;
	s1 =	rddreg [dreg:$0x1];
	s25 =	sor.u32 s4, s3  }
0x5: {  	[smem:$0x7FF] =	sst s2;
	s24 =	sadd.s32 $0x4200, s9;
	s3 =	sshrl.u32 s25, $0x3  }
0x6: {  	_ =	strace $0x80000047;
	s4 =	simm.s32 $0x3;
	s3 =	sadd.s32 s24, s3  }
0x7: {  	[tilespmem:s2], [sflag:$0x3] =	stream.linear.gather [hbm4b:s3+s2], $0x200, $0x38;
	[tilespmem:$0x8400] =	vst v63  }
0x8: {  	_ =	swait.ge [sflag:s4], $0x200  }
0x9: {  	s6 =	simm.s32 $0x200;
	s7 =	simm.s32 $0x400;
	[sflag:s4] =	ssyncset.done $0x0  }
0xa: {  	s8 =	simm.s32 $0x1;
	s5 =	sadd.s32 $0x2200, s9;
	[sflag:s4] =	ssyncadd.s32 $0xFFFFFE00  }
0xb: {  	[tilespmem:s7], [sflag:$0x1] =	stream.indirect.gather [hbm4b:s5+s6], $0x20, s2, s6, $0xb8;
	[tilespmem:$0x8400] =	vst v63  }
0xc: {  	s28 =	sadd.s32 $0x8200, s9;
	_ =	swait.ge [sflag:s8], $0x4000  }
0xd: {  	s30 =	sshll.u32 s25, $0x2;
	s13 =	sor.u32 $0x200, s25;
	[sflag:s8] =	ssyncset.done $0x0  }
0xe: {  	s9 =	sadd.s32 s28, s30;
	s10 =	sshrl.u32 s13, $0x3;
	[sflag:s8] =	ssyncadd.s32 $0xFFFFC000  }
0xf: {  	[hbm4b:s9+s2] =	stream.linear.scatter [tilespmem:s7], [sflag:$0x1], $0x4000, $0x38;
	[tilespmem:$0x8400] =	vst v63  }
0x10: {  	s10 =	sadd.s32 s24, s10  }
0x11: {  	[tilespmem:s6], [sflag:$0x3] =	stream.linear.gather [hbm4b:s10+s2], $0x200, $0x38;
	[tilespmem:$0x8400] =	vst v63  }
0x12: {  	_ =	swait.ge [sflag:s4], $0x200  }
0x13: {  	[sflag:s4] =	ssyncset.done $0x0  }
0x14: {  	s12 =	simm.s32 $0x4400;
	s11 =	simm.s32 $0x2;
	[sflag:s4] =	ssyncadd.s32 $0xFFFFFE00  }
0x15: {  	[tilespmem:s12], [sflag:$0x2] =	stream.indirect.gather [hbm4b:s5+s6], $0x20, s6, s6, $0xb8;
	[tilespmem:$0x8400] =	vst v63  }
0x16: {  	_ =	swait.ge [sflag:s11], $0x4000  }
0x17: {  	s13 =	sshll.u32 s13, $0x2;
	[sflag:s11] =	ssyncset.done $0x0  }
0x18: {  	s13 =	sadd.s32 s28, s13;
	[sflag:s11] =	ssyncadd.s32 $0xFFFFC000  }
0x19: {  	[hbm4b:s13+s2] =	stream.linear.scatter [tilespmem:s12], [sflag:$0x2], $0x4000, $0x38;
	[tilespmem:$0x8400] =	vst v63  }
0x1a: {  	s15 =	sor.u32 $0x400, s25;
	_ =	swait.ge [sflag:s8], $0x4000  }
0x1b: {  	s14 =	sshrl.u32 s15, $0x3;
	[sflag:s8] =	ssyncset.done $0x0  }
0x1c: {  	s14 =	sadd.s32 s24, s14;
	[sflag:s8] =	ssyncadd.s32 $0xFFFFC000  }
0x1d: {  	[tilespmem:s2], [sflag:$0x3] =	stream.linear.gather [hbm4b:s14+s2], $0x200, $0x38;
	[tilespmem:$0x8400] =	vst v63  }
0x1e: {  	_ =	swait.ge [sflag:s4], $0x200  }
0x1f: {  	[sflag:s4] =	ssyncset.done $0x0  }
0x20: {  	[sflag:s4] =	ssyncadd.s32 $0xFFFFFE00  }
0x21: {  	[tilespmem:s7], [sflag:$0x1] =	stream.indirect.gather [hbm4b:s5+s6], $0x20, s2, s6, $0xb8;
	[tilespmem:$0x8400] =	vst v63  }
0x22: {  	_ =	swait.ge [sflag:s8], $0x4000  }
0x23: {  	s15 =	sshll.u32 s15, $0x2;
	[sflag:s8] =	ssyncset.done $0x0  }
0x24: {  	s15 =	sadd.s32 s28, s15;
	[sflag:s8] =	ssyncadd.s32 $0xFFFFC000  }
0x25: {  	[hbm4b:s15+s2] =	stream.linear.scatter [tilespmem:s7], [sflag:$0x1], $0x4000, $0x38;
	[tilespmem:$0x8400] =	vst v63  }
0x26: {  	s17 =	sor.u32 $0x600, s25;
	_ =	swait.ge [sflag:s11], $0x4000  }
0x27: {  	s16 =	sshrl.u32 s17, $0x3;
	[sflag:s11] =	ssyncset.done $0x0  }
0x28: {  	s16 =	sadd.s32 s24, s16;
	[sflag:s11] =	ssyncadd.s32 $0xFFFFC000  }
0x29: {  	[tilespmem:s6], [sflag:$0x3] =	stream.linear.gather [hbm4b:s16+s2], $0x200, $0x38;
	[tilespmem:$0x8400] =	vst v63  }
0x2a: {  	_ =	swait.ge [sflag:s4], $0x200  }
0x2b: {  	[sflag:s4] =	ssyncset.done $0x0  }
0x2c: {  	[sflag:s4] =	ssyncadd.s32 $0xFFFFFE00  }
0x2d: {  	[tilespmem:s12], [sflag:$0x2] =	stream.indirect.gather [hbm4b:s5+s6], $0x20, s6, s6, $0xb8;
	[tilespmem:$0x8400] =	vst v63  }
0x2e: {  	_ =	swait.ge [sflag:s11], $0x4000  }
0x2f: {  	s17 =	sshll.u32 s17, $0x2;
	[sflag:s11] =	ssyncset.done $0x0  }
0x30: {  	s17 =	sadd.s32 s28, s17;
	[sflag:s11] =	ssyncadd.s32 $0xFFFFC000  }
0x31: {  	[hbm4b:s17+s2] =	stream.linear.scatter [tilespmem:s12], [sflag:$0x2], $0x4000, $0x38;
	[tilespmem:$0x8400] =	vst v63  }
0x32: {  	s19 =	sor.u32 $0x800, s25;
	_ =	swait.ge [sflag:s8], $0x4000  }
0x33: {  	s18 =	sshrl.u32 s19, $0x3;
	[sflag:s8] =	ssyncset.done $0x0  }
0x34: {  	s18 =	sadd.s32 s24, s18;
	[sflag:s8] =	ssyncadd.s32 $0xFFFFC000  }
0x35: {  	[tilespmem:s2], [sflag:$0x3] =	stream.linear.gather [hbm4b:s18+s2], $0x200, $0x38;
	[tilespmem:$0x8400] =	vst v63  }
0x36: {  	_ =	swait.ge [sflag:s4], $0x200  }
0x37: {  	[sflag:s4] =	ssyncset.done $0x0  }
0x38: {  	[sflag:s4] =	ssyncadd.s32 $0xFFFFFE00  }
0x39: {  	[tilespmem:s7], [sflag:$0x1] =	stream.indirect.gather [hbm4b:s5+s6], $0x20, s2, s6, $0xb8;
	[tilespmem:$0x8400] =	vst v63  }
0x3a: {  	_ =	swait.ge [sflag:s8], $0x4000  }
0x3b: {  	s19 =	sshll.u32 s19, $0x2;
	[sflag:s8] =	ssyncset.done $0x0  }
0x3c: {  	s19 =	sadd.s32 s28, s19;
	[sflag:s8] =	ssyncadd.s32 $0xFFFFC000  }
0x3d: {  	[hbm4b:s19+s2] =	stream.linear.scatter [tilespmem:s7], [sflag:$0x1], $0x4000, $0x38;
	[tilespmem:$0x8400] =	vst v63  }
0x3e: {  	s21 =	sor.u32 $0xA00, s25;
	_ =	swait.ge [sflag:s11], $0x4000  }
0x3f: {  	s20 =	sshrl.u32 s21, $0x3;
	[sflag:s11] =	ssyncset.done $0x0  }
0x40: {  	s20 =	sadd.s32 s24, s20;
	[sflag:s11] =	ssyncadd.s32 $0xFFFFC000  }
0x41: {  	[tilespmem:s6], [sflag:$0x3] =	stream.linear.gather [hbm4b:s20+s2], $0x200, $0x38;
	[tilespmem:$0x8400] =	vst v63  }
0x42: {  	_ =	swait.ge [sflag:s4], $0x200  }
0x43: {  	[sflag:s4] =	ssyncset.done $0x0  }
0x44: {  	[sflag:s4] =	ssyncadd.s32 $0xFFFFFE00  }
0x45: {  	[tilespmem:s12], [sflag:$0x2] =	stream.indirect.gather [hbm4b:s5+s6], $0x20, s6, s6, $0xb8;
	[tilespmem:$0x8400] =	vst v63  }
0x46: {  	_ =	swait.ge [sflag:s11], $0x4000  }
0x47: {  	s21 =	sshll.u32 s21, $0x2;
	[sflag:s11] =	ssyncset.done $0x0  }
0x48: {  	s21 =	sadd.s32 s28, s21;
	[sflag:s11] =	ssyncadd.s32 $0xFFFFC000  }
0x49: {  	[hbm4b:s21+s2] =	stream.linear.scatter [tilespmem:s12], [sflag:$0x2], $0x4000, $0x38;
	[tilespmem:$0x8400] =	vst v63  }
0x4a: {  	s23 =	sor.u32 $0xC00, s25;
	_ =	swait.ge [sflag:s8], $0x4000  }
0x4b: {  	s22 =	sshrl.u32 s23, $0x3;
	[sflag:s8] =	ssyncset.done $0x0  }
0x4c: {  	s22 =	sadd.s32 s24, s22;
	[sflag:s8] =	ssyncadd.s32 $0xFFFFC000  }
0x4d: {  	[tilespmem:s2], [sflag:$0x3] =	stream.linear.gather [hbm4b:s22+s2], $0x200, $0x38;
	[tilespmem:$0x8400] =	vst v63  }
0x4e: {  	_ =	swait.ge [sflag:s4], $0x200  }
0x4f: {  	[sflag:s4] =	ssyncset.done $0x0  }
0x50: {  	[sflag:s4] =	ssyncadd.s32 $0xFFFFFE00  }
0x51: {  	[tilespmem:s7], [sflag:$0x1] =	stream.indirect.gather [hbm4b:s5+s6], $0x20, s2, s6, $0xb8;
	[tilespmem:$0x8400] =	vst v63  }
0x52: {  	_ =	swait.ge [sflag:s8], $0x4000  }
0x53: {  	s23 =	sshll.u32 s23, $0x2;
	[sflag:s8] =	ssyncset.done $0x0  }
0x54: {  	s23 =	sadd.s32 s28, s23;
	[sflag:s8] =	ssyncadd.s32 $0xFFFFC000  }
0x55: {  	[hbm4b:s23+s2] =	stream.linear.scatter [tilespmem:s7], [sflag:$0x1], $0x4000, $0x38;
	[tilespmem:$0x8400] =	vst v63  }
0x56: {  	s25 =	sor.u32 $0xE00, s25;
	_ =	swait.ge [sflag:s11], $0x4000  }
0x57: {  	s29 =	sshrl.u32 s25, $0x3;
	[sflag:s11] =	ssyncset.done $0x0  }
0x58: {  	s24 =	sadd.s32 s24, s29;
	[sflag:s11] =	ssyncadd.s32 $0xFFFFC000  }
0x59: {  	[tilespmem:s6], [sflag:$0x3] =	stream.linear.gather [hbm4b:s24+s2], $0x200, $0x38;
	[tilespmem:$0x8400] =	vst v63  }
0x5a: {  	_ =	swait.ge [sflag:s4], $0x200  }
0x5b: {  	s26 =	ssub.s32 $0x2, s26;
	[sflag:s4] =	ssyncset.done $0x0  }
0x5c: {  	s31 =	sshrl.u32 s26, $0x1;
	[sflag:s4] =	ssyncadd.s32 $0xFFFFFE00  }
0x5d: {  	[tilespmem:s12], [sflag:$0x2] =	stream.indirect.gather [hbm4b:s5+s6], $0x20, s6, s6, $0xb8;
	[tilespmem:$0x8400] =	vst v63  }
0x5e: {  	s26 =	ssub.s32 s26, s31;
	_ =	swait.ge [sflag:s11], $0x4000  }
0x5f: {  	s25 =	sshll.u32 s25, $0x2;
	s26 =	smax.u32 s26, $0x1;
	[sflag:s11] =	ssyncset.done $0x0  }
0x60: {  	s25 =	sadd.s32 s28, s25;
	p0 =	sne.s32 s26, $0x1;
	[sflag:s11] =	ssyncadd.s32 $0xFFFFC000  }
0x61: {  	[hbm4b:s25+s2] =	stream.linear.scatter [tilespmem:s12], [sflag:$0x2], $0x4000, $0x38;
	[tilespmem:$0x8400] =	vst v63  }
.Ltmp0:
0x62: {  	_ =	swait.ge [sflag:s8], $0x4000;
	(pc) =	sbr.rel @!p0 .LBB2_2-.Ltmp0, $4  }
0x63: {  	[sflag:s8] =	ssyncset.done $0x0  }
0x64: {  	[sflag:s8] =	ssyncadd.s32 $0xFFFFC000  }
0x65: {  	_ =	swait.ge [sflag:s11], $0x4000  }
0x66: {  	s26 =	sadd.s32 $0xFFFFFFFF, s26;
	[sflag:s11] =	ssyncset.done $0x0  }
.LBB2_1:
0x67: {  	p0 =	sne.s32 s26, $0x1;
	s26 =	sadd.s32 $0xFFFFFFFF, s26;
	[sflag:s11] =	ssyncadd.s32 $0xFFFFC000  }
0x68: {  	[tilespmem:s2], [sflag:$0x3] =	stream.linear.gather [hbm4b:s3+s2], $0x200, $0x38;
	[tilespmem:$0x8400] =	vst v63  }
0x69: {  	_ =	swait.ge [sflag:s4], $0x200  }
0x6a: {  	[sflag:s4] =	ssyncset.done $0x0  }
0x6b: {  	[sflag:s4] =	ssyncadd.s32 $0xFFFFFE00  }
0x6c: {  	[tilespmem:s7], [sflag:$0x1] =	stream.indirect.gather [hbm4b:s5+s6], $0x20, s2, s6, $0xb8;
	[tilespmem:$0x8400] =	vst v63  }
0x6d: {  	_ =	swait.ge [sflag:s8], $0x4000  }
0x6e: {  	[sflag:s8] =	ssyncset.done $0x0  }
0x6f: {  	[sflag:s8] =	ssyncadd.s32 $0xFFFFC000  }
0x70: {  	[hbm4b:s9+s2] =	stream.linear.scatter [tilespmem:s7], [sflag:$0x1], $0x4000, $0x38;
	[tilespmem:$0x8400] =	vst v63  }
0x71: {  	_ = 	snop  }
0x72: {  	[tilespmem:s6], [sflag:$0x3] =	stream.linear.gather [hbm4b:s10+s2], $0x200, $0x38;
	[tilespmem:$0x8400] =	vst v63  }
0x73: {  	_ =	swait.ge [sflag:s4], $0x200  }
0x74: {  	[sflag:s4] =	ssyncset.done $0x0  }
0x75: {  	[sflag:s4] =	ssyncadd.s32 $0xFFFFFE00  }
0x76: {  	[tilespmem:s12], [sflag:$0x2] =	stream.indirect.gather [hbm4b:s5+s6], $0x20, s6, s6, $0xb8;
	[tilespmem:$0x8400] =	vst v63  }
0x77: {  	_ =	swait.ge [sflag:s11], $0x4000  }
0x78: {  	[sflag:s11] =	ssyncset.done $0x0  }
0x79: {  	[sflag:s11] =	ssyncadd.s32 $0xFFFFC000  }
0x7a: {  	[hbm4b:s13+s2] =	stream.linear.scatter [tilespmem:s12], [sflag:$0x2], $0x4000, $0x38;
	[tilespmem:$0x8400] =	vst v63  }
0x7b: {  	_ =	swait.ge [sflag:s8], $0x4000  }
0x7c: {  	[sflag:s8] =	ssyncset.done $0x0  }
0x7d: {  	[sflag:s8] =	ssyncadd.s32 $0xFFFFC000  }
0x7e: {  	[tilespmem:s2], [sflag:$0x3] =	stream.linear.gather [hbm4b:s14+s2], $0x200, $0x38;
	[tilespmem:$0x8400] =	vst v63  }
0x7f: {  	_ =	swait.ge [sflag:s4], $0x200  }
0x80: {  	[sflag:s4] =	ssyncset.done $0x0  }
0x81: {  	[sflag:s4] =	ssyncadd.s32 $0xFFFFFE00  }
0x82: {  	[tilespmem:s7], [sflag:$0x1] =	stream.indirect.gather [hbm4b:s5+s6], $0x20, s2, s6, $0xb8;
	[tilespmem:$0x8400] =	vst v63  }
0x83: {  	_ =	swait.ge [sflag:s8], $0x4000  }
0x84: {  	[sflag:s8] =	ssyncset.done $0x0  }
0x85: {  	[sflag:s8] =	ssyncadd.s32 $0xFFFFC000  }
0x86: {  	[hbm4b:s15+s2] =	stream.linear.scatter [tilespmem:s7], [sflag:$0x1], $0x4000, $0x38;
	[tilespmem:$0x8400] =	vst v63  }
0x87: {  	_ =	swait.ge [sflag:s11], $0x4000  }
0x88: {  	[sflag:s11] =	ssyncset.done $0x0  }
0x89: {  	[sflag:s11] =	ssyncadd.s32 $0xFFFFC000  }
0x8a: {  	[tilespmem:s6], [sflag:$0x3] =	stream.linear.gather [hbm4b:s16+s2], $0x200, $0x38;
	[tilespmem:$0x8400] =	vst v63  }
0x8b: {  	_ =	swait.ge [sflag:s4], $0x200  }
0x8c: {  	[sflag:s4] =	ssyncset.done $0x0  }
0x8d: {  	[sflag:s4] =	ssyncadd.s32 $0xFFFFFE00  }
0x8e: {  	[tilespmem:s12], [sflag:$0x2] =	stream.indirect.gather [hbm4b:s5+s6], $0x20, s6, s6, $0xb8;
	[tilespmem:$0x8400] =	vst v63  }
0x8f: {  	_ =	swait.ge [sflag:s11], $0x4000  }
0x90: {  	[sflag:s11] =	ssyncset.done $0x0  }
0x91: {  	[sflag:s11] =	ssyncadd.s32 $0xFFFFC000  }
0x92: {  	[hbm4b:s17+s2] =	stream.linear.scatter [tilespmem:s12], [sflag:$0x2], $0x4000, $0x38;
	[tilespmem:$0x8400] =	vst v63  }
0x93: {  	_ =	swait.ge [sflag:s8], $0x4000  }
0x94: {  	[sflag:s8] =	ssyncset.done $0x0  }
0x95: {  	[sflag:s8] =	ssyncadd.s32 $0xFFFFC000  }
0x96: {  	[tilespmem:s2], [sflag:$0x3] =	stream.linear.gather [hbm4b:s18+s2], $0x200, $0x38;
	[tilespmem:$0x8400] =	vst v63  }
0x97: {  	_ =	swait.ge [sflag:s4], $0x200  }
0x98: {  	[sflag:s4] =	ssyncset.done $0x0  }
0x99: {  	[sflag:s4] =	ssyncadd.s32 $0xFFFFFE00  }
0x9a: {  	[tilespmem:s7], [sflag:$0x1] =	stream.indirect.gather [hbm4b:s5+s6], $0x20, s2, s6, $0xb8;
	[tilespmem:$0x8400] =	vst v63  }
0x9b: {  	_ =	swait.ge [sflag:s8], $0x4000  }
0x9c: {  	[sflag:s8] =	ssyncset.done $0x0  }
0x9d: {  	[sflag:s8] =	ssyncadd.s32 $0xFFFFC000  }
0x9e: {  	[hbm4b:s19+s2] =	stream.linear.scatter [tilespmem:s7], [sflag:$0x1], $0x4000, $0x38;
	[tilespmem:$0x8400] =	vst v63  }
0x9f: {  	_ =	swait.ge [sflag:s11], $0x4000  }
0xa0: {  	[sflag:s11] =	ssyncset.done $0x0  }
0xa1: {  	[sflag:s11] =	ssyncadd.s32 $0xFFFFC000  }
0xa2: {  	[tilespmem:s6], [sflag:$0x3] =	stream.linear.gather [hbm4b:s20+s2], $0x200, $0x38;
	[tilespmem:$0x8400] =	vst v63  }
0xa3: {  	_ =	swait.ge [sflag:s4], $0x200  }
0xa4: {  	[sflag:s4] =	ssyncset.done $0x0  }
0xa5: {  	[sflag:s4] =	ssyncadd.s32 $0xFFFFFE00  }
0xa6: {  	[tilespmem:s12], [sflag:$0x2] =	stream.indirect.gather [hbm4b:s5+s6], $0x20, s6, s6, $0xb8;
	[tilespmem:$0x8400] =	vst v63  }
0xa7: {  	_ =	swait.ge [sflag:s11], $0x4000  }
0xa8: {  	[sflag:s11] =	ssyncset.done $0x0  }
0xa9: {  	[sflag:s11] =	ssyncadd.s32 $0xFFFFC000  }
0xaa: {  	[hbm4b:s21+s2] =	stream.linear.scatter [tilespmem:s12], [sflag:$0x2], $0x4000, $0x38;
	[tilespmem:$0x8400] =	vst v63  }
0xab: {  	_ =	swait.ge [sflag:s8], $0x4000  }
0xac: {  	[sflag:s8] =	ssyncset.done $0x0  }
0xad: {  	[sflag:s8] =	ssyncadd.s32 $0xFFFFC000  }
0xae: {  	[tilespmem:s2], [sflag:$0x3] =	stream.linear.gather [hbm4b:s22+s2], $0x200, $0x38;
	[tilespmem:$0x8400] =	vst v63  }
0xaf: {  	_ =	swait.ge [sflag:s4], $0x200  }
0xb0: {  	[sflag:s4] =	ssyncset.done $0x0  }
0xb1: {  	[sflag:s4] =	ssyncadd.s32 $0xFFFFFE00  }
0xb2: {  	[tilespmem:s7], [sflag:$0x1] =	stream.indirect.gather [hbm4b:s5+s6], $0x20, s2, s6, $0xb8;
	[tilespmem:$0x8400] =	vst v63  }
0xb3: {  	_ =	swait.ge [sflag:s8], $0x4000  }
0xb4: {  	[sflag:s8] =	ssyncset.done $0x0  }
0xb5: {  	[sflag:s8] =	ssyncadd.s32 $0xFFFFC000  }
0xb6: {  	[hbm4b:s23+s2] =	stream.linear.scatter [tilespmem:s7], [sflag:$0x1], $0x4000, $0x38;
	[tilespmem:$0x8400] =	vst v63  }
0xb7: {  	_ =	swait.ge [sflag:s11], $0x4000  }
0xb8: {  	[sflag:s11] =	ssyncset.done $0x0  }
0xb9: {  	[sflag:s11] =	ssyncadd.s32 $0xFFFFC000  }
0xba: {  	[tilespmem:s6], [sflag:$0x3] =	stream.linear.gather [hbm4b:s24+s2], $0x200, $0x38;
	[tilespmem:$0x8400] =	vst v63  }
0xbb: {  	_ =	swait.ge [sflag:s4], $0x200  }
0xbc: {  	[sflag:s4] =	ssyncset.done $0x0  }
0xbd: {  	[sflag:s4] =	ssyncadd.s32 $0xFFFFFE00  }
0xbe: {  	[tilespmem:s12], [sflag:$0x2] =	stream.indirect.gather [hbm4b:s5+s6], $0x20, s6, s6, $0xb8;
	[tilespmem:$0x8400] =	vst v63  }
0xbf: {  	_ =	swait.ge [sflag:s11], $0x4000  }
0xc0: {  	[sflag:s11] =	ssyncset.done $0x0  }
0xc1: {  	[sflag:s11] =	ssyncadd.s32 $0xFFFFC000  }
0xc2: {  	[hbm4b:s25+s2] =	stream.linear.scatter [tilespmem:s12], [sflag:$0x2], $0x4000, $0x38;
	[tilespmem:$0x8400] =	vst v63  }
.Ltmp1:
0xc3: {  	_ =	swait.ge [sflag:s8], $0x4000;
	(pc) =	sbr.rel @p0 .LBB2_1-.Ltmp1, $4  }
0xc4: {  	[sflag:s8] =	ssyncset.done $0x0  }
0xc5: {  	[sflag:s8] =	ssyncadd.s32 $0xFFFFC000  }
0xc6: {  	_ =	swait.ge [sflag:s11], $0x4000  }
0xc7: {  	[sflag:s11] =	ssyncset.done $0x0  }
.LBB2_2:
0xc8: {  	[sflag:s11] =	ssyncadd.s32 $0xFFFFC000  }
0xc9: {  	_ =	sfence.sel $0x180000  }
0xca: {  	[bflag:$0x0] =	sbarrier.arrive $0xFFFF  }
0xcb: {  	p0 =	sne.s32 s0, $0x0;
	_ =	strace $0x90000047  }
0xcc: {  	s0 =	sadd.s32 @!p0 $0x100000, s1;
	[bflag:$0x2] =	sbarrier.arrive $0xFFFF  }
0xcd: {  	[sflag:s0] =	ssyncadd.tile.s32 @!p0 $0x1;
	_ =	shalt  }
.Lfunc_end2:
_tile_overlayer_lowered:
.L_overlay_start_2:
0xce: {  	(tag) =	ssettag $0x2  }
0xcf: {  	s0 =	rddreg [dreg:$0x0];
	s2 =	stileid.u32  }
0xd0: {  	s1 =	rddreg [dreg:$0x1];
	p0 =	sne.s32 s2, $0x0  }
0xd1: {  	s3 =	rddreg [dreg:$0x2];
	[bflag:$0x3] =	sbarrier.arrive $0xFFFF;
	s2 =	simm.s32 @!p0 $0x1C03  }
0xd2: {  	[timem:s3], [sflag:s2] =	dma.local @!p0 [hbm:s0], s1  }
0xd3: {  	s0 =	simm.s32 @!p0 $0x3  }
0xd4: {  	_ =	swait.ge @!p0 [sflag:s0], s1  }
0xd5: {  	s1 =	ssub.s32 @!p0 $0x0, s1;
	[sflag:s0] =	ssyncset.done @!p0 $0x0  }
0xd6: {  	[sflag:s0] =	ssyncadd.s32 @!p0 s1  }
0xd7: {  	[bflag:$0x3] =	sbarrier.arrive $0xFFFF  }
0xd8: {  	_ =	shalt  }

// kernel: kernel.9.cloned.1.call-start
scs
__scs_entry_jumppad:
0x0: {  	(pc) =	sbr.rel $0x88, $3  }
0x1: {  	(tag) =	ssettag $0x0;
	lr =	simm.s32 $0x1  }
0x2: {  	[smem:$0x3F98] =	sst lr;
	_ =	strace $0xD0000000  }
0x3: {  	_ = 	snop  }
0x4: {  	_ = 	snop  }
0x5: {  	_ = 	snop  }
0x6: {  	_ = 	snop  }
0x7: {  	_ = 	snop  }
__scs_overlays_trampoline_lowered:
0x8: {  	[smem:$0x3FA7] =	sst s0  }
0x9: {  	[smem:$0x3FA8] =	sst s1  }
0xa: {  	[smem:$0x3FA9] =	sst s2  }
0xb: {  	[smem:$0x3FAA] =	sst s3  }
0xc: {  	[smem:$0x3FAB] =	sst s4  }
0xd: {  	[smem:$0x3FAC] =	sst s5  }
0xe: {  	[smem:$0x3FAD] =	sst s6  }
0xf: {  	[smem:$0x3FAE] =	sst s7  }
0x10: {  	[smem:$0x3FAF] =	sst s8  }
0x11: {  	[smem:$0x3FB0] =	sst s9;
	s0 =	simm.s32 @!p0 $0x0  }
0x12: {  	s1 =	sld [smem:$0x3F96];
	s0 =	simm.s32 @p0 $0x1  }
0x13: {  	[smem:$0x3FB1] =	sst s0;
	s0 =	simm.s32 @!p1 $0x0  }
0x14: {  	s2 =	sld [smem:$0x3F95];
	s0 =	simm.s32 @p1 $0x1  }
0x15: {  	[smem:$0x3FB2] =	sst s0;
	s0 =	simm.s32 @!p2 $0x0  }
0x16: {  	s3 =	sld [smem:$0x3FDB];
	s0 =	simm.s32 @p2 $0x1  }
0x17: {  	s4 =	simm.s32 $0x1BF5;
	[smem:$0x3FB4] =	sst s0  }
0x18: {  	s0 =	sld [smem:$0x3F97];
	_ =	swait.ge [sflag:s4], $0x0  }
0x19: {  	s7 =	sld [smem:$0x3F98]  }
0x1a: {  	s8 =	sadd.s32 $0xFFFFE003, lr  }
0x1b: {  	s9 =	sadd.s32 $0xFFFFFEF7, lr;
	s5 =	simm.s32 $0xFFFFFFFF;
	p2 =	slt.u32 s8, $0xFFFFF086  }
0x1c: {  	p1 =	slt.u32 s9, $0xF7A;
	s5 =	simm.s32 @!p2 $0x0  }
0x1d: {  	s5 =	simm.s32 @p1 $0x1;
	p0 =	seq.s32 s7, s2  }
0x1e: {  	s7 =	smul.u32 @!p0 $0xF7A, s2;
	p2 =	seq.s32 @!p0 s5, $0x0  }
0x1f: {  	s9 =	smul.u32 $0xF7A, s1;
	s8 =	simm.s32 @!p0 $0x1BF5;
	p2 =	por !p2, p0  }
0x20: {  	[sflag:s8] =	ssyncset.s32 @!p0 $0xFFFFF086;
	s6 =	sadd.s32 @!p0 s3, s7;
	s7 =	simm.s32 @!p0 $0x108  }
0x21: {  	s3 =	sadd.s32 s3, s9;
	s6 =	sadd.s32 @!p0 $0x88, s6;
	s7 =	simm.s32 @p2 $0x1082  }
0x22: {  	[simem:s7], [sflag:s8] =	dma.local @!p0 [hbm:s6], $0xF7A  }
0x23: {  	s9 =	sor.u32 $0xD0000000, s2;
	s6 =	simm.s32 $0x108;
	_ =	swait.ge @!p0 [sflag:s8], $0x0  }
0x24: {  	s3 =	sadd.s32 $0x88, s3;
	s6 =	simm.s32 @!p1 $0x1082;
	[sflag:s4] =	ssyncset.s32 $0xFFFFF086  }
0x25: {  	[simem:s6], [sflag:s4] =	dma.local [hbm:s3], $0xF7A  }
0x26: {  	[smem:$0x3F98] =	sst s1;
	(tag) =	ssettag s2;
	_ =	strace s9  }
0x27: {  	s1 =	sld [smem:$0x3FA8]  }
0x28: {  	s2 =	sld [smem:$0x3FA9]  }
0x29: {  	s4 =	sld [smem:$0x3FAB]  }
0x2a: {  	p0 =	seq.s32 s5, $0x0;
	s5 =	sld [smem:$0x3FAC]  }
0x2b: {  	s6 =	sld [smem:$0x3FAD]  }
0x2c: {  	s7 =	sld [smem:$0x3FAE]  }
0x2d: {  	s3 =	simm.s32 $0x108;
	s8 =	sld [smem:$0x3FAF]  }
0x2e: {  	s3 =	simm.s32 @!p0 $0x1082;
	s9 =	sld [smem:$0x3FB0]  }
0x2f: {  	lr =	sadd.s32 s0, s3;
	s0 =	sld [smem:$0x3FA7]  }
0x30: {  	s3 =	sld [smem:$0x3FAA]  }
0x31: {  	[smem:$0x3FB3] =	sst s10  }
0x32: {  	s10 =	sld [smem:$0x3FB1];
	_ =	sdelay $0x3  }
0x33: {  	p0 =	seq.s32 s10, $0x1;
	s10 =	sld [smem:$0x3FB3];
	_ =	sdelay $0x3  }
0x34: {  	[smem:$0x3FB3] =	sst s10  }
0x35: {  	s10 =	sld [smem:$0x3FB2];
	_ =	sdelay $0x3  }
0x36: {  	p1 =	seq.s32 s10, $0x1;
	s10 =	sld [smem:$0x3FB3];
	_ =	sdelay $0x3  }
0x37: {  	[smem:$0x3FB3] =	sst s10  }
0x38: {  	s10 =	sld [smem:$0x3FB4]  }
0x39: {  	_ = 	snop;
	(pc) =	sbr.ind lr, $3  }
0x3a: {  	_ = 	snop  }
0x3b: {  	_ = 	snop  }
0x3c: {  	p2 =	seq.s32 s10, $0x1;
	s10 =	sld [smem:$0x3FB3]  }
0x3d: {  	_ =	shalt  }
0x3e: {  	_ =	shalt  }
0x3f: {  	_ =	shalt  }
0x40: {  	_ =	shalt  }
0x41: {  	_ =	shalt  }
0x42: {  	_ =	shalt  }
0x43: {  	_ =	shalt  }
0x44: {  	_ =	shalt  }
0x45: {  	_ =	shalt  }
0x46: {  	_ =	shalt  }
0x47: {  	_ =	shalt  }
0x48: {  	_ =	shalt  }
0x49: {  	_ =	shalt  }
0x4a: {  	_ =	shalt  }
0x4b: {  	_ =	shalt  }
0x4c: {  	_ =	shalt  }
0x4d: {  	_ =	shalt  }
0x4e: {  	_ =	shalt  }
0x4f: {  	_ =	shalt  }
0x50: {  	_ =	shalt  }
0x51: {  	_ =	shalt  }
0x52: {  	_ =	shalt  }
0x53: {  	_ =	shalt  }
0x54: {  	_ =	shalt  }
0x55: {  	_ =	shalt  }
0x56: {  	_ =	shalt  }
0x57: {  	_ =	shalt  }
0x58: {  	_ =	shalt  }
0x59: {  	_ =	shalt  }
0x5a: {  	_ =	shalt  }
0x5b: {  	_ =	shalt  }
0x5c: {  	_ =	shalt  }
0x5d: {  	_ =	shalt  }
0x5e: {  	_ =	shalt  }
0x5f: {  	_ =	shalt  }
0x60: {  	_ =	shalt  }
0x61: {  	_ =	shalt  }
0x62: {  	_ =	shalt  }
0x63: {  	_ =	shalt  }
0x64: {  	_ =	shalt  }
0x65: {  	_ =	shalt  }
0x66: {  	_ =	shalt  }
0x67: {  	_ =	shalt  }
0x68: {  	_ =	shalt  }
0x69: {  	_ =	shalt  }
0x6a: {  	_ =	shalt  }
0x6b: {  	_ =	shalt  }
0x6c: {  	_ =	shalt  }
0x6d: {  	_ =	shalt  }
0x6e: {  	_ =	shalt  }
0x6f: {  	_ =	shalt  }
0x70: {  	_ =	shalt  }
0x71: {  	_ =	shalt  }
0x72: {  	_ =	shalt  }
0x73: {  	_ =	shalt  }
0x74: {  	_ =	shalt  }
0x75: {  	_ =	shalt  }
0x76: {  	_ =	shalt  }
0x77: {  	_ =	shalt  }
0x78: {  	_ =	shalt  }
0x79: {  	_ =	shalt  }
0x7a: {  	_ =	shalt  }
0x7b: {  	_ =	shalt  }
0x7c: {  	_ =	shalt  }
0x7d: {  	_ =	shalt  }
0x7e: {  	_ =	shalt  }
0x7f: {  	_ =	shalt  }
0x80: {  	_ =	shalt  }
0x81: {  	_ =	shalt  }
0x82: {  	_ =	shalt  }
0x83: {  	_ =	shalt  }
0x84: {  	_ =	shalt  }
0x85: {  	_ =	shalt  }
0x86: {  	_ =	shalt  }
0x87: {  	_ =	shalt  }
.Lfunc_end0:
.L_simem_size_0:
called_computation.1_lowered:
.L_overlay_start_0:
0x88: {  	s2 =	sld [smem:$0x3FD9]  }
0x89: {  	s3 =	sld [smem:$0x3FFE];
	_ =	sdelay $0x1  }
0x8a: {  	s1 =	srdreg.scid  }
0x8b: {  	s0 =	sand.u32 $0x1, s1  }
0x8c: {  	s17 =	sshll.u32 s0, $0xA;
	s2 =	sadd.s32 s3, s2  }
0x8d: {  	s2 =	sadd.s32 s2, s17  }
0x8e: {  	[smem:$0x3FBF] =	sst s2  }
0x8f: {  	_ = 	snop  }
0x90: {  	(tm) =	ssettm $0x1  }
0x91: {  	s18 =	sld [smem:$0x3FFB];
	_ =	sdelay $0x3  }
0x92: {  	_ =	strace s18  }
0x93: {  	s2 =	sld [smem:$0x3FFC];
	_ =	sdelay $0x3  }
0x94: {  	_ =	strace s2  }
0x95: {  	s2 =	sld [smem:$0x3FFD];
	_ =	sdelay $0x3  }
0x96: {  	_ =	strace s2  }
0x97: {  	_ =	strace $0x8FFFFFFF  }
0x98: {  	s19 =	sld [smem:$0x3FDB];
	_ =	sdelay $0x1  }
0x99: {  	s20 =	simm.s32 $_scs_section_size  }
0x9a: {  	s4 =	simm.s32 $_size__tile_overlayer_lowered;
	s5 =	simm.s32 $_tile_overlayer_lowered  }
0x9b: {  	s6 =	simm.s32 $0x1BFF;
	s21 =	sshll.u32 s5, $0x1;
	s3 =	sadd.s32 s20, s19  }
0x9c: {  	s22 =	simm.s32 $0x0;
	s4 =	sshll.u32 s4, $0x1;
	s5 =	sadd.s32 s21, s3  }
0x9d: {  	[timem:s22], [sflag:s6] =	dma.local [hbm:s5], s4  }
0x9e: {  	_ =	swait.ge [sflag:s6], s4  }
0x9f: {  	s4 =	ssub.s32 $0x0, s4;
	[sflag:s6] =	ssyncset.done $0x0  }
0xa0: {  	[sflag:s6] =	ssyncadd.s32 s4;
	_ =	sdelay $0x1  }
0xa1: {  	s23 =	simm.s32 $0x1B8B  }
0xa2: {  	_ =	swait.ge [sflag:s23], $0x1  }
0xa3: {  	[sflag:s23] =	ssyncset.done $0x0  }
0xa4: {  	[sflag:s23] =	ssyncadd.s32 $0xFFFFFFFF  }
0xa5: {  	s4 =	sld [smem:$0x0]  }
0xa6: {  	s5 =	sand.u32 $0xFFFFFFFE, s1  }
0xa7: {  	p0 =	sne.s32 s1, s5  }
0xa8: {  	s5 =	sshll.u32 @p0 s5, $0xE  }
0xa9: {  	s5 =	sadd.s32 @p0 $0x11B8D, s5;
	s6 =	sshll.u32 @p0 s4, $0x11  }
0xaa: {  	s5 =	sor.u32 @p0 s6, s5  }
0xab: {  	[sflag:s5] =	ssyncadd.remote.s32 @p0 $0x1;
	_ =	sdelay $0x1  }
0xac: {  	s5 =	simm.s32 @p0 $0x1B8D  }
0xad: {  	_ =	swait.eq @p0 [sflag:s5], $0x1  }
0xae: {  	[sflag:s5] =	ssyncadd.s32 @p0 $0xFFFFFFFF  }
0xaf: {  	s6 =	sshll.u32 @!p0 s1, $0xE  }
0xb0: {  	s6 =	sor.u32 @!p0 $0x4000, s6;
	s5 =	simm.s32 @!p0 $0x1B8D  }
0xb1: {  	s4 =	sshll.u32 @!p0 s4, $0x11;
	s6 =	sadd.s32 @!p0 $0x11B8D, s6;
	_ =	swait.eq @!p0 [sflag:s5], $0x1  }
0xb2: {  	s4 =	sor.u32 @!p0 s4, s6;
	[sflag:s5] =	ssyncadd.s32 @!p0 $0xFFFFFFFF  }
0xb3: {  	s25 =	simm.s32 $0x1B8E;
	s24 =	sld [smem:$0x3FFE];
	[sflag:s4] =	ssyncadd.remote.s32 @!p0 $0x1  }
0xb4: {  	s26 =	simm.s32 $execute0_lowered;
	[smem:$0x3FD2] =	sst s25  }
0xb5: {  	s5 =	sshll.u32 s26, $0x1;
	_ =	strace $0x80000049;
	[dreg:$0x1] =	wrdreg $0xFFFFFFFF  }
0xb6: {  	s28 =	simm.s32 $_size_execute0_lowered;
	s3 =	sadd.s32 s3, s5;
	[dreg:$0x0] =	wrdreg $0x0  }
0xb7: {  	s5 =	sshll.u32 s28, $0x1;
	[dreg:$0x2] =	wrdreg s3  }
0xb8: {  	[dreg:$0x3] =	wrdreg s5  }
0xb9: {  	[dreg:$0x4] =	wrdreg $0xC0  }
0xba: {  	_ =	task [dreg:s22], $0x5FFFF  }
0xbb: {  	[dreg:$0x1] =	wrdreg $0xFFFFFFFF  }
0xbc: {  	[dreg:$0x0] =	wrdreg $0x60  }
0xbd: {  	[dreg:$0x2] =	wrdreg s24  }
0xbe: {  	[dreg:$0x3] =	wrdreg $0xA  }
0xbf: {  	_ =	task.clear_ibuf [dreg:s22], $0x4FFFF;
	_ =	strace $0x90000049  }
0xc0: {  	s29 =	simm.s32 $0xA;
	_ =	strace $0x8000004B  }
0xc1: {  	_ =	swait.ge [sflag:s29], $0x1  }
0xc2: {  	[sflag:s29] =	ssyncadd.s32 $0xFFFFFFFF  }
0xc3: {  	_ =	strace $0x9000004B  }
0xc4: {  	_ =	sfence  }
0xc5: {  	s30 =	sld [smem:$0x0];
	_ =	sdelay $0x2  }
0xc6: {  	s31 =	sshll.u32 s1, $0xD;
	s1 =	sshrl.u32 s1, $0x2  }
0xc7: {  	s4 =	sand.u32 $0x4000, s31;
	s1 =	sadd.s32 s1, s30  }
0xc8: {  	s0 =	sor.u32 s4, s0;
	s1 =	sshll.u32 s1, $0x11  }
0xc9: {  	s0 =	sor.u32 s1, s0  }
0xca: {  	s0 =	sadd.s32 $0x8F2B, s0  }
0xcb: {  	[sflag:s0] =	ssyncadd.remote.s32 $0x1  }
0xcc: {  	_ =	sfence.sel $0xFFFF  }
0xcd: {  	[dreg:$0x0] =	wrdreg $0xFFFFFFFF;
	(pc) =	sbr.abs _section_cstart, $3  }
0xce: {  	[dreg:$0x1] =	wrdreg $0xFFFFFFFF  }
0xcf: {  	_ =	task.clear_ibuf [dreg:s22], $0x2FFFF;
	_ =	strace $0x9FFFFFFF  }
0xd0: {  	(tm) =	ssettm $0x7FFFFFFF  }
0xd1: {  	_ =	shalt  }
tec
execute0_lowered:
.L_overlay_start_1:
0x0: {  	(tag) =	ssettag $0x1  }
0x1: {  	s1 =	srdreg.scid  }
0x2: {  	s0 =	stileid.u32;
	s26 =	sand.u32 $0x1, s1  }
0x3: {  	s9 =	rddreg [dreg:$0x0];
	s3 =	sshll.u32 s0, $0xD;
	s4 =	sshll.u32 s26, $0xC  }
0x4: {  	s2 =	simm.s32 $0x0;
	s1 =	rddreg [dreg:$0x1];
	s25 =	sor.u32 s4, s3  }
0x5: {  	[smem:$0x7FF] =	sst s2;
	s24 =	sadd.s32 $0x88200, s9;
	s3 =	sshrl.u32 s25, $0x3  }
0x6: {  	_ =	strace $0x8000004A;
	s4 =	simm.s32 $0x3;
	s3 =	sadd.s32 s24, s3  }
0x7: {  	[tilespmem:s2], [sflag:$0x3] =	stream.linear.gather [hbm4b:s3+s2], $0x200, $0x38;
	[tilespmem:$0x8400] =	vst v63  }
0x8: {  	_ =	swait.ge [sflag:s4], $0x200  }
0x9: {  	s6 =	simm.s32 $0x200;
	s7 =	simm.s32 $0x400;
	[sflag:s4] =	ssyncset.done $0x0  }
0xa: {  	s8 =	simm.s32 $0x1;
	s5 =	sadd.s32 $0x2200, s9;
	[sflag:s4] =	ssyncadd.s32 $0xFFFFFE00  }
0xb: {  	[tilespmem:s7], [sflag:$0x1] =	stream.indirect.gather [hbm4b:s5+s6], $0x20, s2, s6, $0xb8;
	[tilespmem:$0x8400] =	vst v63  }
0xc: {  	s28 =	sadd.s32 $0x8C200, s9;
	_ =	swait.ge [sflag:s8], $0x4000  }
0xd: {  	s30 =	sshll.u32 s25, $0x2;
	s13 =	sor.u32 $0x200, s25;
	[sflag:s8] =	ssyncset.done $0x0  }
0xe: {  	s9 =	sadd.s32 s28, s30;
	s10 =	sshrl.u32 s13, $0x3;
	[sflag:s8] =	ssyncadd.s32 $0xFFFFC000  }
0xf: {  	[hbm4b:s9+s2] =	stream.linear.scatter [tilespmem:s7], [sflag:$0x1], $0x4000, $0x38;
	[tilespmem:$0x8400] =	vst v63  }
0x10: {  	s10 =	sadd.s32 s24, s10  }
0x11: {  	[tilespmem:s6], [sflag:$0x3] =	stream.linear.gather [hbm4b:s10+s2], $0x200, $0x38;
	[tilespmem:$0x8400] =	vst v63  }
0x12: {  	_ =	swait.ge [sflag:s4], $0x200  }
0x13: {  	[sflag:s4] =	ssyncset.done $0x0  }
0x14: {  	s12 =	simm.s32 $0x4400;
	s11 =	simm.s32 $0x2;
	[sflag:s4] =	ssyncadd.s32 $0xFFFFFE00  }
0x15: {  	[tilespmem:s12], [sflag:$0x2] =	stream.indirect.gather [hbm4b:s5+s6], $0x20, s6, s6, $0xb8;
	[tilespmem:$0x8400] =	vst v63  }
0x16: {  	_ =	swait.ge [sflag:s11], $0x4000  }
0x17: {  	s13 =	sshll.u32 s13, $0x2;
	[sflag:s11] =	ssyncset.done $0x0  }
0x18: {  	s13 =	sadd.s32 s28, s13;
	[sflag:s11] =	ssyncadd.s32 $0xFFFFC000  }
0x19: {  	[hbm4b:s13+s2] =	stream.linear.scatter [tilespmem:s12], [sflag:$0x2], $0x4000, $0x38;
	[tilespmem:$0x8400] =	vst v63  }
0x1a: {  	s15 =	sor.u32 $0x400, s25;
	_ =	swait.ge [sflag:s8], $0x4000  }
0x1b: {  	s14 =	sshrl.u32 s15, $0x3;
	[sflag:s8] =	ssyncset.done $0x0  }
0x1c: {  	s14 =	sadd.s32 s24, s14;
	[sflag:s8] =	ssyncadd.s32 $0xFFFFC000  }
0x1d: {  	[tilespmem:s2], [sflag:$0x3] =	stream.linear.gather [hbm4b:s14+s2], $0x200, $0x38;
	[tilespmem:$0x8400] =	vst v63  }
0x1e: {  	_ =	swait.ge [sflag:s4], $0x200  }
0x1f: {  	[sflag:s4] =	ssyncset.done $0x0  }
0x20: {  	[sflag:s4] =	ssyncadd.s32 $0xFFFFFE00  }
0x21: {  	[tilespmem:s7], [sflag:$0x1] =	stream.indirect.gather [hbm4b:s5+s6], $0x20, s2, s6, $0xb8;
	[tilespmem:$0x8400] =	vst v63  }
0x22: {  	_ =	swait.ge [sflag:s8], $0x4000  }
0x23: {  	s15 =	sshll.u32 s15, $0x2;
	[sflag:s8] =	ssyncset.done $0x0  }
0x24: {  	s15 =	sadd.s32 s28, s15;
	[sflag:s8] =	ssyncadd.s32 $0xFFFFC000  }
0x25: {  	[hbm4b:s15+s2] =	stream.linear.scatter [tilespmem:s7], [sflag:$0x1], $0x4000, $0x38;
	[tilespmem:$0x8400] =	vst v63  }
0x26: {  	s17 =	sor.u32 $0x600, s25;
	_ =	swait.ge [sflag:s11], $0x4000  }
0x27: {  	s16 =	sshrl.u32 s17, $0x3;
	[sflag:s11] =	ssyncset.done $0x0  }
0x28: {  	s16 =	sadd.s32 s24, s16;
	[sflag:s11] =	ssyncadd.s32 $0xFFFFC000  }
0x29: {  	[tilespmem:s6], [sflag:$0x3] =	stream.linear.gather [hbm4b:s16+s2], $0x200, $0x38;
	[tilespmem:$0x8400] =	vst v63  }
0x2a: {  	_ =	swait.ge [sflag:s4], $0x200  }
0x2b: {  	[sflag:s4] =	ssyncset.done $0x0  }
0x2c: {  	[sflag:s4] =	ssyncadd.s32 $0xFFFFFE00  }
0x2d: {  	[tilespmem:s12], [sflag:$0x2] =	stream.indirect.gather [hbm4b:s5+s6], $0x20, s6, s6, $0xb8;
	[tilespmem:$0x8400] =	vst v63  }
0x2e: {  	_ =	swait.ge [sflag:s11], $0x4000  }
0x2f: {  	s17 =	sshll.u32 s17, $0x2;
	[sflag:s11] =	ssyncset.done $0x0  }
0x30: {  	s17 =	sadd.s32 s28, s17;
	[sflag:s11] =	ssyncadd.s32 $0xFFFFC000  }
0x31: {  	[hbm4b:s17+s2] =	stream.linear.scatter [tilespmem:s12], [sflag:$0x2], $0x4000, $0x38;
	[tilespmem:$0x8400] =	vst v63  }
0x32: {  	s19 =	sor.u32 $0x800, s25;
	_ =	swait.ge [sflag:s8], $0x4000  }
0x33: {  	s18 =	sshrl.u32 s19, $0x3;
	[sflag:s8] =	ssyncset.done $0x0  }
0x34: {  	s18 =	sadd.s32 s24, s18;
	[sflag:s8] =	ssyncadd.s32 $0xFFFFC000  }
0x35: {  	[tilespmem:s2], [sflag:$0x3] =	stream.linear.gather [hbm4b:s18+s2], $0x200, $0x38;
	[tilespmem:$0x8400] =	vst v63  }
0x36: {  	_ =	swait.ge [sflag:s4], $0x200  }
0x37: {  	[sflag:s4] =	ssyncset.done $0x0  }
0x38: {  	[sflag:s4] =	ssyncadd.s32 $0xFFFFFE00  }
0x39: {  	[tilespmem:s7], [sflag:$0x1] =	stream.indirect.gather [hbm4b:s5+s6], $0x20, s2, s6, $0xb8;
	[tilespmem:$0x8400] =	vst v63  }
0x3a: {  	_ =	swait.ge [sflag:s8], $0x4000  }
0x3b: {  	s19 =	sshll.u32 s19, $0x2;
	[sflag:s8] =	ssyncset.done $0x0  }
0x3c: {  	s19 =	sadd.s32 s28, s19;
	[sflag:s8] =	ssyncadd.s32 $0xFFFFC000  }
0x3d: {  	[hbm4b:s19+s2] =	stream.linear.scatter [tilespmem:s7], [sflag:$0x1], $0x4000, $0x38;
	[tilespmem:$0x8400] =	vst v63  }
0x3e: {  	s21 =	sor.u32 $0xA00, s25;
	_ =	swait.ge [sflag:s11], $0x4000  }
0x3f: {  	s20 =	sshrl.u32 s21, $0x3;
	[sflag:s11] =	ssyncset.done $0x0  }
0x40: {  	s20 =	sadd.s32 s24, s20;
	[sflag:s11] =	ssyncadd.s32 $0xFFFFC000  }
0x41: {  	[tilespmem:s6], [sflag:$0x3] =	stream.linear.gather [hbm4b:s20+s2], $0x200, $0x38;
	[tilespmem:$0x8400] =	vst v63  }
0x42: {  	_ =	swait.ge [sflag:s4], $0x200  }
0x43: {  	[sflag:s4] =	ssyncset.done $0x0  }
0x44: {  	[sflag:s4] =	ssyncadd.s32 $0xFFFFFE00  }
0x45: {  	[tilespmem:s12], [sflag:$0x2] =	stream.indirect.gather [hbm4b:s5+s6], $0x20, s6, s6, $0xb8;
	[tilespmem:$0x8400] =	vst v63  }
0x46: {  	_ =	swait.ge [sflag:s11], $0x4000  }
0x47: {  	s21 =	sshll.u32 s21, $0x2;
	[sflag:s11] =	ssyncset.done $0x0  }
0x48: {  	s21 =	sadd.s32 s28, s21;
	[sflag:s11] =	ssyncadd.s32 $0xFFFFC000  }
0x49: {  	[hbm4b:s21+s2] =	stream.linear.scatter [tilespmem:s12], [sflag:$0x2], $0x4000, $0x38;
	[tilespmem:$0x8400] =	vst v63  }
0x4a: {  	s23 =	sor.u32 $0xC00, s25;
	_ =	swait.ge [sflag:s8], $0x4000  }
0x4b: {  	s22 =	sshrl.u32 s23, $0x3;
	[sflag:s8] =	ssyncset.done $0x0  }
0x4c: {  	s22 =	sadd.s32 s24, s22;
	[sflag:s8] =	ssyncadd.s32 $0xFFFFC000  }
0x4d: {  	[tilespmem:s2], [sflag:$0x3] =	stream.linear.gather [hbm4b:s22+s2], $0x200, $0x38;
	[tilespmem:$0x8400] =	vst v63  }
0x4e: {  	_ =	swait.ge [sflag:s4], $0x200  }
0x4f: {  	[sflag:s4] =	ssyncset.done $0x0  }
0x50: {  	[sflag:s4] =	ssyncadd.s32 $0xFFFFFE00  }
0x51: {  	[tilespmem:s7], [sflag:$0x1] =	stream.indirect.gather [hbm4b:s5+s6], $0x20, s2, s6, $0xb8;
	[tilespmem:$0x8400] =	vst v63  }
0x52: {  	_ =	swait.ge [sflag:s8], $0x4000  }
0x53: {  	s23 =	sshll.u32 s23, $0x2;
	[sflag:s8] =	ssyncset.done $0x0  }
0x54: {  	s23 =	sadd.s32 s28, s23;
	[sflag:s8] =	ssyncadd.s32 $0xFFFFC000  }
0x55: {  	[hbm4b:s23+s2] =	stream.linear.scatter [tilespmem:s7], [sflag:$0x1], $0x4000, $0x38;
	[tilespmem:$0x8400] =	vst v63  }
0x56: {  	s25 =	sor.u32 $0xE00, s25;
	_ =	swait.ge [sflag:s11], $0x4000  }
0x57: {  	s29 =	sshrl.u32 s25, $0x3;
	[sflag:s11] =	ssyncset.done $0x0  }
0x58: {  	s24 =	sadd.s32 s24, s29;
	[sflag:s11] =	ssyncadd.s32 $0xFFFFC000  }
0x59: {  	[tilespmem:s6], [sflag:$0x3] =	stream.linear.gather [hbm4b:s24+s2], $0x200, $0x38;
	[tilespmem:$0x8400] =	vst v63  }
0x5a: {  	_ =	swait.ge [sflag:s4], $0x200  }
0x5b: {  	s26 =	ssub.s32 $0x2, s26;
	[sflag:s4] =	ssyncset.done $0x0  }
0x5c: {  	s31 =	sshrl.u32 s26, $0x1;
	[sflag:s4] =	ssyncadd.s32 $0xFFFFFE00  }
0x5d: {  	[tilespmem:s12], [sflag:$0x2] =	stream.indirect.gather [hbm4b:s5+s6], $0x20, s6, s6, $0xb8;
	[tilespmem:$0x8400] =	vst v63  }
0x5e: {  	s26 =	ssub.s32 s26, s31;
	_ =	swait.ge [sflag:s11], $0x4000  }
0x5f: {  	s25 =	sshll.u32 s25, $0x2;
	s26 =	smax.u32 s26, $0x1;
	[sflag:s11] =	ssyncset.done $0x0  }
0x60: {  	s25 =	sadd.s32 s28, s25;
	p0 =	sne.s32 s26, $0x1;
	[sflag:s11] =	ssyncadd.s32 $0xFFFFC000  }
0x61: {  	[hbm4b:s25+s2] =	stream.linear.scatter [tilespmem:s12], [sflag:$0x2], $0x4000, $0x38;
	[tilespmem:$0x8400] =	vst v63  }
.Ltmp0:
0x62: {  	_ =	swait.ge [sflag:s8], $0x4000;
	(pc) =	sbr.rel @!p0 .LBB2_2-.Ltmp0, $4  }
0x63: {  	[sflag:s8] =	ssyncset.done $0x0  }
0x64: {  	[sflag:s8] =	ssyncadd.s32 $0xFFFFC000  }
0x65: {  	_ =	swait.ge [sflag:s11], $0x4000  }
0x66: {  	s26 =	sadd.s32 $0xFFFFFFFF, s26;
	[sflag:s11] =	ssyncset.done $0x0  }
.LBB2_1:
0x67: {  	p0 =	sne.s32 s26, $0x1;
	s26 =	sadd.s32 $0xFFFFFFFF, s26;
	[sflag:s11] =	ssyncadd.s32 $0xFFFFC000  }
0x68: {  	[tilespmem:s2], [sflag:$0x3] =	stream.linear.gather [hbm4b:s3+s2], $0x200, $0x38;
	[tilespmem:$0x8400] =	vst v63  }
0x69: {  	_ =	swait.ge [sflag:s4], $0x200  }
0x6a: {  	[sflag:s4] =	ssyncset.done $0x0  }
0x6b: {  	[sflag:s4] =	ssyncadd.s32 $0xFFFFFE00  }
0x6c: {  	[tilespmem:s7], [sflag:$0x1] =	stream.indirect.gather [hbm4b:s5+s6], $0x20, s2, s6, $0xb8;
	[tilespmem:$0x8400] =	vst v63  }
0x6d: {  	_ =	swait.ge [sflag:s8], $0x4000  }
0x6e: {  	[sflag:s8] =	ssyncset.done $0x0  }
0x6f: {  	[sflag:s8] =	ssyncadd.s32 $0xFFFFC000  }
0x70: {  	[hbm4b:s9+s2] =	stream.linear.scatter [tilespmem:s7], [sflag:$0x1], $0x4000, $0x38;
	[tilespmem:$0x8400] =	vst v63  }
0x71: {  	_ = 	snop  }
0x72: {  	[tilespmem:s6], [sflag:$0x3] =	stream.linear.gather [hbm4b:s10+s2], $0x200, $0x38;
	[tilespmem:$0x8400] =	vst v63  }
0x73: {  	_ =	swait.ge [sflag:s4], $0x200  }
0x74: {  	[sflag:s4] =	ssyncset.done $0x0  }
0x75: {  	[sflag:s4] =	ssyncadd.s32 $0xFFFFFE00  }
0x76: {  	[tilespmem:s12], [sflag:$0x2] =	stream.indirect.gather [hbm4b:s5+s6], $0x20, s6, s6, $0xb8;
	[tilespmem:$0x8400] =	vst v63  }
0x77: {  	_ =	swait.ge [sflag:s11], $0x4000  }
0x78: {  	[sflag:s11] =	ssyncset.done $0x0  }
0x79: {  	[sflag:s11] =	ssyncadd.s32 $0xFFFFC000  }
0x7a: {  	[hbm4b:s13+s2] =	stream.linear.scatter [tilespmem:s12], [sflag:$0x2], $0x4000, $0x38;
	[tilespmem:$0x8400] =	vst v63  }
0x7b: {  	_ =	swait.ge [sflag:s8], $0x4000  }
0x7c: {  	[sflag:s8] =	ssyncset.done $0x0  }
0x7d: {  	[sflag:s8] =	ssyncadd.s32 $0xFFFFC000  }
0x7e: {  	[tilespmem:s2], [sflag:$0x3] =	stream.linear.gather [hbm4b:s14+s2], $0x200, $0x38;
	[tilespmem:$0x8400] =	vst v63  }
0x7f: {  	_ =	swait.ge [sflag:s4], $0x200  }
0x80: {  	[sflag:s4] =	ssyncset.done $0x0  }
0x81: {  	[sflag:s4] =	ssyncadd.s32 $0xFFFFFE00  }
0x82: {  	[tilespmem:s7], [sflag:$0x1] =	stream.indirect.gather [hbm4b:s5+s6], $0x20, s2, s6, $0xb8;
	[tilespmem:$0x8400] =	vst v63  }
0x83: {  	_ =	swait.ge [sflag:s8], $0x4000  }
0x84: {  	[sflag:s8] =	ssyncset.done $0x0  }
0x85: {  	[sflag:s8] =	ssyncadd.s32 $0xFFFFC000  }
0x86: {  	[hbm4b:s15+s2] =	stream.linear.scatter [tilespmem:s7], [sflag:$0x1], $0x4000, $0x38;
	[tilespmem:$0x8400] =	vst v63  }
0x87: {  	_ =	swait.ge [sflag:s11], $0x4000  }
0x88: {  	[sflag:s11] =	ssyncset.done $0x0  }
0x89: {  	[sflag:s11] =	ssyncadd.s32 $0xFFFFC000  }
0x8a: {  	[tilespmem:s6], [sflag:$0x3] =	stream.linear.gather [hbm4b:s16+s2], $0x200, $0x38;
	[tilespmem:$0x8400] =	vst v63  }
0x8b: {  	_ =	swait.ge [sflag:s4], $0x200  }
0x8c: {  	[sflag:s4] =	ssyncset.done $0x0  }
0x8d: {  	[sflag:s4] =	ssyncadd.s32 $0xFFFFFE00  }
0x8e: {  	[tilespmem:s12], [sflag:$0x2] =	stream.indirect.gather [hbm4b:s5+s6], $0x20, s6, s6, $0xb8;
	[tilespmem:$0x8400] =	vst v63  }
0x8f: {  	_ =	swait.ge [sflag:s11], $0x4000  }
0x90: {  	[sflag:s11] =	ssyncset.done $0x0  }
0x91: {  	[sflag:s11] =	ssyncadd.s32 $0xFFFFC000  }
0x92: {  	[hbm4b:s17+s2] =	stream.linear.scatter [tilespmem:s12], [sflag:$0x2], $0x4000, $0x38;
	[tilespmem:$0x8400] =	vst v63  }
0x93: {  	_ =	swait.ge [sflag:s8], $0x4000  }
0x94: {  	[sflag:s8] =	ssyncset.done $0x0  }
0x95: {  	[sflag:s8] =	ssyncadd.s32 $0xFFFFC000  }
0x96: {  	[tilespmem:s2], [sflag:$0x3] =	stream.linear.gather [hbm4b:s18+s2], $0x200, $0x38;
	[tilespmem:$0x8400] =	vst v63  }
0x97: {  	_ =	swait.ge [sflag:s4], $0x200  }
0x98: {  	[sflag:s4] =	ssyncset.done $0x0  }
0x99: {  	[sflag:s4] =	ssyncadd.s32 $0xFFFFFE00  }
0x9a: {  	[tilespmem:s7], [sflag:$0x1] =	stream.indirect.gather [hbm4b:s5+s6], $0x20, s2, s6, $0xb8;
	[tilespmem:$0x8400] =	vst v63  }
0x9b: {  	_ =	swait.ge [sflag:s8], $0x4000  }
0x9c: {  	[sflag:s8] =	ssyncset.done $0x0  }
0x9d: {  	[sflag:s8] =	ssyncadd.s32 $0xFFFFC000  }
0x9e: {  	[hbm4b:s19+s2] =	stream.linear.scatter [tilespmem:s7], [sflag:$0x1], $0x4000, $0x38;
	[tilespmem:$0x8400] =	vst v63  }
0x9f: {  	_ =	swait.ge [sflag:s11], $0x4000  }
0xa0: {  	[sflag:s11] =	ssyncset.done $0x0  }
0xa1: {  	[sflag:s11] =	ssyncadd.s32 $0xFFFFC000  }
0xa2: {  	[tilespmem:s6], [sflag:$0x3] =	stream.linear.gather [hbm4b:s20+s2], $0x200, $0x38;
	[tilespmem:$0x8400] =	vst v63  }
0xa3: {  	_ =	swait.ge [sflag:s4], $0x200  }
0xa4: {  	[sflag:s4] =	ssyncset.done $0x0  }
0xa5: {  	[sflag:s4] =	ssyncadd.s32 $0xFFFFFE00  }
0xa6: {  	[tilespmem:s12], [sflag:$0x2] =	stream.indirect.gather [hbm4b:s5+s6], $0x20, s6, s6, $0xb8;
	[tilespmem:$0x8400] =	vst v63  }
0xa7: {  	_ =	swait.ge [sflag:s11], $0x4000  }
0xa8: {  	[sflag:s11] =	ssyncset.done $0x0  }
0xa9: {  	[sflag:s11] =	ssyncadd.s32 $0xFFFFC000  }
0xaa: {  	[hbm4b:s21+s2] =	stream.linear.scatter [tilespmem:s12], [sflag:$0x2], $0x4000, $0x38;
	[tilespmem:$0x8400] =	vst v63  }
0xab: {  	_ =	swait.ge [sflag:s8], $0x4000  }
0xac: {  	[sflag:s8] =	ssyncset.done $0x0  }
0xad: {  	[sflag:s8] =	ssyncadd.s32 $0xFFFFC000  }
0xae: {  	[tilespmem:s2], [sflag:$0x3] =	stream.linear.gather [hbm4b:s22+s2], $0x200, $0x38;
	[tilespmem:$0x8400] =	vst v63  }
0xaf: {  	_ =	swait.ge [sflag:s4], $0x200  }
0xb0: {  	[sflag:s4] =	ssyncset.done $0x0  }
0xb1: {  	[sflag:s4] =	ssyncadd.s32 $0xFFFFFE00  }
0xb2: {  	[tilespmem:s7], [sflag:$0x1] =	stream.indirect.gather [hbm4b:s5+s6], $0x20, s2, s6, $0xb8;
	[tilespmem:$0x8400] =	vst v63  }
0xb3: {  	_ =	swait.ge [sflag:s8], $0x4000  }
0xb4: {  	[sflag:s8] =	ssyncset.done $0x0  }
0xb5: {  	[sflag:s8] =	ssyncadd.s32 $0xFFFFC000  }
0xb6: {  	[hbm4b:s23+s2] =	stream.linear.scatter [tilespmem:s7], [sflag:$0x1], $0x4000, $0x38;
	[tilespmem:$0x8400] =	vst v63  }
0xb7: {  	_ =	swait.ge [sflag:s11], $0x4000  }
0xb8: {  	[sflag:s11] =	ssyncset.done $0x0  }
0xb9: {  	[sflag:s11] =	ssyncadd.s32 $0xFFFFC000  }
0xba: {  	[tilespmem:s6], [sflag:$0x3] =	stream.linear.gather [hbm4b:s24+s2], $0x200, $0x38;
	[tilespmem:$0x8400] =	vst v63  }
0xbb: {  	_ =	swait.ge [sflag:s4], $0x200  }
0xbc: {  	[sflag:s4] =	ssyncset.done $0x0  }
0xbd: {  	[sflag:s4] =	ssyncadd.s32 $0xFFFFFE00  }
0xbe: {  	[tilespmem:s12], [sflag:$0x2] =	stream.indirect.gather [hbm4b:s5+s6], $0x20, s6, s6, $0xb8;
	[tilespmem:$0x8400] =	vst v63  }
0xbf: {  	_ =	swait.ge [sflag:s11], $0x4000  }
0xc0: {  	[sflag:s11] =	ssyncset.done $0x0  }
0xc1: {  	[sflag:s11] =	ssyncadd.s32 $0xFFFFC000  }
0xc2: {  	[hbm4b:s25+s2] =	stream.linear.scatter [tilespmem:s12], [sflag:$0x2], $0x4000, $0x38;
	[tilespmem:$0x8400] =	vst v63  }
.Ltmp1:
0xc3: {  	_ =	swait.ge [sflag:s8], $0x4000;
	(pc) =	sbr.rel @p0 .LBB2_1-.Ltmp1, $4  }
0xc4: {  	[sflag:s8] =	ssyncset.done $0x0  }
0xc5: {  	[sflag:s8] =	ssyncadd.s32 $0xFFFFC000  }
0xc6: {  	_ =	swait.ge [sflag:s11], $0x4000  }
0xc7: {  	[sflag:s11] =	ssyncset.done $0x0  }
.LBB2_2:
0xc8: {  	[sflag:s11] =	ssyncadd.s32 $0xFFFFC000  }
0xc9: {  	_ =	sfence.sel $0x180000  }
0xca: {  	[bflag:$0x0] =	sbarrier.arrive $0xFFFF  }
0xcb: {  	p0 =	sne.s32 s0, $0x0;
	_ =	strace $0x9000004A  }
0xcc: {  	s0 =	sadd.s32 @!p0 $0x100000, s1;
	[bflag:$0x2] =	sbarrier.arrive $0xFFFF  }
0xcd: {  	[sflag:s0] =	ssyncadd.tile.s32 @!p0 $0x1;
	_ =	shalt  }
.Lfunc_end2:
_tile_overlayer_lowered:
.L_overlay_start_2:
0xce: {  	(tag) =	ssettag $0x2  }
0xcf: {  	s0 =	rddreg [dreg:$0x0];
	s2 =	stileid.u32  }
0xd0: {  	s1 =	rddreg [dreg:$0x1];
	p0 =	sne.s32 s2, $0x0  }
0xd1: {  	s3 =	rddreg [dreg:$0x2];
	[bflag:$0x3] =	sbarrier.arrive $0xFFFF;
	s2 =	simm.s32 @!p0 $0x1C03  }
0xd2: {  	[timem:s3], [sflag:s2] =	dma.local @!p0 [hbm:s0], s1  }
0xd3: {  	s0 =	simm.s32 @!p0 $0x3  }
0xd4: {  	_ =	swait.ge @!p0 [sflag:s0], s1  }
0xd5: {  	s1 =	ssub.s32 @!p0 $0x0, s1;
	[sflag:s0] =	ssyncset.done @!p0 $0x0  }
0xd6: {  	[sflag:s0] =	ssyncadd.s32 @!p0 s1  }
0xd7: {  	[bflag:$0x3] =	sbarrier.arrive $0xFFFF  }
0xd8: {  	_ =	shalt  }

</sc_bundles>
